<compile_context>
chip_gen: v7x
topology: tpu7x:2x2x1
jax: 0.10.2.dev20260603
libtpu: 0.0.44.dev20260713+nightly
codegen_flags: <defaults>
</compile_context>

<pallas_src>
import functools
import jax
import jax.numpy as jnp
from jax import lax
from jax.experimental import pallas as pl
from jax.experimental.pallas import tpu as pltpu
from jax.experimental.pallas import tpu_sc as plsc

N = 10000
E = 160000
B = 128
NPAD = 10240
NSLICE = NPAD // 16
C = 6400
GRID = E // C
EPT = E // 16
GK = 1000
NEG = -3.4e38

_f32 = jnp.float32
_i32 = jnp.int32


def _lrelu(x):
    return jnp.where(x >= 0, x, 0.01 * x)


def _prep_body(mem_ref, wproj_ref, bproj_ref, wl_ref, bl_ref, wr_ref, br_ref,
               qs_ref, wps_ref, bps_ref, qr_ref, qt_ref, wpt_ref, bpt_ref,
               nl_ref, nr_ref, qlr_ref):
    wproj = wproj_ref[...]
    wl = wl_ref[...]
    wr = wr_ref[...]
    bproj = bproj_ref[...]
    dot = functools.partial(jnp.dot, preferred_element_type=_f32)

    p = dot(mem_ref[...], wproj.T) + bproj
    nl_ref[...] = dot(p, wl[:, :64].T)
    nr_ref[...] = dot(p, wr[:, :64].T)

    qsv = dot(qs_ref[...], wps_ref[...].T) + bps_ref[...]
    qrv = dot(qr_ref[...], wproj.T) + bproj
    qtv = dot(qt_ref[...], wpt_ref[...].T) + bpt_ref[...]

    ql = (dot(qsv, wl[:, 128:160].T) + dot(qrv, wl[:, 160:224].T)
          + dot(qtv, wl[:, 224:256].T) + bl_ref[...])
    qr_out = (dot(qsv, wr[:, 128:160].T) + dot(qrv, wr[:, 160:224].T)
              + dot(qtv, wr[:, 224:256].T) + br_ref[...])
    qlr_ref[...] = jnp.concatenate([ql, qr_out], axis=1)


def _prep(mem, wproj, bproj, wl, bl, wr, br, qs, wps, bps, qr, qt, wpt, bpt):
    outs = [
        jax.ShapeDtypeStruct((N, 64), _f32),
        jax.ShapeDtypeStruct((N, 64), _f32),
        jax.ShapeDtypeStruct((B, 128), _f32),
    ]
    return pl.pallas_call(_prep_body, out_shape=outs)(
        mem, wproj, bproj, wl, bl, wr, br, qs, wps, bps, qr, qt, wpt, bpt)


def _gather_body(nl_hbm, nr_hbm, ii_hbm, ij_hbm, glr_hbm,
                 idx2, rows2, gs0, gs1, ws0, ws1):
    wid = lax.axis_index("s") * 2 + lax.axis_index("c")
    base = wid * (E // 32)
    nch = E // 32 // GK
    steps = []
    for col, (tab, idx_hbm) in enumerate(((nl_hbm, ii_hbm), (nr_hbm, ij_hbm))):
        for ch in range(nch):
            steps.append((tab, idx_hbm, col * 64, base + ch * GK))
    gs = (gs0, gs1)
    ws = (ws0, ws1)
    n = len(steps)

    def start_gather(k):
        tab, ih, _, off = steps[k]
        b = k % 2
        pltpu.sync_copy(ih.at[pl.ds(off, GK)], idx2.at[b])
        return pltpu.async_copy(tab.at[idx2.at[b]], rows2.at[b], gs[b])

    gh = {0: start_gather(0)}
    wh = {}
    for k in range(n):
        b = k % 2
        if k + 1 < n:
            if k - 1 >= 0:
                wh[k - 1].wait()
            gh[k + 1] = start_gather(k + 1)
        gh[k].wait()
        _, _, col, off = steps[k]
        wh[k] = pltpu.async_copy(
            rows2.at[b], glr_hbm.at[pl.ds(off, GK), pl.ds(col, 64)], ws[b])
    wh[n - 2].wait()
    wh[n - 1].wait()


def _gather(nl, nr, ii, ij):
    mesh = plsc.VectorSubcoreMesh(core_axis_name="c", subcore_axis_name="s",
                                  num_cores=2, num_subcores=16)
    fn = pl.kernel(
        _gather_body,
        out_type=jax.ShapeDtypeStruct((E, 128), _f32),
        mesh=mesh,
        scratch_types=[pltpu.VMEM((2, GK), _i32),
                       pltpu.VMEM((2, GK, 64), _f32),
                       pltpu.SemaphoreType.DMA,
                       pltpu.SemaphoreType.DMA,
                       pltpu.SemaphoreType.DMA,
                       pltpu.SemaphoreType.DMA],
        compiler_params=pltpu.CompilerParams(use_tc_tiling_on_sc=False),
    )
    return fn(nl, nr, ii, ij)


def _logits_body(rel_ref, glr_ref, eg_ref, wproj_ref, bproj_ref,
                 wl_ref, wr_ref, qlr_ref, wc_ref, bc_ref, out_ref):
    d = functools.partial(jnp.dot, preferred_element_type=_f32)
    rel_emb = d(rel_ref[...], wproj_ref[...].T) + bproj_ref[...]
    rel_l = d(rel_emb, wl_ref[...][:, 64:128].T)
    rel_r = d(rel_emb, wr_ref[...][:, 64:128].T)
    eg = eg_ref[0, 0, :]
    onehot = (eg[:, None]
              == lax.broadcasted_iota(_i32, (C, B), 1)).astype(jnp.bfloat16)
    qlr = qlr_ref[...]
    qh = qlr.astype(jnp.bfloat16)
    ql = (qlr - qh.astype(_f32)).astype(jnp.bfloat16)
    q = d(onehot, qh) + d(onehot, ql)
    glr = glr_ref[...]
    pre_l = rel_l + q[:, :64] + glr[:, :64]
    pre_r = rel_r + q[:, 64:] + glr[:, 64:]
    lh = _lrelu(pre_l)
    rh = d(_lrelu(pre_r), wc_ref[...].T) + bc_ref[...]
    out_ref[0, 0, :] = jnp.sum((lh * rh).T, axis=0)


def _logits(rel, glr, eg3, wproj, bproj, wl, wr, qlr, wc, bc):
    full = lambda shape: pl.BlockSpec(shape, lambda i: (0,) * len(shape))
    return pl.pallas_call(
        _logits_body,
        grid=(GRID,),
        in_specs=[
            pl.BlockSpec((C, 256), lambda i: (i, 0)),
            pl.BlockSpec((C, 128), lambda i: (i, 0)),
            pl.BlockSpec((1, 1, C), lambda i: (i, 0, 0)),
            full((64, 256)),
            full((1, 64)),
            full((64, 256)),
            full((64, 256)),
            full((B, 128)),
            full((64, 64)),
            full((1, 64)),
        ],
        out_specs=pl.BlockSpec((1, 1, C), lambda i: (i, 0, 0)),
        out_shape=jax.ShapeDtypeStruct((GRID, 1, C), _f32),
    )(rel, glr, eg3, wproj, bproj, wl, wr, qlr, wc, bc)


def _sm_fill(ref, value):
    def body(k, _):
        ref[pl.ds(k * 16, 16)] = jnp.full((16,), value, _f32)
        return 0
    lax.fori_loop(0, NPAD // 16, body, 0)


def _softmax_body(log_hbm, ii_hbm, natt_hbm, out_hbm,
                  logv, idxv, ev, loc, mrg, tmp, stage, mst, sem):
    del sem
    c = lax.axis_index("c")
    s = lax.axis_index("s")
    base = s * EPT
    pltpu.sync_copy(log_hbm.at[pl.ds(base, EPT)], logv)
    pltpu.sync_copy(ii_hbm.at[pl.ds(base, EPT)], idxv)

    _sm_fill(loc, NEG)

    def seg_max_group(g, _):
        idx = idxv[pl.ds(g * 16, 16)]
        val = logv[pl.ds(g * 16, 16)]
        cur = plsc.load_gather(loc, [idx])
        mask = val > cur

        def cond(m):
            return jnp.any(m)

        def body(m):
            plsc.store_scatter(loc, [idx], val, mask=m)
            cur2 = plsc.load_gather(loc, [idx])
            return val > cur2

        lax.while_loop(cond, body, mask)
        return 0

    lax.fori_loop(0, EPT // 16, seg_max_group, 0)

    def merge(op):
        pltpu.sync_copy(loc, stage.at[s])
        plsc.subcore_barrier()
        col = s * NSLICE
        pltpu.sync_copy(stage.at[:, pl.ds(col, NSLICE)], tmp)

        def acc(v, _):
            sl = pl.ds(v * 16, 16)
            x = tmp[0, sl]
            for k in range(1, 16):
                x = op(x, tmp[k, sl])
            mrg[pl.ds(col + v * 16, 16)] = x
            return 0

        lax.fori_loop(0, NSLICE // 16, acc, 0)
        pltpu.sync_copy(mrg.at[pl.ds(col, NSLICE)],
                        mst.at[pl.ds(col, NSLICE)])
        plsc.subcore_barrier()
        pltpu.sync_copy(mst, mrg)

    merge(jnp.maximum)

    _sm_fill(loc, 0.0)

    def exp_group(g, _):
        sl = pl.ds(g * 16, 16)
        idx = idxv[sl]
        m = plsc.load_gather(mrg, [idx])
        e = jnp.exp(logv[sl] - m)
        ev[sl] = e
        plsc.addupdate_scatter(loc, [idx], e)
        return 0

    lax.fori_loop(0, EPT // 16, exp_group, 0)

    merge(jnp.add)

    pltpu.sync_copy(natt_hbm, loc.at[pl.ds(0, N)])

    def fac(v, _):
        sl = pl.ds(v * 16, 16)
        loc[sl] = loc[sl] / mrg[sl]
        return 0

    lax.fori_loop(0, N // 16, fac, 0)

    def out_group(g, _):
        sl = pl.ds(g * 16, 16)
        ev[sl] = ev[sl] * plsc.load_gather(loc, [idxv[sl]])
        return 0

    lax.fori_loop(0, EPT // 16, out_group, 0)

    @pl.when(c == 0)
    def _():
        pltpu.sync_copy(ev, out_hbm.at[pl.ds(base, EPT)])


def _softmax(logits, ii, natt):
    mesh = plsc.VectorSubcoreMesh(core_axis_name="c", subcore_axis_name="s",
                                  num_cores=2, num_subcores=16)
    fn = pl.kernel(
        _softmax_body,
        out_type=jax.ShapeDtypeStruct((E,), _f32),
        mesh=mesh,
        scratch_types=[
            pltpu.VMEM((EPT,), _f32),
            pltpu.VMEM((EPT,), _i32),
            pltpu.VMEM((EPT,), _f32),
            pltpu.VMEM((NPAD,), _f32),
            pltpu.VMEM((NPAD,), _f32),
            pltpu.VMEM((16, NSLICE), _f32),
            pltpu.VMEM_SHARED((16, NPAD), _f32),
            pltpu.VMEM_SHARED((NPAD,), _f32),
            pltpu.SemaphoreType.DMA,
        ],
        compiler_params=pltpu.CompilerParams(needs_layout_passes=False),
    )
    return fn(logits, ii, natt)


def kernel(attended_nodes, node_attention, selected_edges_l,
           memorized_embedding, rel_emb_l, query_src_emb, query_rel_emb,
           query_time_emb, W_proj, b_proj, W_ps, b_ps, W_pt, b_pt,
           W_left, b_left, W_right, b_right, W_center, b_center):
    del attended_nodes
    edges = selected_edges_l[-1]
    eg = edges[:, 0].astype(_i32)
    ii = edges[:, 6].astype(_i32)
    ij = edges[:, 7].astype(_i32)
    rel = rel_emb_l[-1]

    row = lambda v: v.reshape(1, -1)
    nl, nr, qlr = _prep(
        memorized_embedding, W_proj, row(b_proj), W_left, row(b_left),
        W_right, row(b_right), query_src_emb, W_ps, row(b_ps),
        query_rel_emb, query_time_emb, W_pt, row(b_pt))

    glr = _gather(nl, nr, ii, ij)

    logits3 = _logits(rel, glr, eg.reshape(GRID, 1, C), W_proj,
                      row(b_proj), W_left, W_right, qlr,
                      W_center, row(b_center))
    logits = logits3.reshape(E)

    return _softmax(logits, ii, node_attention)

# --- scband reference (transcript-rebuilt; emitter-appended) ---
"""Pipeline reference for scband-attention-flow-34969623724767 (READ-ONLY COPY).

The authoritative reference and input builder live on the scoring server;
editing this copy changes nothing except your own understanding.
"""

import jax, jax.numpy as jnp
import numpy as np


def _lrelu(x):
    return jax.nn.leaky_relu(x, negative_slope=0.01)


def setup_inputs(seed: int = 0) -> dict:
    key = jax.random.key(seed)
    ks = jax.random.split(key, 28)
    B, E, N = 128, 160000, 10000
    n_dims, n_sm = 256, 64
    se_dim, te_dim = 128, 128
    se_sm, te_sm = 32, 32  # int(128*64/256)
    g_in = 3 * n_sm + se_sm + te_sm  # 256

    eg = jax.random.randint(ks[0], (E,), 0, B)
    vi = jax.random.randint(ks[1], (E,), 0, N)
    ti = jax.random.randint(ks[2], (E,), 0, 1000)
    vj = jax.random.randint(ks[3], (E,), 0, N)
    tj = jax.random.randint(ks[4], (E,), 0, 1000)
    rel_id = jax.random.randint(ks[5], (E,), 0, 200)
    idx_i = jax.random.randint(ks[6], (E,), 0, N)
    idx_j = jax.random.randint(ks[7], (E,), 0, N)
    selected_edges_l = jnp.stack([eg, vi, ti, vj, tj, rel_id, idx_i, idx_j], axis=1)[None]  # [1, E, 8]

    inp = {
        'attended_nodes': jax.random.randint(ks[8], (B, 4), 0, N),
        'node_attention': jax.random.uniform(ks[9], (N,), dtype=jnp.float32),
        'selected_edges_l': selected_edges_l,
        'memorized_embedding': jax.random.normal(ks[10], (N, n_dims), dtype=jnp.float32),
        'rel_emb_l': jax.random.normal(ks[11], (1, E, n_dims), dtype=jnp.float32),
        'query_src_emb': jax.random.normal(ks[12], (B, se_dim), dtype=jnp.float32),
        'query_rel_emb': jax.random.normal(ks[13], (B, n_dims), dtype=jnp.float32),
        'query_time_emb': jax.random.normal(ks[14], (B, te_dim), dtype=jnp.float32),
        # parameters
        'W_proj': jax.random.normal(ks[15], (n_sm, n_dims), dtype=jnp.float32) * np.sqrt(1.0 / n_dims),
        'b_proj': jnp.zeros((n_sm,), dtype=jnp.float32),
        'W_ps': jax.random.normal(ks[16], (se_sm, se_dim), dtype=jnp.float32) * np.sqrt(1.0 / se_dim),
        'b_ps': jnp.zeros((se_sm,), dtype=jnp.float32),
        'W_pt': jax.random.normal(ks[17], (te_sm, te_dim), dtype=jnp.float32) * np.sqrt(1.0 / te_dim),
        'b_pt': jnp.zeros((te_sm,), dtype=jnp.float32),
        'W_left': jax.random.normal(ks[18], (n_sm, g_in), dtype=jnp.float32) * np.sqrt(2.0 / g_in),
        'b_left': jnp.zeros((n_sm,), dtype=jnp.float32),
        'W_right': jax.random.normal(ks[19], (n_sm, g_in), dtype=jnp.float32) * np.sqrt(2.0 / g_in),
        'b_right': jnp.zeros((n_sm,), dtype=jnp.float32),
        'W_center': jax.random.normal(ks[20], (n_sm, n_sm), dtype=jnp.float32) * np.sqrt(1.0 / n_sm),
        'b_center': jnp.zeros((n_sm,), dtype=jnp.float32),
    }
    return inp


def reference(attended_nodes, node_attention, selected_edges_l, memorized_embedding,
              rel_emb_l, query_src_emb, query_rel_emb, query_time_emb,
              W_proj, b_proj, W_ps, b_ps, W_pt, b_pt,
              W_left, b_left, W_right, b_right, W_center, b_center):
    N = memorized_embedding.shape[0]
    edges = selected_edges_l[-1]  # [E, 8]
    eg_idx = edges[:, 0]
    idx_i = edges[:, -2]
    idx_j = edges[:, -1]

    # projections (proj_static_embed, proj, proj_temporal_embed)
    query_src_vec = query_src_emb @ W_ps.T + b_ps      # [B, 32]
    query_rel_vec = query_rel_emb @ W_proj.T + b_proj  # [B, 64]
    query_time_vec = query_time_emb @ W_pt.T + b_pt    # [B, 32]
    rel_emb = rel_emb_l[-1] @ W_proj.T + b_proj        # [E, 64]

    hidden_vi = jnp.take(memorized_embedding, idx_i, axis=0) @ W_proj.T + b_proj  # [E, 64]
    hidden_vj = jnp.take(memorized_embedding, idx_j, axis=0) @ W_proj.T + b_proj  # [E, 64]

    q_src_r = jnp.take(query_src_vec, eg_idx, axis=0)
    q_rel_r = jnp.take(query_rel_vec, eg_idx, axis=0)
    q_time_r = jnp.take(query_time_vec, eg_idx, axis=0)

    # transition_fn G: sum(lrelu(Wl left) * Wc(lrelu(Wr right)), -1)
    left_x = jnp.concatenate([hidden_vi, rel_emb, q_src_r, q_rel_r, q_time_r], axis=-1)
    right_x = jnp.concatenate([hidden_vj, rel_emb, q_src_r, q_rel_r, q_time_r], axis=-1)
    left_h = _lrelu(left_x @ W_left.T + b_left)
    right_h = _lrelu(right_x @ W_right.T + b_right) @ W_center.T + b_center
    transition_logits = jnp.sum(left_h * right_h, axis=-1)  # [E]

    # segment softmax over source-node index (segment_softmax_op_v2)
    seg_max = jax.ops.segment_max(transition_logits, idx_i, num_segments=N)
    shifted = transition_logits - jnp.take(seg_max, idx_i, axis=0)
    exp = jnp.exp(shifted)
    seg_sum = jax.ops.segment_sum(exp, idx_i, num_segments=N)
    transition_logits_softmax = exp / jnp.take(seg_sum, idx_i, axis=0)

    src_att = jnp.take(node_attention, idx_i, axis=0)
    target_att = transition_logits_softmax * src_att
    return target_att

if __name__ == "__main__":
    import jax
    _d = setup_inputs()
    print(jax.jit(kernel)(*tuple(_d.values())))

</pallas_src>

<mosaic_0001>
#map = affine_map<(d0, d1) -> (0)>
module attributes {stable_mosaic.version = 14 : i64} {
  func.func @_softmax_body(%arg0: i32, %arg1: i32, %arg2: memref<160000xf32, #tpu.memory_space<hbm>>, %arg3: memref<160000xi32, #tpu.memory_space<hbm>>, %arg4: memref<10000xf32, #tpu.memory_space<hbm>>, %arg5: memref<160000xf32, #tpu.memory_space<hbm>>, %arg6: memref<10000xf32, #tpu.memory_space<vmem>>, %arg7: memref<10000xi32, #tpu.memory_space<vmem>>, %arg8: memref<10000xf32, #tpu.memory_space<vmem>>, %arg9: memref<10240xf32, #tpu.memory_space<vmem>>, %arg10: memref<10240xf32, #tpu.memory_space<vmem>>, %arg11: memref<16x640xf32, #tpu.memory_space<vmem>>, %arg12: memref<16x10240xf32, #tpu.memory_space<vmem_shared>>, %arg13: memref<10240xf32, #tpu.memory_space<vmem_shared>>, %arg14: memref<!tpu.dma_semaphore, #tpu.memory_space<semaphore_mem>>) attributes {dimension_semantics = [#tpu.dimension_semantics<core_parallel>, #tpu.dimension_semantics<subcore_parallel>], iteration_bounds = array<i64: 2, 16>, scalar_prefetch = 0 : i64, scratch_operands = 9 : i64, tpu.core_type = #tpu.core_type<sc_vector_subcore>, window_params = [{transform_indices = #map}, {transform_indices = #map}, {transform_indices = #map}, {transform_indices = #map}]} {
    %mul3A = arith.constant 10000 : i32
    %mul3A_0 = arith.muli %arg1, %mul3A : i32
    "tpu.region"() ({
      %run_scoped3A = tpu.sem_alloc : memref<!tpu.dma_semaphore, #tpu.memory_space<semaphore_mem>>
      %dma_start3A = tpu.memref_slice %arg2[%mul3A_0] : memref<160000xf32, #tpu.memory_space<hbm>> -> memref<10000xf32, #tpu.memory_space<hbm>>
      %dma_start3A_65 = tpu.memref_slice %arg2[%mul3A_0] : memref<160000xf32, #tpu.memory_space<hbm>> -> memref<10000xf32, #tpu.memory_space<hbm>>
      tpu.enqueue_dma source(%dma_start3A_65 : memref<10000xf32, #tpu.memory_space<hbm>>) target(%arg6 : memref<10000xf32, #tpu.memory_space<vmem>>) target_semaphore(%run_scoped3A : memref<!tpu.dma_semaphore, #tpu.memory_space<semaphore_mem>>)
      %dma_wait3A = tpu.memref_slice %arg2[%mul3A_0] : memref<160000xf32, #tpu.memory_space<hbm>> -> memref<10000xf32, #tpu.memory_space<hbm>>
      %dma_wait3A_66 = tpu.memref_slice %arg2[%mul3A_0] : memref<160000xf32, #tpu.memory_space<hbm>> -> memref<10000xf32, #tpu.memory_space<hbm>>
      tpu.wait_dma2 semaphore(%run_scoped3A : memref<!tpu.dma_semaphore, #tpu.memory_space<semaphore_mem>>) src(%dma_wait3A_66 : memref<10000xf32, #tpu.memory_space<hbm>>) dst(%arg6 : memref<10000xf32, #tpu.memory_space<vmem>>)
      tpu.yield
    }) : () -> ()
    "tpu.region"() ({
      %run_scoped3A = tpu.sem_alloc : memref<!tpu.dma_semaphore, #tpu.memory_space<semaphore_mem>>
      %dma_start3A = tpu.memref_slice %arg3[%mul3A_0] : memref<160000xi32, #tpu.memory_space<hbm>> -> memref<10000xi32, #tpu.memory_space<hbm>>
      %dma_start3A_65 = tpu.memref_slice %arg3[%mul3A_0] : memref<160000xi32, #tpu.memory_space<hbm>> -> memref<10000xi32, #tpu.memory_space<hbm>>
      tpu.enqueue_dma source(%dma_start3A_65 : memref<10000xi32, #tpu.memory_space<hbm>>) target(%arg7 : memref<10000xi32, #tpu.memory_space<vmem>>) target_semaphore(%run_scoped3A : memref<!tpu.dma_semaphore, #tpu.memory_space<semaphore_mem>>)
      %dma_wait3A = tpu.memref_slice %arg3[%mul3A_0] : memref<160000xi32, #tpu.memory_space<hbm>> -> memref<10000xi32, #tpu.memory_space<hbm>>
      %dma_wait3A_66 = tpu.memref_slice %arg3[%mul3A_0] : memref<160000xi32, #tpu.memory_space<hbm>> -> memref<10000xi32, #tpu.memory_space<hbm>>
      tpu.wait_dma2 semaphore(%run_scoped3A : memref<!tpu.dma_semaphore, #tpu.memory_space<semaphore_mem>>) src(%dma_wait3A_66 : memref<10000xi32, #tpu.memory_space<hbm>>) dst(%arg7 : memref<10000xi32, #tpu.memory_space<vmem>>)
      tpu.yield
    }) : () -> ()
    %scan3A = arith.constant 0 : i32
    %scan3A_1 = arith.constant 0 : i32
    %scan3A_2 = arith.constant 640 : i32
    %scan3A_3 = arith.addi %scan3A_1, %scan3A_2 : i32
    %scan3A_4 = arith.constant 1 : i32
    %scan3A_5 = scf.for %scan3A_65 = %scan3A_1 to %scan3A_3 step %scan3A_4 iter_args(%scan3A_66 = %scan3A) -> (i32)  : i32 {
      %broadcast_in_dim3A = arith.constant -3.400000e+38 : f32
      %broadcast_in_dim3A_67 = vector.broadcast %broadcast_in_dim3A : f32 to vector<16xf32>
      %mul3A_68 = arith.constant 16 : i32
      %mul3A_69 = arith.muli %scan3A_65, %mul3A_68 : i32
      %swap3A = arith.index_cast %mul3A_69 : i32 to index
      %swap3A_70 = tpu.vector_load %arg9[%swap3A] {strides = array<i32>} : memref<10240xf32, #tpu.memory_space<vmem>>, vector<16xf32>,
      tpu.vector_store %arg9[%swap3A], %broadcast_in_dim3A_67 {strides = array<i32>} : memref<10240xf32, #tpu.memory_space<vmem>>, vector<16xf32>,
      %scan3A_71 = arith.constant 0 : i32
      scf.yield %scan3A_71 : i32
    }
    %scan3A_6 = arith.constant 640 : i32
    %scan3A_7 = arith.constant 0 : i32
    %scan3A_8 = arith.constant 0 : i32
    %scan3A_9 = arith.constant 625 : i32
    %scan3A_10 = arith.addi %scan3A_8, %scan3A_9 : i32
    %scan3A_11 = arith.constant 1 : i32
    %scan3A_12 = scf.for %scan3A_65 = %scan3A_8 to %scan3A_10 step %scan3A_11 iter_args(%scan3A_66 = %scan3A_7) -> (i32)  : i32 {
      %mul3A_67 = arith.constant 16 : i32
      %mul3A_68 = arith.muli %scan3A_65, %mul3A_67 : i32
      %get3A = arith.index_cast %mul3A_68 : i32 to index
      %get3A_69 = tpu.vector_load %arg7[%get3A] {strides = array<i32>} : memref<10000xi32, #tpu.memory_space<vmem>>, vector<16xi32>,
      %mul3A_70 = arith.constant 16 : i32
      %mul3A_71 = arith.muli %scan3A_65, %mul3A_70 : i32
      %get3A_72 = arith.index_cast %mul3A_71 : i32 to index
      %get3A_73 = tpu.vector_load %arg6[%get3A_72] {strides = array<i32>} : memref<10000xf32, #tpu.memory_space<vmem>>, vector<16xf32>,
      %gather3A = tpu.vector_load_idx %arg9[%get3A_69] : memref<10240xf32, #tpu.memory_space<vmem>>[vector<16xi32>], vector<16xf32>,
      %gt3A = arith.cmpf ogt, %get3A_73, %gather3A : vector<16xf32>
      %while3A = scf.while (%while3A_75 = %gt3A) : (vector<16xi1>) -> vector<16xi1> {
        %reduce_or3A = arith.constant 1.000000e+00 : f32
        %reduce_or3A_76 = arith.constant 0.000000e+00 : f32
        %reduce_or3A_77 = vector.broadcast %reduce_or3A : f32 to vector<16xf32>
        %reduce_or3A_78 = vector.broadcast %reduce_or3A_76 : f32 to vector<16xf32>
        %reduce_or3A_79 = arith.select %while3A_75, %reduce_or3A_77, %reduce_or3A_78 : vector<16xi1>, vector<16xf32>
        %reduce_or3A_80 = arith.constant true
        %reduce_or3A_81 = vector.broadcast %reduce_or3A_80 : i1 to vector<16xi1>
        %reduce_or3A_82 = tpu.scan <max>, %reduce_or3A_79 masked %reduce_or3A_81 : vector<16xf32>, vector<16xi1> -> vector<16xf32>
        %reduce_or3A_83 = vector.extract %reduce_or3A_82[15] : f32 from vector<16xf32>
        %reduce_or3A_84 = arith.constant 0.000000e+00 : f32
        %reduce_or3A_85 = arith.cmpf ogt, %reduce_or3A_83, %reduce_or3A_84 : f32
        scf.condition(%reduce_or3A_85) %while3A_75 : vector<16xi1>
      } do {
      ^bb0(%while3A_75: vector<16xi1>):
        tpu.vector_store_idx %arg9[%get3A_69], %get3A_73 masked %while3A_75 : memref<10240xf32, #tpu.memory_space<vmem>>[vector<16xi32>], vector<16xf32>, vector<16xi1>
        %gather3A_76 = tpu.vector_load_idx %arg9[%get3A_69] : memref<10240xf32, #tpu.memory_space<vmem>>[vector<16xi32>], vector<16xf32>,
        %gt3A_77 = arith.cmpf ogt, %get3A_73, %gather3A_76 : vector<16xf32>
        scf.yield %gt3A_77 : vector<16xi1>
      }
      %scan3A_74 = arith.constant 0 : i32
      scf.yield %scan3A_74 : i32
    }
    %scan3A_13 = arith.constant 625 : i32
    "tpu.region"() ({
      %run_scoped3A = tpu.sem_alloc : memref<!tpu.dma_semaphore, #tpu.memory_space<semaphore_mem>>
      %dma_start3A = arith.constant 0 : i32
      %dma_start3A_65 = tpu.memref_slice %arg12[%arg1, %dma_start3A] : memref<16x10240xf32, #tpu.memory_space<vmem_shared>> -> memref<1x10240xf32, #tpu.memory_space<vmem_shared>>
      %dma_start3A_66 = tpu.memref_squeeze %dma_start3A_65 : memref<1x10240xf32, #tpu.memory_space<vmem_shared>> -> memref<10240xf32, #tpu.memory_space<vmem_shared>>
      %dma_start3A_67 = arith.constant 0 : i32
      %dma_start3A_68 = tpu.memref_slice %arg12[%arg1, %dma_start3A_67] : memref<16x10240xf32, #tpu.memory_space<vmem_shared>> -> memref<1x10240xf32, #tpu.memory_space<vmem_shared>>
      %dma_start3A_69 = tpu.memref_squeeze %dma_start3A_68 : memref<1x10240xf32, #tpu.memory_space<vmem_shared>> -> memref<10240xf32, #tpu.memory_space<vmem_shared>>
      tpu.enqueue_dma source(%arg9 : memref<10240xf32, #tpu.memory_space<vmem>>) target(%dma_start3A_69 : memref<10240xf32, #tpu.memory_space<vmem_shared>>) target_semaphore(%run_scoped3A : memref<!tpu.dma_semaphore, #tpu.memory_space<semaphore_mem>>)
      %dma_wait3A = arith.constant 0 : i32
      %dma_wait3A_70 = tpu.memref_slice %arg12[%arg1, %dma_wait3A] : memref<16x10240xf32, #tpu.memory_space<vmem_shared>> -> memref<1x10240xf32, #tpu.memory_space<vmem_shared>>
      %dma_wait3A_71 = tpu.memref_squeeze %dma_wait3A_70 : memref<1x10240xf32, #tpu.memory_space<vmem_shared>> -> memref<10240xf32, #tpu.memory_space<vmem_shared>>
      %dma_wait3A_72 = arith.constant 0 : i32
      %dma_wait3A_73 = tpu.memref_slice %arg12[%arg1, %dma_wait3A_72] : memref<16x10240xf32, #tpu.memory_space<vmem_shared>> -> memref<1x10240xf32, #tpu.memory_space<vmem_shared>>
      %dma_wait3A_74 = tpu.memref_squeeze %dma_wait3A_73 : memref<1x10240xf32, #tpu.memory_space<vmem_shared>> -> memref<10240xf32, #tpu.memory_space<vmem_shared>>
      tpu.wait_dma2 semaphore(%run_scoped3A : memref<!tpu.dma_semaphore, #tpu.memory_space<semaphore_mem>>) src(%arg9 : memref<10240xf32, #tpu.memory_space<vmem>>) dst(%dma_wait3A_74 : memref<10240xf32, #tpu.memory_space<vmem_shared>>)
      tpu.yield
    }) : () -> ()
    %barrier3A = arith.constant 0 : index
    tpu.barrier barrier_id(%barrier3A)
    %mul3A_14 = arith.constant 640 : i32
    %mul3A_15 = arith.muli %arg1, %mul3A_14 : i32
    "tpu.region"() ({
      %run_scoped3A = tpu.sem_alloc : memref<!tpu.dma_semaphore, #tpu.memory_space<semaphore_mem>>
      %dma_start3A = arith.constant 0 : i32
      %dma_start3A_65 = tpu.memref_slice %arg12[%dma_start3A, %mul3A_15] : memref<16x10240xf32, #tpu.memory_space<vmem_shared>> -> memref<16x640xf32, #tpu.memory_space<vmem_shared>>
      %dma_start3A_66 = arith.constant 0 : i32
      %dma_start3A_67 = tpu.memref_slice %arg12[%dma_start3A_66, %mul3A_15] : memref<16x10240xf32, #tpu.memory_space<vmem_shared>> -> memref<16x640xf32, #tpu.memory_space<vmem_shared>>
      tpu.enqueue_dma source(%dma_start3A_67 : memref<16x640xf32, #tpu.memory_space<vmem_shared>>) target(%arg11 : memref<16x640xf32, #tpu.memory_space<vmem>>) target_semaphore(%run_scoped3A : memref<!tpu.dma_semaphore, #tpu.memory_space<semaphore_mem>>)
      %dma_wait3A = arith.constant 0 : i32
      %dma_wait3A_68 = tpu.memref_slice %arg12[%dma_wait3A, %mul3A_15] : memref<16x10240xf32, #tpu.memory_space<vmem_shared>> -> memref<16x640xf32, #tpu.memory_space<vmem_shared>>
      %dma_wait3A_69 = arith.constant 0 : i32
      %dma_wait3A_70 = tpu.memref_slice %arg12[%dma_wait3A_69, %mul3A_15] : memref<16x10240xf32, #tpu.memory_space<vmem_shared>> -> memref<16x640xf32, #tpu.memory_space<vmem_shared>>
      tpu.wait_dma2 semaphore(%run_scoped3A : memref<!tpu.dma_semaphore, #tpu.memory_space<semaphore_mem>>) src(%dma_wait3A_70 : memref<16x640xf32, #tpu.memory_space<vmem_shared>>) dst(%arg11 : memref<16x640xf32, #tpu.memory_space<vmem>>)
      tpu.yield
    }) : () -> ()
    %scan3A_16 = arith.constant 0 : i32
    %scan3A_17 = arith.constant 0 : i32
    %scan3A_18 = arith.constant 40 : i32
    %scan3A_19 = arith.addi %scan3A_17, %scan3A_18 : i32
    %scan3A_20 = arith.constant 1 : i32
    %scan3A_21 = scf.for %scan3A_65 = %scan3A_17 to %scan3A_19 step %scan3A_20 iter_args(%scan3A_66 = %scan3A_16) -> (i32)  : i32 {
      %mul3A_67 = arith.constant 16 : i32
      %mul3A_68 = arith.muli %scan3A_65, %mul3A_67 : i32
      %get3A = arith.constant 0 : i32
      %get3A_69 = arith.index_cast %get3A : i32 to index
      %get3A_70 = arith.index_cast %mul3A_68 : i32 to index
      %get3A_71 = tpu.vector_load %arg11[%get3A_69, %get3A_70] {strides = array<i32>} : memref<16x640xf32, #tpu.memory_space<vmem>>, vector<16xf32>,
      %get3A_72 = arith.constant 1 : i32
      %get3A_73 = arith.index_cast %get3A_72 : i32 to index
      %get3A_74 = arith.index_cast %mul3A_68 : i32 to index
      %get3A_75 = tpu.vector_load %arg11[%get3A_73, %get3A_74] {strides = array<i32>} : memref<16x640xf32, #tpu.memory_space<vmem>>, vector<16xf32>,
      %max3A = arith.maximumf %get3A_71, %get3A_75 : vector<16xf32>
      %get3A_76 = arith.constant 2 : i32
      %get3A_77 = arith.index_cast %get3A_76 : i32 to index
      %get3A_78 = arith.index_cast %mul3A_68 : i32 to index
      %get3A_79 = tpu.vector_load %arg11[%get3A_77, %get3A_78] {strides = array<i32>} : memref<16x640xf32, #tpu.memory_space<vmem>>, vector<16xf32>,
      %max3A_80 = arith.maximumf %max3A, %get3A_79 : vector<16xf32>
      %get3A_81 = arith.constant 3 : i32
      %get3A_82 = arith.index_cast %get3A_81 : i32 to index
      %get3A_83 = arith.index_cast %mul3A_68 : i32 to index
      %get3A_84 = tpu.vector_load %arg11[%get3A_82, %get3A_83] {strides = array<i32>} : memref<16x640xf32, #tpu.memory_space<vmem>>, vector<16xf32>,
      %max3A_85 = arith.maximumf %max3A_80, %get3A_84 : vector<16xf32>
      %get3A_86 = arith.constant 4 : i32
      %get3A_87 = arith.index_cast %get3A_86 : i32 to index
      %get3A_88 = arith.index_cast %mul3A_68 : i32 to index
      %get3A_89 = tpu.vector_load %arg11[%get3A_87, %get3A_88] {strides = array<i32>} : memref<16x640xf32, #tpu.memory_space<vmem>>, vector<16xf32>,
      %max3A_90 = arith.maximumf %max3A_85, %get3A_89 : vector<16xf32>
      %get3A_91 = arith.constant 5 : i32
      %get3A_92 = arith.index_cast %get3A_91 : i32 to index
      %get3A_93 = arith.index_cast %mul3A_68 : i32 to index
      %get3A_94 = tpu.vector_load %arg11[%get3A_92, %get3A_93] {strides = array<i32>} : memref<16x640xf32, #tpu.memory_space<vmem>>, vector<16xf32>,
      %max3A_95 = arith.maximumf %max3A_90, %get3A_94 : vector<16xf32>
      %get3A_96 = arith.constant 6 : i32
      %get3A_97 = arith.index_cast %get3A_96 : i32 to index
      %get3A_98 = arith.index_cast %mul3A_68 : i32 to index
      %get3A_99 = tpu.vector_load %arg11[%get3A_97, %get3A_98] {strides = array<i32>} : memref<16x640xf32, #tpu.memory_space<vmem>>, vector<16xf32>,
      %max3A_100 = arith.maximumf %max3A_95, %get3A_99 : vector<16xf32>
      %get3A_101 = arith.constant 7 : i32
      %get3A_102 = arith.index_cast %get3A_101 : i32 to index
      %get3A_103 = arith.index_cast %mul3A_68 : i32 to index
      %get3A_104 = tpu.vector_load %arg11[%get3A_102, %get3A_103] {strides = array<i32>} : memref<16x640xf32, #tpu.memory_space<vmem>>, vector<16xf32>,
      %max3A_105 = arith.maximumf %max3A_100, %get3A_104 : vector<16xf32>
      %get3A_106 = arith.constant 8 : i32
      %get3A_107 = arith.index_cast %get3A_106 : i32 to index
      %get3A_108 = arith.index_cast %mul3A_68 : i32 to index
      %get3A_109 = tpu.vector_load %arg11[%get3A_107, %get3A_108] {strides = array<i32>} : memref<16x640xf32, #tpu.memory_space<vmem>>, vector<16xf32>,
      %max3A_110 = arith.maximumf %max3A_105, %get3A_109 : vector<16xf32>
      %get3A_111 = arith.constant 9 : i32
      %get3A_112 = arith.index_cast %get3A_111 : i32 to index
      %get3A_113 = arith.index_cast %mul3A_68 : i32 to index
      %get3A_114 = tpu.vector_load %arg11[%get3A_112, %get3A_113] {strides = array<i32>} : memref<16x640xf32, #tpu.memory_space<vmem>>, vector<16xf32>,
      %max3A_115 = arith.maximumf %max3A_110, %get3A_114 : vector<16xf32>
      %get3A_116 = arith.constant 10 : i32
      %get3A_117 = arith.index_cast %get3A_116 : i32 to index
      %get3A_118 = arith.index_cast %mul3A_68 : i32 to index
      %get3A_119 = tpu.vector_load %arg11[%get3A_117, %get3A_118] {strides = array<i32>} : memref<16x640xf32, #tpu.memory_space<vmem>>, vector<16xf32>,
      %max3A_120 = arith.maximumf %max3A_115, %get3A_119 : vector<16xf32>
      %get3A_121 = arith.constant 11 : i32
      %get3A_122 = arith.index_cast %get3A_121 : i32 to index
      %get3A_123 = arith.index_cast %mul3A_68 : i32 to index
      %get3A_124 = tpu.vector_load %arg11[%get3A_122, %get3A_123] {strides = array<i32>} : memref<16x640xf32, #tpu.memory_space<vmem>>, vector<16xf32>,
      %max3A_125 = arith.maximumf %max3A_120, %get3A_124 : vector<16xf32>
      %get3A_126 = arith.constant 12 : i32
      %get3A_127 = arith.index_cast %get3A_126 : i32 to index
      %get3A_128 = arith.index_cast %mul3A_68 : i32 to index
      %get3A_129 = tpu.vector_load %arg11[%get3A_127, %get3A_128] {strides = array<i32>} : memref<16x640xf32, #tpu.memory_space<vmem>>, vector<16xf32>,
      %max3A_130 = arith.maximumf %max3A_125, %get3A_129 : vector<16xf32>
      %get3A_131 = arith.constant 13 : i32
      %get3A_132 = arith.index_cast %get3A_131 : i32 to index
      %get3A_133 = arith.index_cast %mul3A_68 : i32 to index
      %get3A_134 = tpu.vector_load %arg11[%get3A_132, %get3A_133] {strides = array<i32>} : memref<16x640xf32, #tpu.memory_space<vmem>>, vector<16xf32>,
      %max3A_135 = arith.maximumf %max3A_130, %get3A_134 : vector<16xf32>
      %get3A_136 = arith.constant 14 : i32
      %get3A_137 = arith.index_cast %get3A_136 : i32 to index
      %get3A_138 = arith.index_cast %mul3A_68 : i32 to index
      %get3A_139 = tpu.vector_load %arg11[%get3A_137, %get3A_138] {strides = array<i32>} : memref<16x640xf32, #tpu.memory_space<vmem>>, vector<16xf32>,
      %max3A_140 = arith.maximumf %max3A_135, %get3A_139 : vector<16xf32>
      %get3A_141 = arith.constant 15 : i32
      %get3A_142 = arith.index_cast %get3A_141 : i32 to index
      %get3A_143 = arith.index_cast %mul3A_68 : i32 to index
      %get3A_144 = tpu.vector_load %arg11[%get3A_142, %get3A_143] {strides = array<i32>} : memref<16x640xf32, #tpu.memory_space<vmem>>, vector<16xf32>,
      %max3A_145 = arith.maximumf %max3A_140, %get3A_144 : vector<16xf32>
      %mul3A_146 = arith.constant 16 : i32
      %mul3A_147 = arith.muli %scan3A_65, %mul3A_146 : i32
      %add3A = arith.addi %mul3A_15, %mul3A_147 : i32
      %swap3A = arith.index_cast %add3A : i32 to index
      %swap3A_148 = tpu.vector_load %arg10[%swap3A] {strides = array<i32>} : memref<10240xf32, #tpu.memory_space<vmem>>, vector<16xf32>,
      tpu.vector_store %arg10[%swap3A], %max3A_145 {strides = array<i32>} : memref<10240xf32, #tpu.memory_space<vmem>>, vector<16xf32>,
      %scan3A_149 = arith.constant 0 : i32
      scf.yield %scan3A_149 : i32
    }
    %scan3A_22 = arith.constant 40 : i32
    "tpu.region"() ({
      %run_scoped3A = tpu.sem_alloc : memref<!tpu.dma_semaphore, #tpu.memory_space<semaphore_mem>>
      %dma_start3A = tpu.memref_slice %arg10[%mul3A_15] : memref<10240xf32, #tpu.memory_space<vmem>> -> memref<640xf32, #tpu.memory_space<vmem>>
      %dma_start3A_65 = tpu.memref_slice %arg13[%mul3A_15] : memref<10240xf32, #tpu.memory_space<vmem_shared>> -> memref<640xf32, #tpu.memory_space<vmem_shared>>
      %dma_start3A_66 = tpu.memref_slice %arg13[%mul3A_15] : memref<10240xf32, #tpu.memory_space<vmem_shared>> -> memref<640xf32, #tpu.memory_space<vmem_shared>>
      %dma_start3A_67 = tpu.memref_slice %arg10[%mul3A_15] : memref<10240xf32, #tpu.memory_space<vmem>> -> memref<640xf32, #tpu.memory_space<vmem>>
      tpu.enqueue_dma source(%dma_start3A_67 : memref<640xf32, #tpu.memory_space<vmem>>) target(%dma_start3A_66 : memref<640xf32, #tpu.memory_space<vmem_shared>>) target_semaphore(%run_scoped3A : memref<!tpu.dma_semaphore, #tpu.memory_space<semaphore_mem>>)
      %dma_wait3A = tpu.memref_slice %arg10[%mul3A_15] : memref<10240xf32, #tpu.memory_space<vmem>> -> memref<640xf32, #tpu.memory_space<vmem>>
      %dma_wait3A_68 = tpu.memref_slice %arg13[%mul3A_15] : memref<10240xf32, #tpu.memory_space<vmem_shared>> -> memref<640xf32, #tpu.memory_space<vmem_shared>>
      %dma_wait3A_69 = tpu.memref_slice %arg13[%mul3A_15] : memref<10240xf32, #tpu.memory_space<vmem_shared>> -> memref<640xf32, #tpu.memory_space<vmem_shared>>
      %dma_wait3A_70 = tpu.memref_slice %arg10[%mul3A_15] : memref<10240xf32, #tpu.memory_space<vmem>> -> memref<640xf32, #tpu.memory_space<vmem>>
      tpu.wait_dma2 semaphore(%run_scoped3A : memref<!tpu.dma_semaphore, #tpu.memory_space<semaphore_mem>>) src(%dma_wait3A_70 : memref<640xf32, #tpu.memory_space<vmem>>) dst(%dma_wait3A_69 : memref<640xf32, #tpu.memory_space<vmem_shared>>)
      tpu.yield
    }) : () -> ()
    %barrier3A_23 = arith.constant 0 : index
    tpu.barrier barrier_id(%barrier3A_23)
    "tpu.region"() ({
      %run_scoped3A = tpu.sem_alloc : memref<!tpu.dma_semaphore, #tpu.memory_space<semaphore_mem>>
      tpu.enqueue_dma source(%arg13 : memref<10240xf32, #tpu.memory_space<vmem_shared>>) target(%arg10 : memref<10240xf32, #tpu.memory_space<vmem>>) target_semaphore(%run_scoped3A : memref<!tpu.dma_semaphore, #tpu.memory_space<semaphore_mem>>)
      tpu.wait_dma2 semaphore(%run_scoped3A : memref<!tpu.dma_semaphore, #tpu.memory_space<semaphore_mem>>) src(%arg13 : memref<10240xf32, #tpu.memory_space<vmem_shared>>) dst(%arg10 : memref<10240xf32, #tpu.memory_space<vmem>>)
      tpu.yield
    }) : () -> ()
    %scan3A_24 = arith.constant 0 : i32
    %scan3A_25 = arith.constant 0 : i32
    %scan3A_26 = arith.constant 640 : i32
    %scan3A_27 = arith.addi %scan3A_25, %scan3A_26 : i32
    %scan3A_28 = arith.constant 1 : i32
    %scan3A_29 = scf.for %scan3A_65 = %scan3A_25 to %scan3A_27 step %scan3A_28 iter_args(%scan3A_66 = %scan3A_24) -> (i32)  : i32 {
      %broadcast_in_dim3A = arith.constant 0.000000e+00 : f32
      %broadcast_in_dim3A_67 = vector.broadcast %broadcast_in_dim3A : f32 to vector<16xf32>
      %mul3A_68 = arith.constant 16 : i32
      %mul3A_69 = arith.muli %scan3A_65, %mul3A_68 : i32
      %swap3A = arith.index_cast %mul3A_69 : i32 to index
      %swap3A_70 = tpu.vector_load %arg9[%swap3A] {strides = array<i32>} : memref<10240xf32, #tpu.memory_space<vmem>>, vector<16xf32>,
      tpu.vector_store %arg9[%swap3A], %broadcast_in_dim3A_67 {strides = array<i32>} : memref<10240xf32, #tpu.memory_space<vmem>>, vector<16xf32>,
      %scan3A_71 = arith.constant 0 : i32
      scf.yield %scan3A_71 : i32
    }
    %scan3A_30 = arith.constant 640 : i32
    %scan3A_31 = arith.constant 0 : i32
    %scan3A_32 = arith.constant 0 : i32
    %scan3A_33 = arith.constant 625 : i32
    %scan3A_34 = arith.addi %scan3A_32, %scan3A_33 : i32
    %scan3A_35 = arith.constant 1 : i32
    %scan3A_36 = scf.for %scan3A_65 = %scan3A_32 to %scan3A_34 step %scan3A_35 iter_args(%scan3A_66 = %scan3A_31) -> (i32)  : i32 {
      %mul3A_67 = arith.constant 16 : i32
      %mul3A_68 = arith.muli %scan3A_65, %mul3A_67 : i32
      %get3A = arith.index_cast %mul3A_68 : i32 to index
      %get3A_69 = tpu.vector_load %arg7[%get3A] {strides = array<i32>} : memref<10000xi32, #tpu.memory_space<vmem>>, vector<16xi32>,
      %gather3A = tpu.vector_load_idx %arg10[%get3A_69] : memref<10240xf32, #tpu.memory_space<vmem>>[vector<16xi32>], vector<16xf32>,
      %get3A_70 = arith.index_cast %mul3A_68 : i32 to index
      %get3A_71 = tpu.vector_load %arg6[%get3A_70] {strides = array<i32>} : memref<10000xf32, #tpu.memory_space<vmem>>, vector<16xf32>,
      %sub3A = arith.subf %get3A_71, %gather3A : vector<16xf32>
      %exp3A = math.exp %sub3A : vector<16xf32>
      %swap3A = arith.index_cast %mul3A_68 : i32 to index
      %swap3A_72 = tpu.vector_load %arg8[%swap3A] {strides = array<i32>} : memref<10000xf32, #tpu.memory_space<vmem>>, vector<16xf32>,
      tpu.vector_store %arg8[%swap3A], %exp3A {strides = array<i32>} : memref<10000xf32, #tpu.memory_space<vmem>>, vector<16xf32>,
      tpu.vector_store_idx %arg9[%get3A_69], %exp3A {add = true} : memref<10240xf32, #tpu.memory_space<vmem>>[vector<16xi32>], vector<16xf32>,
      %scan3A_73 = arith.constant 0 : i32
      scf.yield %scan3A_73 : i32
    }
    %scan3A_37 = arith.constant 625 : i32
    "tpu.region"() ({
      %run_scoped3A = tpu.sem_alloc : memref<!tpu.dma_semaphore, #tpu.memory_space<semaphore_mem>>
      %dma_start3A = arith.constant 0 : i32
      %dma_start3A_65 = tpu.memref_slice %arg12[%arg1, %dma_start3A] : memref<16x10240xf32, #tpu.memory_space<vmem_shared>> -> memref<1x10240xf32, #tpu.memory_space<vmem_shared>>
      %dma_start3A_66 = tpu.memref_squeeze %dma_start3A_65 : memref<1x10240xf32, #tpu.memory_space<vmem_shared>> -> memref<10240xf32, #tpu.memory_space<vmem_shared>>
      %dma_start3A_67 = arith.constant 0 : i32
      %dma_start3A_68 = tpu.memref_slice %arg12[%arg1, %dma_start3A_67] : memref<16x10240xf32, #tpu.memory_space<vmem_shared>> -> memref<1x10240xf32, #tpu.memory_space<vmem_shared>>
      %dma_start3A_69 = tpu.memref_squeeze %dma_start3A_68 : memref<1x10240xf32, #tpu.memory_space<vmem_shared>> -> memref<10240xf32, #tpu.memory_space<vmem_shared>>
      tpu.enqueue_dma source(%arg9 : memref<10240xf32, #tpu.memory_space<vmem>>) target(%dma_start3A_69 : memref<10240xf32, #tpu.memory_space<vmem_shared>>) target_semaphore(%run_scoped3A : memref<!tpu.dma_semaphore, #tpu.memory_space<semaphore_mem>>)
      %dma_wait3A = arith.constant 0 : i32
      %dma_wait3A_70 = tpu.memref_slice %arg12[%arg1, %dma_wait3A] : memref<16x10240xf32, #tpu.memory_space<vmem_shared>> -> memref<1x10240xf32, #tpu.memory_space<vmem_shared>>
      %dma_wait3A_71 = tpu.memref_squeeze %dma_wait3A_70 : memref<1x10240xf32, #tpu.memory_space<vmem_shared>> -> memref<10240xf32, #tpu.memory_space<vmem_shared>>
      %dma_wait3A_72 = arith.constant 0 : i32
      %dma_wait3A_73 = tpu.memref_slice %arg12[%arg1, %dma_wait3A_72] : memref<16x10240xf32, #tpu.memory_space<vmem_shared>> -> memref<1x10240xf32, #tpu.memory_space<vmem_shared>>
      %dma_wait3A_74 = tpu.memref_squeeze %dma_wait3A_73 : memref<1x10240xf32, #tpu.memory_space<vmem_shared>> -> memref<10240xf32, #tpu.memory_space<vmem_shared>>
      tpu.wait_dma2 semaphore(%run_scoped3A : memref<!tpu.dma_semaphore, #tpu.memory_space<semaphore_mem>>) src(%arg9 : memref<10240xf32, #tpu.memory_space<vmem>>) dst(%dma_wait3A_74 : memref<10240xf32, #tpu.memory_space<vmem_shared>>)
      tpu.yield
    }) : () -> ()
    %barrier3A_38 = arith.constant 0 : index
    tpu.barrier barrier_id(%barrier3A_38)
    %mul3A_39 = arith.constant 640 : i32
    %mul3A_40 = arith.muli %arg1, %mul3A_39 : i32
    "tpu.region"() ({
      %run_scoped3A = tpu.sem_alloc : memref<!tpu.dma_semaphore, #tpu.memory_space<semaphore_mem>>
      %dma_start3A = arith.constant 0 : i32
      %dma_start3A_65 = tpu.memref_slice %arg12[%dma_start3A, %mul3A_40] : memref<16x10240xf32, #tpu.memory_space<vmem_shared>> -> memref<16x640xf32, #tpu.memory_space<vmem_shared>>
      %dma_start3A_66 = arith.constant 0 : i32
      %dma_start3A_67 = tpu.memref_slice %arg12[%dma_start3A_66, %mul3A_40] : memref<16x10240xf32, #tpu.memory_space<vmem_shared>> -> memref<16x640xf32, #tpu.memory_space<vmem_shared>>
      tpu.enqueue_dma source(%dma_start3A_67 : memref<16x640xf32, #tpu.memory_space<vmem_shared>>) target(%arg11 : memref<16x640xf32, #tpu.memory_space<vmem>>) target_semaphore(%run_scoped3A : memref<!tpu.dma_semaphore, #tpu.memory_space<semaphore_mem>>)
      %dma_wait3A = arith.constant 0 : i32
      %dma_wait3A_68 = tpu.memref_slice %arg12[%dma_wait3A, %mul3A_40] : memref<16x10240xf32, #tpu.memory_space<vmem_shared>> -> memref<16x640xf32, #tpu.memory_space<vmem_shared>>
      %dma_wait3A_69 = arith.constant 0 : i32
      %dma_wait3A_70 = tpu.memref_slice %arg12[%dma_wait3A_69, %mul3A_40] : memref<16x10240xf32, #tpu.memory_space<vmem_shared>> -> memref<16x640xf32, #tpu.memory_space<vmem_shared>>
      tpu.wait_dma2 semaphore(%run_scoped3A : memref<!tpu.dma_semaphore, #tpu.memory_space<semaphore_mem>>) src(%dma_wait3A_70 : memref<16x640xf32, #tpu.memory_space<vmem_shared>>) dst(%arg11 : memref<16x640xf32, #tpu.memory_space<vmem>>)
      tpu.yield
    }) : () -> ()
    %scan3A_41 = arith.constant 0 : i32
    %scan3A_42 = arith.constant 0 : i32
    %scan3A_43 = arith.constant 40 : i32
    %scan3A_44 = arith.addi %scan3A_42, %scan3A_43 : i32
    %scan3A_45 = arith.constant 1 : i32
    %scan3A_46 = scf.for %scan3A_65 = %scan3A_42 to %scan3A_44 step %scan3A_45 iter_args(%scan3A_66 = %scan3A_41) -> (i32)  : i32 {
      %mul3A_67 = arith.constant 16 : i32
      %mul3A_68 = arith.muli %scan3A_65, %mul3A_67 : i32
      %get3A = arith.constant 0 : i32
      %get3A_69 = arith.index_cast %get3A : i32 to index
      %get3A_70 = arith.index_cast %mul3A_68 : i32 to index
      %get3A_71 = tpu.vector_load %arg11[%get3A_69, %get3A_70] {strides = array<i32>} : memref<16x640xf32, #tpu.memory_space<vmem>>, vector<16xf32>,
      %get3A_72 = arith.constant 1 : i32
      %get3A_73 = arith.index_cast %get3A_72 : i32 to index
      %get3A_74 = arith.index_cast %mul3A_68 : i32 to index
      %get3A_75 = tpu.vector_load %arg11[%get3A_73, %get3A_74] {strides = array<i32>} : memref<16x640xf32, #tpu.memory_space<vmem>>, vector<16xf32>,
      %add3A = arith.addf %get3A_71, %get3A_75 : vector<16xf32>
      %get3A_76 = arith.constant 2 : i32
      %get3A_77 = arith.index_cast %get3A_76 : i32 to index
      %get3A_78 = arith.index_cast %mul3A_68 : i32 to index
      %get3A_79 = tpu.vector_load %arg11[%get3A_77, %get3A_78] {strides = array<i32>} : memref<16x640xf32, #tpu.memory_space<vmem>>, vector<16xf32>,
      %add3A_80 = arith.addf %add3A, %get3A_79 : vector<16xf32>
      %get3A_81 = arith.constant 3 : i32
      %get3A_82 = arith.index_cast %get3A_81 : i32 to index
      %get3A_83 = arith.index_cast %mul3A_68 : i32 to index
      %get3A_84 = tpu.vector_load %arg11[%get3A_82, %get3A_83] {strides = array<i32>} : memref<16x640xf32, #tpu.memory_space<vmem>>, vector<16xf32>,
      %add3A_85 = arith.addf %add3A_80, %get3A_84 : vector<16xf32>
      %get3A_86 = arith.constant 4 : i32
      %get3A_87 = arith.index_cast %get3A_86 : i32 to index
      %get3A_88 = arith.index_cast %mul3A_68 : i32 to index
      %get3A_89 = tpu.vector_load %arg11[%get3A_87, %get3A_88] {strides = array<i32>} : memref<16x640xf32, #tpu.memory_space<vmem>>, vector<16xf32>,
      %add3A_90 = arith.addf %add3A_85, %get3A_89 : vector<16xf32>
      %get3A_91 = arith.constant 5 : i32
      %get3A_92 = arith.index_cast %get3A_91 : i32 to index
      %get3A_93 = arith.index_cast %mul3A_68 : i32 to index
      %get3A_94 = tpu.vector_load %arg11[%get3A_92, %get3A_93] {strides = array<i32>} : memref<16x640xf32, #tpu.memory_space<vmem>>, vector<16xf32>,
      %add3A_95 = arith.addf %add3A_90, %get3A_94 : vector<16xf32>
      %get3A_96 = arith.constant 6 : i32
      %get3A_97 = arith.index_cast %get3A_96 : i32 to index
      %get3A_98 = arith.index_cast %mul3A_68 : i32 to index
      %get3A_99 = tpu.vector_load %arg11[%get3A_97, %get3A_98] {strides = array<i32>} : memref<16x640xf32, #tpu.memory_space<vmem>>, vector<16xf32>,
      %add3A_100 = arith.addf %add3A_95, %get3A_99 : vector<16xf32>
      %get3A_101 = arith.constant 7 : i32
      %get3A_102 = arith.index_cast %get3A_101 : i32 to index
      %get3A_103 = arith.index_cast %mul3A_68 : i32 to index
      %get3A_104 = tpu.vector_load %arg11[%get3A_102, %get3A_103] {strides = array<i32>} : memref<16x640xf32, #tpu.memory_space<vmem>>, vector<16xf32>,
      %add3A_105 = arith.addf %add3A_100, %get3A_104 : vector<16xf32>
      %get3A_106 = arith.constant 8 : i32
      %get3A_107 = arith.index_cast %get3A_106 : i32 to index
      %get3A_108 = arith.index_cast %mul3A_68 : i32 to index
      %get3A_109 = tpu.vector_load %arg11[%get3A_107, %get3A_108] {strides = array<i32>} : memref<16x640xf32, #tpu.memory_space<vmem>>, vector<16xf32>,
      %add3A_110 = arith.addf %add3A_105, %get3A_109 : vector<16xf32>
      %get3A_111 = arith.constant 9 : i32
      %get3A_112 = arith.index_cast %get3A_111 : i32 to index
      %get3A_113 = arith.index_cast %mul3A_68 : i32 to index
      %get3A_114 = tpu.vector_load %arg11[%get3A_112, %get3A_113] {strides = array<i32>} : memref<16x640xf32, #tpu.memory_space<vmem>>, vector<16xf32>,
      %add3A_115 = arith.addf %add3A_110, %get3A_114 : vector<16xf32>
      %get3A_116 = arith.constant 10 : i32
      %get3A_117 = arith.index_cast %get3A_116 : i32 to index
      %get3A_118 = arith.index_cast %mul3A_68 : i32 to index
      %get3A_119 = tpu.vector_load %arg11[%get3A_117, %get3A_118] {strides = array<i32>} : memref<16x640xf32, #tpu.memory_space<vmem>>, vector<16xf32>,
      %add3A_120 = arith.addf %add3A_115, %get3A_119 : vector<16xf32>
      %get3A_121 = arith.constant 11 : i32
      %get3A_122 = arith.index_cast %get3A_121 : i32 to index
      %get3A_123 = arith.index_cast %mul3A_68 : i32 to index
      %get3A_124 = tpu.vector_load %arg11[%get3A_122, %get3A_123] {strides = array<i32>} : memref<16x640xf32, #tpu.memory_space<vmem>>, vector<16xf32>,
      %add3A_125 = arith.addf %add3A_120, %get3A_124 : vector<16xf32>
      %get3A_126 = arith.constant 12 : i32
      %get3A_127 = arith.index_cast %get3A_126 : i32 to index
      %get3A_128 = arith.index_cast %mul3A_68 : i32 to index
      %get3A_129 = tpu.vector_load %arg11[%get3A_127, %get3A_128] {strides = array<i32>} : memref<16x640xf32, #tpu.memory_space<vmem>>, vector<16xf32>,
      %add3A_130 = arith.addf %add3A_125, %get3A_129 : vector<16xf32>
      %get3A_131 = arith.constant 13 : i32
      %get3A_132 = arith.index_cast %get3A_131 : i32 to index
      %get3A_133 = arith.index_cast %mul3A_68 : i32 to index
      %get3A_134 = tpu.vector_load %arg11[%get3A_132, %get3A_133] {strides = array<i32>} : memref<16x640xf32, #tpu.memory_space<vmem>>, vector<16xf32>,
      %add3A_135 = arith.addf %add3A_130, %get3A_134 : vector<16xf32>
      %get3A_136 = arith.constant 14 : i32
      %get3A_137 = arith.index_cast %get3A_136 : i32 to index
      %get3A_138 = arith.index_cast %mul3A_68 : i32 to index
      %get3A_139 = tpu.vector_load %arg11[%get3A_137, %get3A_138] {strides = array<i32>} : memref<16x640xf32, #tpu.memory_space<vmem>>, vector<16xf32>,
      %add3A_140 = arith.addf %add3A_135, %get3A_139 : vector<16xf32>
      %get3A_141 = arith.constant 15 : i32
      %get3A_142 = arith.index_cast %get3A_141 : i32 to index
      %get3A_143 = arith.index_cast %mul3A_68 : i32 to index
      %get3A_144 = tpu.vector_load %arg11[%get3A_142, %get3A_143] {strides = array<i32>} : memref<16x640xf32, #tpu.memory_space<vmem>>, vector<16xf32>,
      %add3A_145 = arith.addf %add3A_140, %get3A_144 : vector<16xf32>
      %mul3A_146 = arith.constant 16 : i32
      %mul3A_147 = arith.muli %scan3A_65, %mul3A_146 : i32
      %add3A_148 = arith.addi %mul3A_40, %mul3A_147 : i32
      %swap3A = arith.index_cast %add3A_148 : i32 to index
      %swap3A_149 = tpu.vector_load %arg10[%swap3A] {strides = array<i32>} : memref<10240xf32, #tpu.memory_space<vmem>>, vector<16xf32>,
      tpu.vector_store %arg10[%swap3A], %add3A_145 {strides = array<i32>} : memref<10240xf32, #tpu.memory_space<vmem>>, vector<16xf32>,
      %scan3A_150 = arith.constant 0 : i32
      scf.yield %scan3A_150 : i32
    }
    %scan3A_47 = arith.constant 40 : i32
    "tpu.region"() ({
      %run_scoped3A = tpu.sem_alloc : memref<!tpu.dma_semaphore, #tpu.memory_space<semaphore_mem>>
      %dma_start3A = tpu.memref_slice %arg10[%mul3A_40] : memref<10240xf32, #tpu.memory_space<vmem>> -> memref<640xf32, #tpu.memory_space<vmem>>
      %dma_start3A_65 = tpu.memref_slice %arg13[%mul3A_40] : memref<10240xf32, #tpu.memory_space<vmem_shared>> -> memref<640xf32, #tpu.memory_space<vmem_shared>>
      %dma_start3A_66 = tpu.memref_slice %arg13[%mul3A_40] : memref<10240xf32, #tpu.memory_space<vmem_shared>> -> memref<640xf32, #tpu.memory_space<vmem_shared>>
      %dma_start3A_67 = tpu.memref_slice %arg10[%mul3A_40] : memref<10240xf32, #tpu.memory_space<vmem>> -> memref<640xf32, #tpu.memory_space<vmem>>
      tpu.enqueue_dma source(%dma_start3A_67 : memref<640xf32, #tpu.memory_space<vmem>>) target(%dma_start3A_66 : memref<640xf32, #tpu.memory_space<vmem_shared>>) target_semaphore(%run_scoped3A : memref<!tpu.dma_semaphore, #tpu.memory_space<semaphore_mem>>)
      %dma_wait3A = tpu.memref_slice %arg10[%mul3A_40] : memref<10240xf32, #tpu.memory_space<vmem>> -> memref<640xf32, #tpu.memory_space<vmem>>
      %dma_wait3A_68 = tpu.memref_slice %arg13[%mul3A_40] : memref<10240xf32, #tpu.memory_space<vmem_shared>> -> memref<640xf32, #tpu.memory_space<vmem_shared>>
      %dma_wait3A_69 = tpu.memref_slice %arg13[%mul3A_40] : memref<10240xf32, #tpu.memory_space<vmem_shared>> -> memref<640xf32, #tpu.memory_space<vmem_shared>>
      %dma_wait3A_70 = tpu.memref_slice %arg10[%mul3A_40] : memref<10240xf32, #tpu.memory_space<vmem>> -> memref<640xf32, #tpu.memory_space<vmem>>
      tpu.wait_dma2 semaphore(%run_scoped3A : memref<!tpu.dma_semaphore, #tpu.memory_space<semaphore_mem>>) src(%dma_wait3A_70 : memref<640xf32, #tpu.memory_space<vmem>>) dst(%dma_wait3A_69 : memref<640xf32, #tpu.memory_space<vmem_shared>>)
      tpu.yield
    }) : () -> ()
    %barrier3A_48 = arith.constant 0 : index
    tpu.barrier barrier_id(%barrier3A_48)
    "tpu.region"() ({
      %run_scoped3A = tpu.sem_alloc : memref<!tpu.dma_semaphore, #tpu.memory_space<semaphore_mem>>
      tpu.enqueue_dma source(%arg13 : memref<10240xf32, #tpu.memory_space<vmem_shared>>) target(%arg10 : memref<10240xf32, #tpu.memory_space<vmem>>) target_semaphore(%run_scoped3A : memref<!tpu.dma_semaphore, #tpu.memory_space<semaphore_mem>>)
      tpu.wait_dma2 semaphore(%run_scoped3A : memref<!tpu.dma_semaphore, #tpu.memory_space<semaphore_mem>>) src(%arg13 : memref<10240xf32, #tpu.memory_space<vmem_shared>>) dst(%arg10 : memref<10240xf32, #tpu.memory_space<vmem>>)
      tpu.yield
    }) : () -> ()
    "tpu.region"() ({
      %run_scoped3A = tpu.sem_alloc : memref<!tpu.dma_semaphore, #tpu.memory_space<semaphore_mem>>
      %dma_start3A = arith.constant 0 : i32
      %dma_start3A_65 = tpu.memref_slice %arg9[%dma_start3A] : memref<10240xf32, #tpu.memory_space<vmem>> -> memref<10000xf32, #tpu.memory_space<vmem>>
      %dma_start3A_66 = arith.constant 0 : i32
      %dma_start3A_67 = tpu.memref_slice %arg9[%dma_start3A_66] : memref<10240xf32, #tpu.memory_space<vmem>> -> memref<10000xf32, #tpu.memory_space<vmem>>
      tpu.enqueue_dma source(%arg4 : memref<10000xf32, #tpu.memory_space<hbm>>) target(%dma_start3A_67 : memref<10000xf32, #tpu.memory_space<vmem>>) target_semaphore(%run_scoped3A : memref<!tpu.dma_semaphore, #tpu.memory_space<semaphore_mem>>)
      %dma_wait3A = arith.constant 0 : i32
      %dma_wait3A_68 = tpu.memref_slice %arg9[%dma_wait3A] : memref<10240xf32, #tpu.memory_space<vmem>> -> memref<10000xf32, #tpu.memory_space<vmem>>
      %dma_wait3A_69 = arith.constant 0 : i32
      %dma_wait3A_70 = tpu.memref_slice %arg9[%dma_wait3A_69] : memref<10240xf32, #tpu.memory_space<vmem>> -> memref<10000xf32, #tpu.memory_space<vmem>>
      tpu.wait_dma2 semaphore(%run_scoped3A : memref<!tpu.dma_semaphore, #tpu.memory_space<semaphore_mem>>) src(%arg4 : memref<10000xf32, #tpu.memory_space<hbm>>) dst(%dma_wait3A_70 : memref<10000xf32, #tpu.memory_space<vmem>>)
      tpu.yield
    }) : () -> ()
    %scan3A_49 = arith.constant 0 : i32
    %scan3A_50 = arith.constant 0 : i32
    %scan3A_51 = arith.constant 625 : i32
    %scan3A_52 = arith.addi %scan3A_50, %scan3A_51 : i32
    %scan3A_53 = arith.constant 1 : i32
    %scan3A_54 = scf.for %scan3A_65 = %scan3A_50 to %scan3A_52 step %scan3A_53 iter_args(%scan3A_66 = %scan3A_49) -> (i32)  : i32 {
      %mul3A_67 = arith.constant 16 : i32
      %mul3A_68 = arith.muli %scan3A_65, %mul3A_67 : i32
      %get3A = arith.index_cast %mul3A_68 : i32 to index
      %get3A_69 = tpu.vector_load %arg9[%get3A] {strides = array<i32>} : memref<10240xf32, #tpu.memory_space<vmem>>, vector<16xf32>,
      %get3A_70 = arith.index_cast %mul3A_68 : i32 to index
      %get3A_71 = tpu.vector_load %arg10[%get3A_70] {strides = array<i32>} : memref<10240xf32, #tpu.memory_space<vmem>>, vector<16xf32>,
      %div3A = arith.divf %get3A_69, %get3A_71 : vector<16xf32>
      %swap3A = arith.index_cast %mul3A_68 : i32 to index
      %swap3A_72 = tpu.vector_load %arg9[%swap3A] {strides = array<i32>} : memref<10240xf32, #tpu.memory_space<vmem>>, vector<16xf32>,
      tpu.vector_store %arg9[%swap3A], %div3A {strides = array<i32>} : memref<10240xf32, #tpu.memory_space<vmem>>, vector<16xf32>,
      %scan3A_73 = arith.constant 0 : i32
      scf.yield %scan3A_73 : i32
    }
    %scan3A_55 = arith.constant 625 : i32
    %scan3A_56 = arith.constant 0 : i32
    %scan3A_57 = arith.constant 0 : i32
    %scan3A_58 = arith.constant 625 : i32
    %scan3A_59 = arith.addi %scan3A_57, %scan3A_58 : i32
    %scan3A_60 = arith.constant 1 : i32
    %scan3A_61 = scf.for %scan3A_65 = %scan3A_57 to %scan3A_59 step %scan3A_60 iter_args(%scan3A_66 = %scan3A_56) -> (i32)  : i32 {
      %mul3A_67 = arith.constant 16 : i32
      %mul3A_68 = arith.muli %scan3A_65, %mul3A_67 : i32
      %get3A = arith.index_cast %mul3A_68 : i32 to index
      %get3A_69 = tpu.vector_load %arg8[%get3A] {strides = array<i32>} : memref<10000xf32, #tpu.memory_space<vmem>>, vector<16xf32>,
      %get3A_70 = arith.index_cast %mul3A_68 : i32 to index
      %get3A_71 = tpu.vector_load %arg7[%get3A_70] {strides = array<i32>} : memref<10000xi32, #tpu.memory_space<vmem>>, vector<16xi32>,
      %gather3A = tpu.vector_load_idx %arg9[%get3A_71] : memref<10240xf32, #tpu.memory_space<vmem>>[vector<16xi32>], vector<16xf32>,
      %mul3A_72 = arith.mulf %get3A_69, %gather3A : vector<16xf32>
      %swap3A = arith.index_cast %mul3A_68 : i32 to index
      %swap3A_73 = tpu.vector_load %arg8[%swap3A] {strides = array<i32>} : memref<10000xf32, #tpu.memory_space<vmem>>, vector<16xf32>,
      tpu.vector_store %arg8[%swap3A], %mul3A_72 {strides = array<i32>} : memref<10000xf32, #tpu.memory_space<vmem>>, vector<16xf32>,
      %scan3A_74 = arith.constant 0 : i32
      scf.yield %scan3A_74 : i32
    }
    %scan3A_62 = arith.constant 625 : i32
    %eq3A = arith.constant 0 : i32
    %eq3A_63 = arith.cmpi eq, %arg0, %eq3A : i32
    %convert_element_type3A = arith.extui %eq3A_63 : i1 to i32
    %cond3A = arith.constant 0 : i32
    %cond3A_64 = arith.cmpi ne, %convert_element_type3A, %cond3A : i32
    scf.if %cond3A_64 {
      "tpu.region"() ({
        %run_scoped3A = tpu.sem_alloc : memref<!tpu.dma_semaphore, #tpu.memory_space<semaphore_mem>>
        %dma_start3A = tpu.memref_slice %arg5[%mul3A_0] : memref<160000xf32, #tpu.memory_space<hbm>> -> memref<10000xf32, #tpu.memory_space<hbm>>
        %dma_start3A_65 = tpu.memref_slice %arg5[%mul3A_0] : memref<160000xf32, #tpu.memory_space<hbm>> -> memref<10000xf32, #tpu.memory_space<hbm>>
        tpu.enqueue_dma source(%arg8 : memref<10000xf32, #tpu.memory_space<vmem>>) target(%dma_start3A_65 : memref<10000xf32, #tpu.memory_space<hbm>>) target_semaphore(%run_scoped3A : memref<!tpu.dma_semaphore, #tpu.memory_space<semaphore_mem>>)
        %dma_wait3A = tpu.memref_slice %arg5[%mul3A_0] : memref<160000xf32, #tpu.memory_space<hbm>> -> memref<10000xf32, #tpu.memory_space<hbm>>
        %dma_wait3A_66 = tpu.memref_slice %arg5[%mul3A_0] : memref<160000xf32, #tpu.memory_space<hbm>> -> memref<10000xf32, #tpu.memory_space<hbm>>
        tpu.wait_dma2 semaphore(%run_scoped3A : memref<!tpu.dma_semaphore, #tpu.memory_space<semaphore_mem>>) src(%arg8 : memref<10000xf32, #tpu.memory_space<vmem>>) dst(%dma_wait3A_66 : memref<10000xf32, #tpu.memory_space<hbm>>)
        tpu.yield
      }) : () -> ()
    } else {
    }
    return
  }
}

#map = affine_map<(d0, d1) -> (0, 0)>
#map1 = affine_map<(d0, d1) -> (0)>
module attributes {stable_mosaic.version = 14 : i64} {
  func.func @_gather_body(%arg0: i32, %arg1: i32, %arg2: memref<10000x64xf32, #tpu.memory_space<hbm>>, %arg3: memref<10000x64xf32, #tpu.memory_space<hbm>>, %arg4: memref<160000xi32, #tpu.memory_space<hbm>>, %arg5: memref<160000xi32, #tpu.memory_space<hbm>>, %arg6: memref<160000x128xf32, #tpu.memory_space<hbm>>, %arg7: memref<2x1000xi32, #tpu.memory_space<vmem>>, %arg8: memref<2x1000x64xf32, #tpu.memory_space<vmem>>, %arg9: memref<!tpu.dma_semaphore, #tpu.memory_space<semaphore_mem>>, %arg10: memref<!tpu.dma_semaphore, #tpu.memory_space<semaphore_mem>>, %arg11: memref<!tpu.dma_semaphore, #tpu.memory_space<semaphore_mem>>, %arg12: memref<!tpu.dma_semaphore, #tpu.memory_space<semaphore_mem>>) attributes {dimension_semantics = [#tpu.dimension_semantics<core_parallel>, #tpu.dimension_semantics<subcore_parallel>], iteration_bounds = array<i64: 2, 16>, scalar_prefetch = 0 : i64, scratch_operands = 6 : i64, tpu.core_type = #tpu.core_type<sc_vector_subcore>, window_params = [{transform_indices = #map}, {transform_indices = #map}, {transform_indices = #map1}, {transform_indices = #map1}, {transform_indices = #map}]} {
    %mul3A = arith.constant 2 : i32
    %mul3A_0 = arith.muli %arg1, %mul3A : i32
    %add3A = arith.addi %mul3A_0, %arg0 : i32
    %mul3A_1 = arith.constant 5000 : i32
    %mul3A_2 = arith.muli %add3A, %mul3A_1 : i32
    %add3A_3 = arith.constant 0 : i32
    %add3A_4 = arith.addi %mul3A_2, %add3A_3 : i32
    %add3A_5 = arith.constant 1000 : i32
    %add3A_6 = arith.addi %mul3A_2, %add3A_5 : i32
    %add3A_7 = arith.constant 2000 : i32
    %add3A_8 = arith.addi %mul3A_2, %add3A_7 : i32
    %add3A_9 = arith.constant 3000 : i32
    %add3A_10 = arith.addi %mul3A_2, %add3A_9 : i32
    %add3A_11 = arith.constant 4000 : i32
    %add3A_12 = arith.addi %mul3A_2, %add3A_11 : i32
    %add3A_13 = arith.constant 0 : i32
    %add3A_14 = arith.addi %mul3A_2, %add3A_13 : i32
    %add3A_15 = arith.constant 1000 : i32
    %add3A_16 = arith.addi %mul3A_2, %add3A_15 : i32
    %add3A_17 = arith.constant 2000 : i32
    %add3A_18 = arith.addi %mul3A_2, %add3A_17 : i32
    %add3A_19 = arith.constant 3000 : i32
    %add3A_20 = arith.addi %mul3A_2, %add3A_19 : i32
    %add3A_21 = arith.constant 4000 : i32
    %add3A_22 = arith.addi %mul3A_2, %add3A_21 : i32
    %run_scoped3A = arith.constant 0 : i32
    "tpu.region"() ({
      %run_scoped3A_530 = tpu.sem_alloc : memref<!tpu.dma_semaphore, #tpu.memory_space<semaphore_mem>>
      %dma_start3A_531 = arith.constant 0 : i32
      %dma_start3A_532 = tpu.memref_slice %arg7[%run_scoped3A, %dma_start3A_531] : memref<2x1000xi32, #tpu.memory_space<vmem>> -> memref<1x1000xi32, #tpu.memory_space<vmem>>
      %dma_start3A_533 = tpu.memref_squeeze %dma_start3A_532 : memref<1x1000xi32, #tpu.memory_space<vmem>> -> memref<1000xi32, #tpu.memory_space<vmem>>
      %dma_start3A_534 = tpu.memref_slice %arg4[%add3A_4] : memref<160000xi32, #tpu.memory_space<hbm>> -> memref<1000xi32, #tpu.memory_space<hbm>>
      %dma_start3A_535 = arith.constant 0 : i32
      %dma_start3A_536 = tpu.memref_slice %arg7[%run_scoped3A, %dma_start3A_535] : memref<2x1000xi32, #tpu.memory_space<vmem>> -> memref<1x1000xi32, #tpu.memory_space<vmem>>
      %dma_start3A_537 = tpu.memref_squeeze %dma_start3A_536 : memref<1x1000xi32, #tpu.memory_space<vmem>> -> memref<1000xi32, #tpu.memory_space<vmem>>
      %dma_start3A_538 = tpu.memref_slice %arg4[%add3A_4] : memref<160000xi32, #tpu.memory_space<hbm>> -> memref<1000xi32, #tpu.memory_space<hbm>>
      tpu.enqueue_dma source(%dma_start3A_538 : memref<1000xi32, #tpu.memory_space<hbm>>) target(%dma_start3A_537 : memref<1000xi32, #tpu.memory_space<vmem>>) target_semaphore(%run_scoped3A_530 : memref<!tpu.dma_semaphore, #tpu.memory_space<semaphore_mem>>)
      %dma_wait3A_539 = arith.constant 0 : i32
      %dma_wait3A_540 = tpu.memref_slice %arg7[%run_scoped3A, %dma_wait3A_539] : memref<2x1000xi32, #tpu.memory_space<vmem>> -> memref<1x1000xi32, #tpu.memory_space<vmem>>
      %dma_wait3A_541 = tpu.memref_squeeze %dma_wait3A_540 : memref<1x1000xi32, #tpu.memory_space<vmem>> -> memref<1000xi32, #tpu.memory_space<vmem>>
      %dma_wait3A_542 = tpu.memref_slice %arg4[%add3A_4] : memref<160000xi32, #tpu.memory_space<hbm>> -> memref<1000xi32, #tpu.memory_space<hbm>>
      %dma_wait3A_543 = arith.constant 0 : i32
      %dma_wait3A_544 = tpu.memref_slice %arg7[%run_scoped3A, %dma_wait3A_543] : memref<2x1000xi32, #tpu.memory_space<vmem>> -> memref<1x1000xi32, #tpu.memory_space<vmem>>
      %dma_wait3A_545 = tpu.memref_squeeze %dma_wait3A_544 : memref<1x1000xi32, #tpu.memory_space<vmem>> -> memref<1000xi32, #tpu.memory_space<vmem>>
      %dma_wait3A_546 = tpu.memref_slice %arg4[%add3A_4] : memref<160000xi32, #tpu.memory_space<hbm>> -> memref<1000xi32, #tpu.memory_space<hbm>>
      tpu.wait_dma2 semaphore(%run_scoped3A_530 : memref<!tpu.dma_semaphore, #tpu.memory_space<semaphore_mem>>) src(%dma_wait3A_546 : memref<1000xi32, #tpu.memory_space<hbm>>) dst(%dma_wait3A_545 : memref<1000xi32, #tpu.memory_space<vmem>>)
      tpu.yield
    }) : () -> ()
    %dma_start3A = arith.constant 0 : i32
    %dma_start3A_23 = arith.constant 0 : i32
    %dma_start3A_24 = arith.constant 0 : i32
    %dma_start3A_25 = arith.constant 0 : i32
    %dma_start3A_26 = tpu.memref_slice %arg8[%dma_start3A_23, %dma_start3A_24, %dma_start3A_25] : memref<2x1000x64xf32, #tpu.memory_space<vmem>> -> memref<1x1000x64xf32, #tpu.memory_space<vmem>>
    %dma_start3A_27 = tpu.memref_squeeze %dma_start3A_26 : memref<1x1000x64xf32, #tpu.memory_space<vmem>> -> memref<1000x64xf32, #tpu.memory_space<vmem>>
    %dma_start3A_28 = arith.constant 0 : i32
    %dma_start3A_29 = tpu.memref_slice %arg7[%dma_start3A, %dma_start3A_28] : memref<2x1000xi32, #tpu.memory_space<vmem>> -> memref<1x1000xi32, #tpu.memory_space<vmem>>
    %dma_start3A_30 = tpu.memref_squeeze %dma_start3A_29 : memref<1x1000xi32, #tpu.memory_space<vmem>> -> memref<1000xi32, #tpu.memory_space<vmem>>
    %dma_start3A_31 = arith.constant 0 : i32
    %dma_start3A_32 = arith.constant 0 : i32
    %dma_start3A_33 = tpu.memref_slice %arg2[%dma_start3A_31, %dma_start3A_32] : memref<10000x64xf32, #tpu.memory_space<hbm>> -> memref<10000x64xf32, #tpu.memory_space<hbm>>
    tpu.enqueue_indirect_dma source(%dma_start3A_33 : memref<10000x64xf32, #tpu.memory_space<hbm>>) target(%dma_start3A_27 : memref<1000x64xf32, #tpu.memory_space<vmem>>) offsets(%dma_start3A_30 : memref<1000xi32, #tpu.memory_space<vmem>>) semaphore(%arg9 : memref<!tpu.dma_semaphore, #tpu.memory_space<semaphore_mem>>)
    %run_scoped3A_34 = arith.constant 1 : i32
    "tpu.region"() ({
      %run_scoped3A_530 = tpu.sem_alloc : memref<!tpu.dma_semaphore, #tpu.memory_space<semaphore_mem>>
      %dma_start3A_531 = arith.constant 0 : i32
      %dma_start3A_532 = tpu.memref_slice %arg7[%run_scoped3A_34, %dma_start3A_531] : memref<2x1000xi32, #tpu.memory_space<vmem>> -> memref<1x1000xi32, #tpu.memory_space<vmem>>
      %dma_start3A_533 = tpu.memref_squeeze %dma_start3A_532 : memref<1x1000xi32, #tpu.memory_space<vmem>> -> memref<1000xi32, #tpu.memory_space<vmem>>
      %dma_start3A_534 = tpu.memref_slice %arg4[%add3A_6] : memref<160000xi32, #tpu.memory_space<hbm>> -> memref<1000xi32, #tpu.memory_space<hbm>>
      %dma_start3A_535 = arith.constant 0 : i32
      %dma_start3A_536 = tpu.memref_slice %arg7[%run_scoped3A_34, %dma_start3A_535] : memref<2x1000xi32, #tpu.memory_space<vmem>> -> memref<1x1000xi32, #tpu.memory_space<vmem>>
      %dma_start3A_537 = tpu.memref_squeeze %dma_start3A_536 : memref<1x1000xi32, #tpu.memory_space<vmem>> -> memref<1000xi32, #tpu.memory_space<vmem>>
      %dma_start3A_538 = tpu.memref_slice %arg4[%add3A_6] : memref<160000xi32, #tpu.memory_space<hbm>> -> memref<1000xi32, #tpu.memory_space<hbm>>
      tpu.enqueue_dma source(%dma_start3A_538 : memref<1000xi32, #tpu.memory_space<hbm>>) target(%dma_start3A_537 : memref<1000xi32, #tpu.memory_space<vmem>>) target_semaphore(%run_scoped3A_530 : memref<!tpu.dma_semaphore, #tpu.memory_space<semaphore_mem>>)
      %dma_wait3A_539 = arith.constant 0 : i32
      %dma_wait3A_540 = tpu.memref_slice %arg7[%run_scoped3A_34, %dma_wait3A_539] : memref<2x1000xi32, #tpu.memory_space<vmem>> -> memref<1x1000xi32, #tpu.memory_space<vmem>>
      %dma_wait3A_541 = tpu.memref_squeeze %dma_wait3A_540 : memref<1x1000xi32, #tpu.memory_space<vmem>> -> memref<1000xi32, #tpu.memory_space<vmem>>
      %dma_wait3A_542 = tpu.memref_slice %arg4[%add3A_6] : memref<160000xi32, #tpu.memory_space<hbm>> -> memref<1000xi32, #tpu.memory_space<hbm>>
      %dma_wait3A_543 = arith.constant 0 : i32
      %dma_wait3A_544 = tpu.memref_slice %arg7[%run_scoped3A_34, %dma_wait3A_543] : memref<2x1000xi32, #tpu.memory_space<vmem>> -> memref<1x1000xi32, #tpu.memory_space<vmem>>
      %dma_wait3A_545 = tpu.memref_squeeze %dma_wait3A_544 : memref<1x1000xi32, #tpu.memory_space<vmem>> -> memref<1000xi32, #tpu.memory_space<vmem>>
      %dma_wait3A_546 = tpu.memref_slice %arg4[%add3A_6] : memref<160000xi32, #tpu.memory_space<hbm>> -> memref<1000xi32, #tpu.memory_space<hbm>>
      tpu.wait_dma2 semaphore(%run_scoped3A_530 : memref<!tpu.dma_semaphore, #tpu.memory_space<semaphore_mem>>) src(%dma_wait3A_546 : memref<1000xi32, #tpu.memory_space<hbm>>) dst(%dma_wait3A_545 : memref<1000xi32, #tpu.memory_space<vmem>>)
      tpu.yield
    }) : () -> ()
    %dma_start3A_35 = arith.constant 1 : i32
    %dma_start3A_36 = arith.constant 1 : i32
    %dma_start3A_37 = arith.constant 0 : i32
    %dma_start3A_38 = arith.constant 0 : i32
    %dma_start3A_39 = tpu.memref_slice %arg8[%dma_start3A_36, %dma_start3A_37, %dma_start3A_38] : memref<2x1000x64xf32, #tpu.memory_space<vmem>> -> memref<1x1000x64xf32, #tpu.memory_space<vmem>>
    %dma_start3A_40 = tpu.memref_squeeze %dma_start3A_39 : memref<1x1000x64xf32, #tpu.memory_space<vmem>> -> memref<1000x64xf32, #tpu.memory_space<vmem>>
    %dma_start3A_41 = arith.constant 0 : i32
    %dma_start3A_42 = tpu.memref_slice %arg7[%dma_start3A_35, %dma_start3A_41] : memref<2x1000xi32, #tpu.memory_space<vmem>> -> memref<1x1000xi32, #tpu.memory_space<vmem>>
    %dma_start3A_43 = tpu.memref_squeeze %dma_start3A_42 : memref<1x1000xi32, #tpu.memory_space<vmem>> -> memref<1000xi32, #tpu.memory_space<vmem>>
    %dma_start3A_44 = arith.constant 0 : i32
    %dma_start3A_45 = arith.constant 0 : i32
    %dma_start3A_46 = tpu.memref_slice %arg2[%dma_start3A_44, %dma_start3A_45] : memref<10000x64xf32, #tpu.memory_space<hbm>> -> memref<10000x64xf32, #tpu.memory_space<hbm>>
    tpu.enqueue_indirect_dma source(%dma_start3A_46 : memref<10000x64xf32, #tpu.memory_space<hbm>>) target(%dma_start3A_40 : memref<1000x64xf32, #tpu.memory_space<vmem>>) offsets(%dma_start3A_43 : memref<1000xi32, #tpu.memory_space<vmem>>) semaphore(%arg10 : memref<!tpu.dma_semaphore, #tpu.memory_space<semaphore_mem>>)
    %dma_wait3A = arith.constant 0 : i32
    %dma_wait3A_47 = arith.constant 0 : i32
    %dma_wait3A_48 = arith.constant 0 : i32
    %dma_wait3A_49 = arith.constant 0 : i32
    %dma_wait3A_50 = tpu.memref_slice %arg8[%dma_wait3A_47, %dma_wait3A_48, %dma_wait3A_49] : memref<2x1000x64xf32, #tpu.memory_space<vmem>> -> memref<1x1000x64xf32, #tpu.memory_space<vmem>>
    %dma_wait3A_51 = tpu.memref_squeeze %dma_wait3A_50 : memref<1x1000x64xf32, #tpu.memory_space<vmem>> -> memref<1000x64xf32, #tpu.memory_space<vmem>>
    %dma_wait3A_52 = arith.constant 0 : i32
    %dma_wait3A_53 = tpu.memref_slice %arg7[%dma_wait3A, %dma_wait3A_52] : memref<2x1000xi32, #tpu.memory_space<vmem>> -> memref<1x1000xi32, #tpu.memory_space<vmem>>
    %dma_wait3A_54 = tpu.memref_squeeze %dma_wait3A_53 : memref<1x1000xi32, #tpu.memory_space<vmem>> -> memref<1000xi32, #tpu.memory_space<vmem>>
    %dma_wait3A_55 = arith.constant 0 : i32
    %dma_wait3A_56 = arith.constant 0 : i32
    %dma_wait3A_57 = tpu.memref_slice %arg2[%dma_wait3A_55, %dma_wait3A_56] : memref<10000x64xf32, #tpu.memory_space<hbm>> -> memref<10000x64xf32, #tpu.memory_space<hbm>>
    tpu.wait_indirect_dma semaphore(%arg9 : memref<!tpu.dma_semaphore, #tpu.memory_space<semaphore_mem>>) src(%dma_wait3A_57 : memref<10000x64xf32, #tpu.memory_space<hbm>>) dst(%dma_wait3A_51 : memref<1000x64xf32, #tpu.memory_space<vmem>>)
    %dma_start3A_58 = arith.constant 0 : i32
    %dma_start3A_59 = arith.constant 0 : i32
    %dma_start3A_60 = arith.constant 0 : i32
    %dma_start3A_61 = tpu.memref_slice %arg8[%dma_start3A_58, %dma_start3A_59, %dma_start3A_60] : memref<2x1000x64xf32, #tpu.memory_space<vmem>> -> memref<1x1000x64xf32, #tpu.memory_space<vmem>>
    %dma_start3A_62 = tpu.memref_squeeze %dma_start3A_61 : memref<1x1000x64xf32, #tpu.memory_space<vmem>> -> memref<1000x64xf32, #tpu.memory_space<vmem>>
    %dma_start3A_63 = arith.constant 0 : i32
    %dma_start3A_64 = tpu.memref_slice %arg6[%add3A_4, %dma_start3A_63] : memref<160000x128xf32, #tpu.memory_space<hbm>> -> memref<1000x64xf32, #tpu.memory_space<hbm>>
    %dma_start3A_65 = arith.constant 0 : i32
    %dma_start3A_66 = tpu.memref_slice %arg6[%add3A_4, %dma_start3A_65] : memref<160000x128xf32, #tpu.memory_space<hbm>> -> memref<1000x64xf32, #tpu.memory_space<hbm>>
    %dma_start3A_67 = arith.constant 0 : i32
    %dma_start3A_68 = arith.constant 0 : i32
    %dma_start3A_69 = tpu.memref_slice %arg8[%dma_start3A_58, %dma_start3A_67, %dma_start3A_68] : memref<2x1000x64xf32, #tpu.memory_space<vmem>> -> memref<1x1000x64xf32, #tpu.memory_space<vmem>>
    %dma_start3A_70 = tpu.memref_squeeze %dma_start3A_69 : memref<1x1000x64xf32, #tpu.memory_space<vmem>> -> memref<1000x64xf32, #tpu.memory_space<vmem>>
    tpu.enqueue_dma source(%dma_start3A_70 : memref<1000x64xf32, #tpu.memory_space<vmem>>) target(%dma_start3A_66 : memref<1000x64xf32, #tpu.memory_space<hbm>>) target_semaphore(%arg11 : memref<!tpu.dma_semaphore, #tpu.memory_space<semaphore_mem>>)
    %dma_wait3A_71 = arith.constant 0 : i32
    %dma_wait3A_72 = arith.constant 0 : i32
    %dma_wait3A_73 = arith.constant 0 : i32
    %dma_wait3A_74 = tpu.memref_slice %arg8[%dma_wait3A_71, %dma_wait3A_72, %dma_wait3A_73] : memref<2x1000x64xf32, #tpu.memory_space<vmem>> -> memref<1x1000x64xf32, #tpu.memory_space<vmem>>
    %dma_wait3A_75 = tpu.memref_squeeze %dma_wait3A_74 : memref<1x1000x64xf32, #tpu.memory_space<vmem>> -> memref<1000x64xf32, #tpu.memory_space<vmem>>
    %dma_wait3A_76 = arith.constant 0 : i32
    %dma_wait3A_77 = tpu.memref_slice %arg6[%add3A_4, %dma_wait3A_76] : memref<160000x128xf32, #tpu.memory_space<hbm>> -> memref<1000x64xf32, #tpu.memory_space<hbm>>
    %dma_wait3A_78 = arith.constant 0 : i32
    %dma_wait3A_79 = tpu.memref_slice %arg6[%add3A_4, %dma_wait3A_78] : memref<160000x128xf32, #tpu.memory_space<hbm>> -> memref<1000x64xf32, #tpu.memory_space<hbm>>
    %dma_wait3A_80 = arith.constant 0 : i32
    %dma_wait3A_81 = arith.constant 0 : i32
    %dma_wait3A_82 = tpu.memref_slice %arg8[%dma_wait3A_71, %dma_wait3A_80, %dma_wait3A_81] : memref<2x1000x64xf32, #tpu.memory_space<vmem>> -> memref<1x1000x64xf32, #tpu.memory_space<vmem>>
    %dma_wait3A_83 = tpu.memref_squeeze %dma_wait3A_82 : memref<1x1000x64xf32, #tpu.memory_space<vmem>> -> memref<1000x64xf32, #tpu.memory_space<vmem>>
    tpu.wait_dma2 semaphore(%arg11 : memref<!tpu.dma_semaphore, #tpu.memory_space<semaphore_mem>>) src(%dma_wait3A_83 : memref<1000x64xf32, #tpu.memory_space<vmem>>) dst(%dma_wait3A_79 : memref<1000x64xf32, #tpu.memory_space<hbm>>)
    %run_scoped3A_84 = arith.constant 0 : i32
    "tpu.region"() ({
      %run_scoped3A_530 = tpu.sem_alloc : memref<!tpu.dma_semaphore, #tpu.memory_space<semaphore_mem>>
      %dma_start3A_531 = arith.constant 0 : i32
      %dma_start3A_532 = tpu.memref_slice %arg7[%run_scoped3A_84, %dma_start3A_531] : memref<2x1000xi32, #tpu.memory_space<vmem>> -> memref<1x1000xi32, #tpu.memory_space<vmem>>
      %dma_start3A_533 = tpu.memref_squeeze %dma_start3A_532 : memref<1x1000xi32, #tpu.memory_space<vmem>> -> memref<1000xi32, #tpu.memory_space<vmem>>
      %dma_start3A_534 = tpu.memref_slice %arg4[%add3A_8] : memref<160000xi32, #tpu.memory_space<hbm>> -> memref<1000xi32, #tpu.memory_space<hbm>>
      %dma_start3A_535 = arith.constant 0 : i32
      %dma_start3A_536 = tpu.memref_slice %arg7[%run_scoped3A_84, %dma_start3A_535] : memref<2x1000xi32, #tpu.memory_space<vmem>> -> memref<1x1000xi32, #tpu.memory_space<vmem>>
      %dma_start3A_537 = tpu.memref_squeeze %dma_start3A_536 : memref<1x1000xi32, #tpu.memory_space<vmem>> -> memref<1000xi32, #tpu.memory_space<vmem>>
      %dma_start3A_538 = tpu.memref_slice %arg4[%add3A_8] : memref<160000xi32, #tpu.memory_space<hbm>> -> memref<1000xi32, #tpu.memory_space<hbm>>
      tpu.enqueue_dma source(%dma_start3A_538 : memref<1000xi32, #tpu.memory_space<hbm>>) target(%dma_start3A_537 : memref<1000xi32, #tpu.memory_space<vmem>>) target_semaphore(%run_scoped3A_530 : memref<!tpu.dma_semaphore, #tpu.memory_space<semaphore_mem>>)
      %dma_wait3A_539 = arith.constant 0 : i32
      %dma_wait3A_540 = tpu.memref_slice %arg7[%run_scoped3A_84, %dma_wait3A_539] : memref<2x1000xi32, #tpu.memory_space<vmem>> -> memref<1x1000xi32, #tpu.memory_space<vmem>>
      %dma_wait3A_541 = tpu.memref_squeeze %dma_wait3A_540 : memref<1x1000xi32, #tpu.memory_space<vmem>> -> memref<1000xi32, #tpu.memory_space<vmem>>
      %dma_wait3A_542 = tpu.memref_slice %arg4[%add3A_8] : memref<160000xi32, #tpu.memory_space<hbm>> -> memref<1000xi32, #tpu.memory_space<hbm>>
      %dma_wait3A_543 = arith.constant 0 : i32
      %dma_wait3A_544 = tpu.memref_slice %arg7[%run_scoped3A_84, %dma_wait3A_543] : memref<2x1000xi32, #tpu.memory_space<vmem>> -> memref<1x1000xi32, #tpu.memory_space<vmem>>
      %dma_wait3A_545 = tpu.memref_squeeze %dma_wait3A_544 : memref<1x1000xi32, #tpu.memory_space<vmem>> -> memref<1000xi32, #tpu.memory_space<vmem>>
      %dma_wait3A_546 = tpu.memref_slice %arg4[%add3A_8] : memref<160000xi32, #tpu.memory_space<hbm>> -> memref<1000xi32, #tpu.memory_space<hbm>>
      tpu.wait_dma2 semaphore(%run_scoped3A_530 : memref<!tpu.dma_semaphore, #tpu.memory_space<semaphore_mem>>) src(%dma_wait3A_546 : memref<1000xi32, #tpu.memory_space<hbm>>) dst(%dma_wait3A_545 : memref<1000xi32, #tpu.memory_space<vmem>>)
      tpu.yield
    }) : () -> ()
    %dma_start3A_85 = arith.constant 0 : i32
    %dma_start3A_86 = arith.constant 0 : i32
    %dma_start3A_87 = arith.constant 0 : i32
    %dma_start3A_88 = arith.constant 0 : i32
    %dma_start3A_89 = tpu.memref_slice %arg8[%dma_start3A_86, %dma_start3A_87, %dma_start3A_88] : memref<2x1000x64xf32, #tpu.memory_space<vmem>> -> memref<1x1000x64xf32, #tpu.memory_space<vmem>>
    %dma_start3A_90 = tpu.memref_squeeze %dma_start3A_89 : memref<1x1000x64xf32, #tpu.memory_space<vmem>> -> memref<1000x64xf32, #tpu.memory_space<vmem>>
    %dma_start3A_91 = arith.constant 0 : i32
    %dma_start3A_92 = tpu.memref_slice %arg7[%dma_start3A_85, %dma_start3A_91] : memref<2x1000xi32, #tpu.memory_space<vmem>> -> memref<1x1000xi32, #tpu.memory_space<vmem>>
    %dma_start3A_93 = tpu.memref_squeeze %dma_start3A_92 : memref<1x1000xi32, #tpu.memory_space<vmem>> -> memref<1000xi32, #tpu.memory_space<vmem>>
    %dma_start3A_94 = arith.constant 0 : i32
    %dma_start3A_95 = arith.constant 0 : i32
    %dma_start3A_96 = tpu.memref_slice %arg2[%dma_start3A_94, %dma_start3A_95] : memref<10000x64xf32, #tpu.memory_space<hbm>> -> memref<10000x64xf32, #tpu.memory_space<hbm>>
    tpu.enqueue_indirect_dma source(%dma_start3A_96 : memref<10000x64xf32, #tpu.memory_space<hbm>>) target(%dma_start3A_90 : memref<1000x64xf32, #tpu.memory_space<vmem>>) offsets(%dma_start3A_93 : memref<1000xi32, #tpu.memory_space<vmem>>) semaphore(%arg9 : memref<!tpu.dma_semaphore, #tpu.memory_space<semaphore_mem>>)
    %dma_wait3A_97 = arith.constant 1 : i32
    %dma_wait3A_98 = arith.constant 1 : i32
    %dma_wait3A_99 = arith.constant 0 : i32
    %dma_wait3A_100 = arith.constant 0 : i32
    %dma_wait3A_101 = tpu.memref_slice %arg8[%dma_wait3A_98, %dma_wait3A_99, %dma_wait3A_100] : memref<2x1000x64xf32, #tpu.memory_space<vmem>> -> memref<1x1000x64xf32, #tpu.memory_space<vmem>>
    %dma_wait3A_102 = tpu.memref_squeeze %dma_wait3A_101 : memref<1x1000x64xf32, #tpu.memory_space<vmem>> -> memref<1000x64xf32, #tpu.memory_space<vmem>>
    %dma_wait3A_103 = arith.constant 0 : i32
    %dma_wait3A_104 = tpu.memref_slice %arg7[%dma_wait3A_97, %dma_wait3A_103] : memref<2x1000xi32, #tpu.memory_space<vmem>> -> memref<1x1000xi32, #tpu.memory_space<vmem>>
    %dma_wait3A_105 = tpu.memref_squeeze %dma_wait3A_104 : memref<1x1000xi32, #tpu.memory_space<vmem>> -> memref<1000xi32, #tpu.memory_space<vmem>>
    %dma_wait3A_106 = arith.constant 0 : i32
    %dma_wait3A_107 = arith.constant 0 : i32
    %dma_wait3A_108 = tpu.memref_slice %arg2[%dma_wait3A_106, %dma_wait3A_107] : memref<10000x64xf32, #tpu.memory_space<hbm>> -> memref<10000x64xf32, #tpu.memory_space<hbm>>
    tpu.wait_indirect_dma semaphore(%arg10 : memref<!tpu.dma_semaphore, #tpu.memory_space<semaphore_mem>>) src(%dma_wait3A_108 : memref<10000x64xf32, #tpu.memory_space<hbm>>) dst(%dma_wait3A_102 : memref<1000x64xf32, #tpu.memory_space<vmem>>)
    %dma_start3A_109 = arith.constant 1 : i32
    %dma_start3A_110 = arith.constant 0 : i32
    %dma_start3A_111 = arith.constant 0 : i32
    %dma_start3A_112 = tpu.memref_slice %arg8[%dma_start3A_109, %dma_start3A_110, %dma_start3A_111] : memref<2x1000x64xf32, #tpu.memory_space<vmem>> -> memref<1x1000x64xf32, #tpu.memory_space<vmem>>
    %dma_start3A_113 = tpu.memref_squeeze %dma_start3A_112 : memref<1x1000x64xf32, #tpu.memory_space<vmem>> -> memref<1000x64xf32, #tpu.memory_space<vmem>>
    %dma_start3A_114 = arith.constant 0 : i32
    %dma_start3A_115 = tpu.memref_slice %arg6[%add3A_6, %dma_start3A_114] : memref<160000x128xf32, #tpu.memory_space<hbm>> -> memref<1000x64xf32, #tpu.memory_space<hbm>>
    %dma_start3A_116 = arith.constant 0 : i32
    %dma_start3A_117 = tpu.memref_slice %arg6[%add3A_6, %dma_start3A_116] : memref<160000x128xf32, #tpu.memory_space<hbm>> -> memref<1000x64xf32, #tpu.memory_space<hbm>>
    %dma_start3A_118 = arith.constant 0 : i32
    %dma_start3A_119 = arith.constant 0 : i32
    %dma_start3A_120 = tpu.memref_slice %arg8[%dma_start3A_109, %dma_start3A_118, %dma_start3A_119] : memref<2x1000x64xf32, #tpu.memory_space<vmem>> -> memref<1x1000x64xf32, #tpu.memory_space<vmem>>
    %dma_start3A_121 = tpu.memref_squeeze %dma_start3A_120 : memref<1x1000x64xf32, #tpu.memory_space<vmem>> -> memref<1000x64xf32, #tpu.memory_space<vmem>>
    tpu.enqueue_dma source(%dma_start3A_121 : memref<1000x64xf32, #tpu.memory_space<vmem>>) target(%dma_start3A_117 : memref<1000x64xf32, #tpu.memory_space<hbm>>) target_semaphore(%arg12 : memref<!tpu.dma_semaphore, #tpu.memory_space<semaphore_mem>>)
    %dma_wait3A_122 = arith.constant 1 : i32
    %dma_wait3A_123 = arith.constant 0 : i32
    %dma_wait3A_124 = arith.constant 0 : i32
    %dma_wait3A_125 = tpu.memref_slice %arg8[%dma_wait3A_122, %dma_wait3A_123, %dma_wait3A_124] : memref<2x1000x64xf32, #tpu.memory_space<vmem>> -> memref<1x1000x64xf32, #tpu.memory_space<vmem>>
    %dma_wait3A_126 = tpu.memref_squeeze %dma_wait3A_125 : memref<1x1000x64xf32, #tpu.memory_space<vmem>> -> memref<1000x64xf32, #tpu.memory_space<vmem>>
    %dma_wait3A_127 = arith.constant 0 : i32
    %dma_wait3A_128 = tpu.memref_slice %arg6[%add3A_6, %dma_wait3A_127] : memref<160000x128xf32, #tpu.memory_space<hbm>> -> memref<1000x64xf32, #tpu.memory_space<hbm>>
    %dma_wait3A_129 = arith.constant 0 : i32
    %dma_wait3A_130 = tpu.memref_slice %arg6[%add3A_6, %dma_wait3A_129] : memref<160000x128xf32, #tpu.memory_space<hbm>> -> memref<1000x64xf32, #tpu.memory_space<hbm>>
    %dma_wait3A_131 = arith.constant 0 : i32
    %dma_wait3A_132 = arith.constant 0 : i32
    %dma_wait3A_133 = tpu.memref_slice %arg8[%dma_wait3A_122, %dma_wait3A_131, %dma_wait3A_132] : memref<2x1000x64xf32, #tpu.memory_space<vmem>> -> memref<1x1000x64xf32, #tpu.memory_space<vmem>>
    %dma_wait3A_134 = tpu.memref_squeeze %dma_wait3A_133 : memref<1x1000x64xf32, #tpu.memory_space<vmem>> -> memref<1000x64xf32, #tpu.memory_space<vmem>>
    tpu.wait_dma2 semaphore(%arg12 : memref<!tpu.dma_semaphore, #tpu.memory_space<semaphore_mem>>) src(%dma_wait3A_134 : memref<1000x64xf32, #tpu.memory_space<vmem>>) dst(%dma_wait3A_130 : memref<1000x64xf32, #tpu.memory_space<hbm>>)
    %run_scoped3A_135 = arith.constant 1 : i32
    "tpu.region"() ({
      %run_scoped3A_530 = tpu.sem_alloc : memref<!tpu.dma_semaphore, #tpu.memory_space<semaphore_mem>>
      %dma_start3A_531 = arith.constant 0 : i32
      %dma_start3A_532 = tpu.memref_slice %arg7[%run_scoped3A_135, %dma_start3A_531] : memref<2x1000xi32, #tpu.memory_space<vmem>> -> memref<1x1000xi32, #tpu.memory_space<vmem>>
      %dma_start3A_533 = tpu.memref_squeeze %dma_start3A_532 : memref<1x1000xi32, #tpu.memory_space<vmem>> -> memref<1000xi32, #tpu.memory_space<vmem>>
      %dma_start3A_534 = tpu.memref_slice %arg4[%add3A_10] : memref<160000xi32, #tpu.memory_space<hbm>> -> memref<1000xi32, #tpu.memory_space<hbm>>
      %dma_start3A_535 = arith.constant 0 : i32
      %dma_start3A_536 = tpu.memref_slice %arg7[%run_scoped3A_135, %dma_start3A_535] : memref<2x1000xi32, #tpu.memory_space<vmem>> -> memref<1x1000xi32, #tpu.memory_space<vmem>>
      %dma_start3A_537 = tpu.memref_squeeze %dma_start3A_536 : memref<1x1000xi32, #tpu.memory_space<vmem>> -> memref<1000xi32, #tpu.memory_space<vmem>>
      %dma_start3A_538 = tpu.memref_slice %arg4[%add3A_10] : memref<160000xi32, #tpu.memory_space<hbm>> -> memref<1000xi32, #tpu.memory_space<hbm>>
      tpu.enqueue_dma source(%dma_start3A_538 : memref<1000xi32, #tpu.memory_space<hbm>>) target(%dma_start3A_537 : memref<1000xi32, #tpu.memory_space<vmem>>) target_semaphore(%run_scoped3A_530 : memref<!tpu.dma_semaphore, #tpu.memory_space<semaphore_mem>>)
      %dma_wait3A_539 = arith.constant 0 : i32
      %dma_wait3A_540 = tpu.memref_slice %arg7[%run_scoped3A_135, %dma_wait3A_539] : memref<2x1000xi32, #tpu.memory_space<vmem>> -> memref<1x1000xi32, #tpu.memory_space<vmem>>
      %dma_wait3A_541 = tpu.memref_squeeze %dma_wait3A_540 : memref<1x1000xi32, #tpu.memory_space<vmem>> -> memref<1000xi32, #tpu.memory_space<vmem>>
      %dma_wait3A_542 = tpu.memref_slice %arg4[%add3A_10] : memref<160000xi32, #tpu.memory_space<hbm>> -> memref<1000xi32, #tpu.memory_space<hbm>>
      %dma_wait3A_543 = arith.constant 0 : i32
      %dma_wait3A_544 = tpu.memref_slice %arg7[%run_scoped3A_135, %dma_wait3A_543] : memref<2x1000xi32, #tpu.memory_space<vmem>> -> memref<1x1000xi32, #tpu.memory_space<vmem>>
      %dma_wait3A_545 = tpu.memref_squeeze %dma_wait3A_544 : memref<1x1000xi32, #tpu.memory_space<vmem>> -> memref<1000xi32, #tpu.memory_space<vmem>>
      %dma_wait3A_546 = tpu.memref_slice %arg4[%add3A_10] : memref<160000xi32, #tpu.memory_space<hbm>> -> memref<1000xi32, #tpu.memory_space<hbm>>
      tpu.wait_dma2 semaphore(%run_scoped3A_530 : memref<!tpu.dma_semaphore, #tpu.memory_space<semaphore_mem>>) src(%dma_wait3A_546 : memref<1000xi32, #tpu.memory_space<hbm>>) dst(%dma_wait3A_545 : memref<1000xi32, #tpu.memory_space<vmem>>)
      tpu.yield
    }) : () -> ()
    %dma_start3A_136 = arith.constant 1 : i32
    %dma_start3A_137 = arith.constant 1 : i32
    %dma_start3A_138 = arith.constant 0 : i32
    %dma_start3A_139 = arith.constant 0 : i32
    %dma_start3A_140 = tpu.memref_slice %arg8[%dma_start3A_137, %dma_start3A_138, %dma_start3A_139] : memref<2x1000x64xf32, #tpu.memory_space<vmem>> -> memref<1x1000x64xf32, #tpu.memory_space<vmem>>
    %dma_start3A_141 = tpu.memref_squeeze %dma_start3A_140 : memref<1x1000x64xf32, #tpu.memory_space<vmem>> -> memref<1000x64xf32, #tpu.memory_space<vmem>>
    %dma_start3A_142 = arith.constant 0 : i32
    %dma_start3A_143 = tpu.memref_slice %arg7[%dma_start3A_136, %dma_start3A_142] : memref<2x1000xi32, #tpu.memory_space<vmem>> -> memref<1x1000xi32, #tpu.memory_space<vmem>>
    %dma_start3A_144 = tpu.memref_squeeze %dma_start3A_143 : memref<1x1000xi32, #tpu.memory_space<vmem>> -> memref<1000xi32, #tpu.memory_space<vmem>>
    %dma_start3A_145 = arith.constant 0 : i32
    %dma_start3A_146 = arith.constant 0 : i32
    %dma_start3A_147 = tpu.memref_slice %arg2[%dma_start3A_145, %dma_start3A_146] : memref<10000x64xf32, #tpu.memory_space<hbm>> -> memref<10000x64xf32, #tpu.memory_space<hbm>>
    tpu.enqueue_indirect_dma source(%dma_start3A_147 : memref<10000x64xf32, #tpu.memory_space<hbm>>) target(%dma_start3A_141 : memref<1000x64xf32, #tpu.memory_space<vmem>>) offsets(%dma_start3A_144 : memref<1000xi32, #tpu.memory_space<vmem>>) semaphore(%arg10 : memref<!tpu.dma_semaphore, #tpu.memory_space<semaphore_mem>>)
    %dma_wait3A_148 = arith.constant 0 : i32
    %dma_wait3A_149 = arith.constant 0 : i32
    %dma_wait3A_150 = arith.constant 0 : i32
    %dma_wait3A_151 = arith.constant 0 : i32
    %dma_wait3A_152 = tpu.memref_slice %arg8[%dma_wait3A_149, %dma_wait3A_150, %dma_wait3A_151] : memref<2x1000x64xf32, #tpu.memory_space<vmem>> -> memref<1x1000x64xf32, #tpu.memory_space<vmem>>
    %dma_wait3A_153 = tpu.memref_squeeze %dma_wait3A_152 : memref<1x1000x64xf32, #tpu.memory_space<vmem>> -> memref<1000x64xf32, #tpu.memory_space<vmem>>
    %dma_wait3A_154 = arith.constant 0 : i32
    %dma_wait3A_155 = tpu.memref_slice %arg7[%dma_wait3A_148, %dma_wait3A_154] : memref<2x1000xi32, #tpu.memory_space<vmem>> -> memref<1x1000xi32, #tpu.memory_space<vmem>>
    %dma_wait3A_156 = tpu.memref_squeeze %dma_wait3A_155 : memref<1x1000xi32, #tpu.memory_space<vmem>> -> memref<1000xi32, #tpu.memory_space<vmem>>
    %dma_wait3A_157 = arith.constant 0 : i32
    %dma_wait3A_158 = arith.constant 0 : i32
    %dma_wait3A_159 = tpu.memref_slice %arg2[%dma_wait3A_157, %dma_wait3A_158] : memref<10000x64xf32, #tpu.memory_space<hbm>> -> memref<10000x64xf32, #tpu.memory_space<hbm>>
    tpu.wait_indirect_dma semaphore(%arg9 : memref<!tpu.dma_semaphore, #tpu.memory_space<semaphore_mem>>) src(%dma_wait3A_159 : memref<10000x64xf32, #tpu.memory_space<hbm>>) dst(%dma_wait3A_153 : memref<1000x64xf32, #tpu.memory_space<vmem>>)
    %dma_start3A_160 = arith.constant 0 : i32
    %dma_start3A_161 = arith.constant 0 : i32
    %dma_start3A_162 = arith.constant 0 : i32
    %dma_start3A_163 = tpu.memref_slice %arg8[%dma_start3A_160, %dma_start3A_161, %dma_start3A_162] : memref<2x1000x64xf32, #tpu.memory_space<vmem>> -> memref<1x1000x64xf32, #tpu.memory_space<vmem>>
    %dma_start3A_164 = tpu.memref_squeeze %dma_start3A_163 : memref<1x1000x64xf32, #tpu.memory_space<vmem>> -> memref<1000x64xf32, #tpu.memory_space<vmem>>
    %dma_start3A_165 = arith.constant 0 : i32
    %dma_start3A_166 = tpu.memref_slice %arg6[%add3A_8, %dma_start3A_165] : memref<160000x128xf32, #tpu.memory_space<hbm>> -> memref<1000x64xf32, #tpu.memory_space<hbm>>
    %dma_start3A_167 = arith.constant 0 : i32
    %dma_start3A_168 = tpu.memref_slice %arg6[%add3A_8, %dma_start3A_167] : memref<160000x128xf32, #tpu.memory_space<hbm>> -> memref<1000x64xf32, #tpu.memory_space<hbm>>
    %dma_start3A_169 = arith.constant 0 : i32
    %dma_start3A_170 = arith.constant 0 : i32
    %dma_start3A_171 = tpu.memref_slice %arg8[%dma_start3A_160, %dma_start3A_169, %dma_start3A_170] : memref<2x1000x64xf32, #tpu.memory_space<vmem>> -> memref<1x1000x64xf32, #tpu.memory_space<vmem>>
    %dma_start3A_172 = tpu.memref_squeeze %dma_start3A_171 : memref<1x1000x64xf32, #tpu.memory_space<vmem>> -> memref<1000x64xf32, #tpu.memory_space<vmem>>
    tpu.enqueue_dma source(%dma_start3A_172 : memref<1000x64xf32, #tpu.memory_space<vmem>>) target(%dma_start3A_168 : memref<1000x64xf32, #tpu.memory_space<hbm>>) target_semaphore(%arg11 : memref<!tpu.dma_semaphore, #tpu.memory_space<semaphore_mem>>)
    %dma_wait3A_173 = arith.constant 0 : i32
    %dma_wait3A_174 = arith.constant 0 : i32
    %dma_wait3A_175 = arith.constant 0 : i32
    %dma_wait3A_176 = tpu.memref_slice %arg8[%dma_wait3A_173, %dma_wait3A_174, %dma_wait3A_175] : memref<2x1000x64xf32, #tpu.memory_space<vmem>> -> memref<1x1000x64xf32, #tpu.memory_space<vmem>>
    %dma_wait3A_177 = tpu.memref_squeeze %dma_wait3A_176 : memref<1x1000x64xf32, #tpu.memory_space<vmem>> -> memref<1000x64xf32, #tpu.memory_space<vmem>>
    %dma_wait3A_178 = arith.constant 0 : i32
    %dma_wait3A_179 = tpu.memref_slice %arg6[%add3A_8, %dma_wait3A_178] : memref<160000x128xf32, #tpu.memory_space<hbm>> -> memref<1000x64xf32, #tpu.memory_space<hbm>>
    %dma_wait3A_180 = arith.constant 0 : i32
    %dma_wait3A_181 = tpu.memref_slice %arg6[%add3A_8, %dma_wait3A_180] : memref<160000x128xf32, #tpu.memory_space<hbm>> -> memref<1000x64xf32, #tpu.memory_space<hbm>>
    %dma_wait3A_182 = arith.constant 0 : i32
    %dma_wait3A_183 = arith.constant 0 : i32
    %dma_wait3A_184 = tpu.memref_slice %arg8[%dma_wait3A_173, %dma_wait3A_182, %dma_wait3A_183] : memref<2x1000x64xf32, #tpu.memory_space<vmem>> -> memref<1x1000x64xf32, #tpu.memory_space<vmem>>
    %dma_wait3A_185 = tpu.memref_squeeze %dma_wait3A_184 : memref<1x1000x64xf32, #tpu.memory_space<vmem>> -> memref<1000x64xf32, #tpu.memory_space<vmem>>
    tpu.wait_dma2 semaphore(%arg11 : memref<!tpu.dma_semaphore, #tpu.memory_space<semaphore_mem>>) src(%dma_wait3A_185 : memref<1000x64xf32, #tpu.memory_space<vmem>>) dst(%dma_wait3A_181 : memref<1000x64xf32, #tpu.memory_space<hbm>>)
    %run_scoped3A_186 = arith.constant 0 : i32
    "tpu.region"() ({
      %run_scoped3A_530 = tpu.sem_alloc : memref<!tpu.dma_semaphore, #tpu.memory_space<semaphore_mem>>
      %dma_start3A_531 = arith.constant 0 : i32
      %dma_start3A_532 = tpu.memref_slice %arg7[%run_scoped3A_186, %dma_start3A_531] : memref<2x1000xi32, #tpu.memory_space<vmem>> -> memref<1x1000xi32, #tpu.memory_space<vmem>>
      %dma_start3A_533 = tpu.memref_squeeze %dma_start3A_532 : memref<1x1000xi32, #tpu.memory_space<vmem>> -> memref<1000xi32, #tpu.memory_space<vmem>>
      %dma_start3A_534 = tpu.memref_slice %arg4[%add3A_12] : memref<160000xi32, #tpu.memory_space<hbm>> -> memref<1000xi32, #tpu.memory_space<hbm>>
      %dma_start3A_535 = arith.constant 0 : i32
      %dma_start3A_536 = tpu.memref_slice %arg7[%run_scoped3A_186, %dma_start3A_535] : memref<2x1000xi32, #tpu.memory_space<vmem>> -> memref<1x1000xi32, #tpu.memory_space<vmem>>
      %dma_start3A_537 = tpu.memref_squeeze %dma_start3A_536 : memref<1x1000xi32, #tpu.memory_space<vmem>> -> memref<1000xi32, #tpu.memory_space<vmem>>
      %dma_start3A_538 = tpu.memref_slice %arg4[%add3A_12] : memref<160000xi32, #tpu.memory_space<hbm>> -> memref<1000xi32, #tpu.memory_space<hbm>>
      tpu.enqueue_dma source(%dma_start3A_538 : memref<1000xi32, #tpu.memory_space<hbm>>) target(%dma_start3A_537 : memref<1000xi32, #tpu.memory_space<vmem>>) target_semaphore(%run_scoped3A_530 : memref<!tpu.dma_semaphore, #tpu.memory_space<semaphore_mem>>)
      %dma_wait3A_539 = arith.constant 0 : i32
      %dma_wait3A_540 = tpu.memref_slice %arg7[%run_scoped3A_186, %dma_wait3A_539] : memref<2x1000xi32, #tpu.memory_space<vmem>> -> memref<1x1000xi32, #tpu.memory_space<vmem>>
      %dma_wait3A_541 = tpu.memref_squeeze %dma_wait3A_540 : memref<1x1000xi32, #tpu.memory_space<vmem>> -> memref<1000xi32, #tpu.memory_space<vmem>>
      %dma_wait3A_542 = tpu.memref_slice %arg4[%add3A_12] : memref<160000xi32, #tpu.memory_space<hbm>> -> memref<1000xi32, #tpu.memory_space<hbm>>
      %dma_wait3A_543 = arith.constant 0 : i32
      %dma_wait3A_544 = tpu.memref_slice %arg7[%run_scoped3A_186, %dma_wait3A_543] : memref<2x1000xi32, #tpu.memory_space<vmem>> -> memref<1x1000xi32, #tpu.memory_space<vmem>>
      %dma_wait3A_545 = tpu.memref_squeeze %dma_wait3A_544 : memref<1x1000xi32, #tpu.memory_space<vmem>> -> memref<1000xi32, #tpu.memory_space<vmem>>
      %dma_wait3A_546 = tpu.memref_slice %arg4[%add3A_12] : memref<160000xi32, #tpu.memory_space<hbm>> -> memref<1000xi32, #tpu.memory_space<hbm>>
      tpu.wait_dma2 semaphore(%run_scoped3A_530 : memref<!tpu.dma_semaphore, #tpu.memory_space<semaphore_mem>>) src(%dma_wait3A_546 : memref<1000xi32, #tpu.memory_space<hbm>>) dst(%dma_wait3A_545 : memref<1000xi32, #tpu.memory_space<vmem>>)
      tpu.yield
    }) : () -> ()
    %dma_start3A_187 = arith.constant 0 : i32
    %dma_start3A_188 = arith.constant 0 : i32
    %dma_start3A_189 = arith.constant 0 : i32
    %dma_start3A_190 = arith.constant 0 : i32
    %dma_start3A_191 = tpu.memref_slice %arg8[%dma_start3A_188, %dma_start3A_189, %dma_start3A_190] : memref<2x1000x64xf32, #tpu.memory_space<vmem>> -> memref<1x1000x64xf32, #tpu.memory_space<vmem>>
    %dma_start3A_192 = tpu.memref_squeeze %dma_start3A_191 : memref<1x1000x64xf32, #tpu.memory_space<vmem>> -> memref<1000x64xf32, #tpu.memory_space<vmem>>
    %dma_start3A_193 = arith.constant 0 : i32
    %dma_start3A_194 = tpu.memref_slice %arg7[%dma_start3A_187, %dma_start3A_193] : memref<2x1000xi32, #tpu.memory_space<vmem>> -> memref<1x1000xi32, #tpu.memory_space<vmem>>
    %dma_start3A_195 = tpu.memref_squeeze %dma_start3A_194 : memref<1x1000xi32, #tpu.memory_space<vmem>> -> memref<1000xi32, #tpu.memory_space<vmem>>
    %dma_start3A_196 = arith.constant 0 : i32
    %dma_start3A_197 = arith.constant 0 : i32
    %dma_start3A_198 = tpu.memref_slice %arg2[%dma_start3A_196, %dma_start3A_197] : memref<10000x64xf32, #tpu.memory_space<hbm>> -> memref<10000x64xf32, #tpu.memory_space<hbm>>
    tpu.enqueue_indirect_dma source(%dma_start3A_198 : memref<10000x64xf32, #tpu.memory_space<hbm>>) target(%dma_start3A_192 : memref<1000x64xf32, #tpu.memory_space<vmem>>) offsets(%dma_start3A_195 : memref<1000xi32, #tpu.memory_space<vmem>>) semaphore(%arg9 : memref<!tpu.dma_semaphore, #tpu.memory_space<semaphore_mem>>)
    %dma_wait3A_199 = arith.constant 1 : i32
    %dma_wait3A_200 = arith.constant 1 : i32
    %dma_wait3A_201 = arith.constant 0 : i32
    %dma_wait3A_202 = arith.constant 0 : i32
    %dma_wait3A_203 = tpu.memref_slice %arg8[%dma_wait3A_200, %dma_wait3A_201, %dma_wait3A_202] : memref<2x1000x64xf32, #tpu.memory_space<vmem>> -> memref<1x1000x64xf32, #tpu.memory_space<vmem>>
    %dma_wait3A_204 = tpu.memref_squeeze %dma_wait3A_203 : memref<1x1000x64xf32, #tpu.memory_space<vmem>> -> memref<1000x64xf32, #tpu.memory_space<vmem>>
    %dma_wait3A_205 = arith.constant 0 : i32
    %dma_wait3A_206 = tpu.memref_slice %arg7[%dma_wait3A_199, %dma_wait3A_205] : memref<2x1000xi32, #tpu.memory_space<vmem>> -> memref<1x1000xi32, #tpu.memory_space<vmem>>
    %dma_wait3A_207 = tpu.memref_squeeze %dma_wait3A_206 : memref<1x1000xi32, #tpu.memory_space<vmem>> -> memref<1000xi32, #tpu.memory_space<vmem>>
    %dma_wait3A_208 = arith.constant 0 : i32
    %dma_wait3A_209 = arith.constant 0 : i32
    %dma_wait3A_210 = tpu.memref_slice %arg2[%dma_wait3A_208, %dma_wait3A_209] : memref<10000x64xf32, #tpu.memory_space<hbm>> -> memref<10000x64xf32, #tpu.memory_space<hbm>>
    tpu.wait_indirect_dma semaphore(%arg10 : memref<!tpu.dma_semaphore, #tpu.memory_space<semaphore_mem>>) src(%dma_wait3A_210 : memref<10000x64xf32, #tpu.memory_space<hbm>>) dst(%dma_wait3A_204 : memref<1000x64xf32, #tpu.memory_space<vmem>>)
    %dma_start3A_211 = arith.constant 1 : i32
    %dma_start3A_212 = arith.constant 0 : i32
    %dma_start3A_213 = arith.constant 0 : i32
    %dma_start3A_214 = tpu.memref_slice %arg8[%dma_start3A_211, %dma_start3A_212, %dma_start3A_213] : memref<2x1000x64xf32, #tpu.memory_space<vmem>> -> memref<1x1000x64xf32, #tpu.memory_space<vmem>>
    %dma_start3A_215 = tpu.memref_squeeze %dma_start3A_214 : memref<1x1000x64xf32, #tpu.memory_space<vmem>> -> memref<1000x64xf32, #tpu.memory_space<vmem>>
    %dma_start3A_216 = arith.constant 0 : i32
    %dma_start3A_217 = tpu.memref_slice %arg6[%add3A_10, %dma_start3A_216] : memref<160000x128xf32, #tpu.memory_space<hbm>> -> memref<1000x64xf32, #tpu.memory_space<hbm>>
    %dma_start3A_218 = arith.constant 0 : i32
    %dma_start3A_219 = tpu.memref_slice %arg6[%add3A_10, %dma_start3A_218] : memref<160000x128xf32, #tpu.memory_space<hbm>> -> memref<1000x64xf32, #tpu.memory_space<hbm>>
    %dma_start3A_220 = arith.constant 0 : i32
    %dma_start3A_221 = arith.constant 0 : i32
    %dma_start3A_222 = tpu.memref_slice %arg8[%dma_start3A_211, %dma_start3A_220, %dma_start3A_221] : memref<2x1000x64xf32, #tpu.memory_space<vmem>> -> memref<1x1000x64xf32, #tpu.memory_space<vmem>>
    %dma_start3A_223 = tpu.memref_squeeze %dma_start3A_222 : memref<1x1000x64xf32, #tpu.memory_space<vmem>> -> memref<1000x64xf32, #tpu.memory_space<vmem>>
    tpu.enqueue_dma source(%dma_start3A_223 : memref<1000x64xf32, #tpu.memory_space<vmem>>) target(%dma_start3A_219 : memref<1000x64xf32, #tpu.memory_space<hbm>>) target_semaphore(%arg12 : memref<!tpu.dma_semaphore, #tpu.memory_space<semaphore_mem>>)
    %dma_wait3A_224 = arith.constant 1 : i32
    %dma_wait3A_225 = arith.constant 0 : i32
    %dma_wait3A_226 = arith.constant 0 : i32
    %dma_wait3A_227 = tpu.memref_slice %arg8[%dma_wait3A_224, %dma_wait3A_225, %dma_wait3A_226] : memref<2x1000x64xf32, #tpu.memory_space<vmem>> -> memref<1x1000x64xf32, #tpu.memory_space<vmem>>
    %dma_wait3A_228 = tpu.memref_squeeze %dma_wait3A_227 : memref<1x1000x64xf32, #tpu.memory_space<vmem>> -> memref<1000x64xf32, #tpu.memory_space<vmem>>
    %dma_wait3A_229 = arith.constant 0 : i32
    %dma_wait3A_230 = tpu.memref_slice %arg6[%add3A_10, %dma_wait3A_229] : memref<160000x128xf32, #tpu.memory_space<hbm>> -> memref<1000x64xf32, #tpu.memory_space<hbm>>
    %dma_wait3A_231 = arith.constant 0 : i32
    %dma_wait3A_232 = tpu.memref_slice %arg6[%add3A_10, %dma_wait3A_231] : memref<160000x128xf32, #tpu.memory_space<hbm>> -> memref<1000x64xf32, #tpu.memory_space<hbm>>
    %dma_wait3A_233 = arith.constant 0 : i32
    %dma_wait3A_234 = arith.constant 0 : i32
    %dma_wait3A_235 = tpu.memref_slice %arg8[%dma_wait3A_224, %dma_wait3A_233, %dma_wait3A_234] : memref<2x1000x64xf32, #tpu.memory_space<vmem>> -> memref<1x1000x64xf32, #tpu.memory_space<vmem>>
    %dma_wait3A_236 = tpu.memref_squeeze %dma_wait3A_235 : memref<1x1000x64xf32, #tpu.memory_space<vmem>> -> memref<1000x64xf32, #tpu.memory_space<vmem>>
    tpu.wait_dma2 semaphore(%arg12 : memref<!tpu.dma_semaphore, #tpu.memory_space<semaphore_mem>>) src(%dma_wait3A_236 : memref<1000x64xf32, #tpu.memory_space<vmem>>) dst(%dma_wait3A_232 : memref<1000x64xf32, #tpu.memory_space<hbm>>)
    %run_scoped3A_237 = arith.constant 1 : i32
    "tpu.region"() ({
      %run_scoped3A_530 = tpu.sem_alloc : memref<!tpu.dma_semaphore, #tpu.memory_space<semaphore_mem>>
      %dma_start3A_531 = arith.constant 0 : i32
      %dma_start3A_532 = tpu.memref_slice %arg7[%run_scoped3A_237, %dma_start3A_531] : memref<2x1000xi32, #tpu.memory_space<vmem>> -> memref<1x1000xi32, #tpu.memory_space<vmem>>
      %dma_start3A_533 = tpu.memref_squeeze %dma_start3A_532 : memref<1x1000xi32, #tpu.memory_space<vmem>> -> memref<1000xi32, #tpu.memory_space<vmem>>
      %dma_start3A_534 = tpu.memref_slice %arg5[%add3A_14] : memref<160000xi32, #tpu.memory_space<hbm>> -> memref<1000xi32, #tpu.memory_space<hbm>>
      %dma_start3A_535 = arith.constant 0 : i32
      %dma_start3A_536 = tpu.memref_slice %arg7[%run_scoped3A_237, %dma_start3A_535] : memref<2x1000xi32, #tpu.memory_space<vmem>> -> memref<1x1000xi32, #tpu.memory_space<vmem>>
      %dma_start3A_537 = tpu.memref_squeeze %dma_start3A_536 : memref<1x1000xi32, #tpu.memory_space<vmem>> -> memref<1000xi32, #tpu.memory_space<vmem>>
      %dma_start3A_538 = tpu.memref_slice %arg5[%add3A_14] : memref<160000xi32, #tpu.memory_space<hbm>> -> memref<1000xi32, #tpu.memory_space<hbm>>
      tpu.enqueue_dma source(%dma_start3A_538 : memref<1000xi32, #tpu.memory_space<hbm>>) target(%dma_start3A_537 : memref<1000xi32, #tpu.memory_space<vmem>>) target_semaphore(%run_scoped3A_530 : memref<!tpu.dma_semaphore, #tpu.memory_space<semaphore_mem>>)
      %dma_wait3A_539 = arith.constant 0 : i32
      %dma_wait3A_540 = tpu.memref_slice %arg7[%run_scoped3A_237, %dma_wait3A_539] : memref<2x1000xi32, #tpu.memory_space<vmem>> -> memref<1x1000xi32, #tpu.memory_space<vmem>>
      %dma_wait3A_541 = tpu.memref_squeeze %dma_wait3A_540 : memref<1x1000xi32, #tpu.memory_space<vmem>> -> memref<1000xi32, #tpu.memory_space<vmem>>
      %dma_wait3A_542 = tpu.memref_slice %arg5[%add3A_14] : memref<160000xi32, #tpu.memory_space<hbm>> -> memref<1000xi32, #tpu.memory_space<hbm>>
      %dma_wait3A_543 = arith.constant 0 : i32
      %dma_wait3A_544 = tpu.memref_slice %arg7[%run_scoped3A_237, %dma_wait3A_543] : memref<2x1000xi32, #tpu.memory_space<vmem>> -> memref<1x1000xi32, #tpu.memory_space<vmem>>
      %dma_wait3A_545 = tpu.memref_squeeze %dma_wait3A_544 : memref<1x1000xi32, #tpu.memory_space<vmem>> -> memref<1000xi32, #tpu.memory_space<vmem>>
      %dma_wait3A_546 = tpu.memref_slice %arg5[%add3A_14] : memref<160000xi32, #tpu.memory_space<hbm>> -> memref<1000xi32, #tpu.memory_space<hbm>>
      tpu.wait_dma2 semaphore(%run_scoped3A_530 : memref<!tpu.dma_semaphore, #tpu.memory_space<semaphore_mem>>) src(%dma_wait3A_546 : memref<1000xi32, #tpu.memory_space<hbm>>) dst(%dma_wait3A_545 : memref<1000xi32, #tpu.memory_space<vmem>>)
      tpu.yield
    }) : () -> ()
    %dma_start3A_238 = arith.constant 1 : i32
    %dma_start3A_239 = arith.constant 1 : i32
    %dma_start3A_240 = arith.constant 0 : i32
    %dma_start3A_241 = arith.constant 0 : i32
    %dma_start3A_242 = tpu.memref_slice %arg8[%dma_start3A_239, %dma_start3A_240, %dma_start3A_241] : memref<2x1000x64xf32, #tpu.memory_space<vmem>> -> memref<1x1000x64xf32, #tpu.memory_space<vmem>>
    %dma_start3A_243 = tpu.memref_squeeze %dma_start3A_242 : memref<1x1000x64xf32, #tpu.memory_space<vmem>> -> memref<1000x64xf32, #tpu.memory_space<vmem>>
    %dma_start3A_244 = arith.constant 0 : i32
    %dma_start3A_245 = tpu.memref_slice %arg7[%dma_start3A_238, %dma_start3A_244] : memref<2x1000xi32, #tpu.memory_space<vmem>> -> memref<1x1000xi32, #tpu.memory_space<vmem>>
    %dma_start3A_246 = tpu.memref_squeeze %dma_start3A_245 : memref<1x1000xi32, #tpu.memory_space<vmem>> -> memref<1000xi32, #tpu.memory_space<vmem>>
    %dma_start3A_247 = arith.constant 0 : i32
    %dma_start3A_248 = arith.constant 0 : i32
    %dma_start3A_249 = tpu.memref_slice %arg3[%dma_start3A_247, %dma_start3A_248] : memref<10000x64xf32, #tpu.memory_space<hbm>> -> memref<10000x64xf32, #tpu.memory_space<hbm>>
    tpu.enqueue_indirect_dma source(%dma_start3A_249 : memref<10000x64xf32, #tpu.memory_space<hbm>>) target(%dma_start3A_243 : memref<1000x64xf32, #tpu.memory_space<vmem>>) offsets(%dma_start3A_246 : memref<1000xi32, #tpu.memory_space<vmem>>) semaphore(%arg10 : memref<!tpu.dma_semaphore, #tpu.memory_space<semaphore_mem>>)
    %dma_wait3A_250 = arith.constant 0 : i32
    %dma_wait3A_251 = arith.constant 0 : i32
    %dma_wait3A_252 = arith.constant 0 : i32
    %dma_wait3A_253 = arith.constant 0 : i32
    %dma_wait3A_254 = tpu.memref_slice %arg8[%dma_wait3A_251, %dma_wait3A_252, %dma_wait3A_253] : memref<2x1000x64xf32, #tpu.memory_space<vmem>> -> memref<1x1000x64xf32, #tpu.memory_space<vmem>>
    %dma_wait3A_255 = tpu.memref_squeeze %dma_wait3A_254 : memref<1x1000x64xf32, #tpu.memory_space<vmem>> -> memref<1000x64xf32, #tpu.memory_space<vmem>>
    %dma_wait3A_256 = arith.constant 0 : i32
    %dma_wait3A_257 = tpu.memref_slice %arg7[%dma_wait3A_250, %dma_wait3A_256] : memref<2x1000xi32, #tpu.memory_space<vmem>> -> memref<1x1000xi32, #tpu.memory_space<vmem>>
    %dma_wait3A_258 = tpu.memref_squeeze %dma_wait3A_257 : memref<1x1000xi32, #tpu.memory_space<vmem>> -> memref<1000xi32, #tpu.memory_space<vmem>>
    %dma_wait3A_259 = arith.constant 0 : i32
    %dma_wait3A_260 = arith.constant 0 : i32
    %dma_wait3A_261 = tpu.memref_slice %arg2[%dma_wait3A_259, %dma_wait3A_260] : memref<10000x64xf32, #tpu.memory_space<hbm>> -> memref<10000x64xf32, #tpu.memory_space<hbm>>
    tpu.wait_indirect_dma semaphore(%arg9 : memref<!tpu.dma_semaphore, #tpu.memory_space<semaphore_mem>>) src(%dma_wait3A_261 : memref<10000x64xf32, #tpu.memory_space<hbm>>) dst(%dma_wait3A_255 : memref<1000x64xf32, #tpu.memory_space<vmem>>)
    %dma_start3A_262 = arith.constant 0 : i32
    %dma_start3A_263 = arith.constant 0 : i32
    %dma_start3A_264 = arith.constant 0 : i32
    %dma_start3A_265 = tpu.memref_slice %arg8[%dma_start3A_262, %dma_start3A_263, %dma_start3A_264] : memref<2x1000x64xf32, #tpu.memory_space<vmem>> -> memref<1x1000x64xf32, #tpu.memory_space<vmem>>
    %dma_start3A_266 = tpu.memref_squeeze %dma_start3A_265 : memref<1x1000x64xf32, #tpu.memory_space<vmem>> -> memref<1000x64xf32, #tpu.memory_space<vmem>>
    %dma_start3A_267 = arith.constant 0 : i32
    %dma_start3A_268 = tpu.memref_slice %arg6[%add3A_12, %dma_start3A_267] : memref<160000x128xf32, #tpu.memory_space<hbm>> -> memref<1000x64xf32, #tpu.memory_space<hbm>>
    %dma_start3A_269 = arith.constant 0 : i32
    %dma_start3A_270 = tpu.memref_slice %arg6[%add3A_12, %dma_start3A_269] : memref<160000x128xf32, #tpu.memory_space<hbm>> -> memref<1000x64xf32, #tpu.memory_space<hbm>>
    %dma_start3A_271 = arith.constant 0 : i32
    %dma_start3A_272 = arith.constant 0 : i32
    %dma_start3A_273 = tpu.memref_slice %arg8[%dma_start3A_262, %dma_start3A_271, %dma_start3A_272] : memref<2x1000x64xf32, #tpu.memory_space<vmem>> -> memref<1x1000x64xf32, #tpu.memory_space<vmem>>
    %dma_start3A_274 = tpu.memref_squeeze %dma_start3A_273 : memref<1x1000x64xf32, #tpu.memory_space<vmem>> -> memref<1000x64xf32, #tpu.memory_space<vmem>>
    tpu.enqueue_dma source(%dma_start3A_274 : memref<1000x64xf32, #tpu.memory_space<vmem>>) target(%dma_start3A_270 : memref<1000x64xf32, #tpu.memory_space<hbm>>) target_semaphore(%arg11 : memref<!tpu.dma_semaphore, #tpu.memory_space<semaphore_mem>>)
    %dma_wait3A_275 = arith.constant 0 : i32
    %dma_wait3A_276 = arith.constant 0 : i32
    %dma_wait3A_277 = arith.constant 0 : i32
    %dma_wait3A_278 = tpu.memref_slice %arg8[%dma_wait3A_275, %dma_wait3A_276, %dma_wait3A_277] : memref<2x1000x64xf32, #tpu.memory_space<vmem>> -> memref<1x1000x64xf32, #tpu.memory_space<vmem>>
    %dma_wait3A_279 = tpu.memref_squeeze %dma_wait3A_278 : memref<1x1000x64xf32, #tpu.memory_space<vmem>> -> memref<1000x64xf32, #tpu.memory_space<vmem>>
    %dma_wait3A_280 = arith.constant 0 : i32
    %dma_wait3A_281 = tpu.memref_slice %arg6[%add3A_12, %dma_wait3A_280] : memref<160000x128xf32, #tpu.memory_space<hbm>> -> memref<1000x64xf32, #tpu.memory_space<hbm>>
    %dma_wait3A_282 = arith.constant 0 : i32
    %dma_wait3A_283 = tpu.memref_slice %arg6[%add3A_12, %dma_wait3A_282] : memref<160000x128xf32, #tpu.memory_space<hbm>> -> memref<1000x64xf32, #tpu.memory_space<hbm>>
    %dma_wait3A_284 = arith.constant 0 : i32
    %dma_wait3A_285 = arith.constant 0 : i32
    %dma_wait3A_286 = tpu.memref_slice %arg8[%dma_wait3A_275, %dma_wait3A_284, %dma_wait3A_285] : memref<2x1000x64xf32, #tpu.memory_space<vmem>> -> memref<1x1000x64xf32, #tpu.memory_space<vmem>>
    %dma_wait3A_287 = tpu.memref_squeeze %dma_wait3A_286 : memref<1x1000x64xf32, #tpu.memory_space<vmem>> -> memref<1000x64xf32, #tpu.memory_space<vmem>>
    tpu.wait_dma2 semaphore(%arg11 : memref<!tpu.dma_semaphore, #tpu.memory_space<semaphore_mem>>) src(%dma_wait3A_287 : memref<1000x64xf32, #tpu.memory_space<vmem>>) dst(%dma_wait3A_283 : memref<1000x64xf32, #tpu.memory_space<hbm>>)
    %run_scoped3A_288 = arith.constant 0 : i32
    "tpu.region"() ({
      %run_scoped3A_530 = tpu.sem_alloc : memref<!tpu.dma_semaphore, #tpu.memory_space<semaphore_mem>>
      %dma_start3A_531 = arith.constant 0 : i32
      %dma_start3A_532 = tpu.memref_slice %arg7[%run_scoped3A_288, %dma_start3A_531] : memref<2x1000xi32, #tpu.memory_space<vmem>> -> memref<1x1000xi32, #tpu.memory_space<vmem>>
      %dma_start3A_533 = tpu.memref_squeeze %dma_start3A_532 : memref<1x1000xi32, #tpu.memory_space<vmem>> -> memref<1000xi32, #tpu.memory_space<vmem>>
      %dma_start3A_534 = tpu.memref_slice %arg5[%add3A_16] : memref<160000xi32, #tpu.memory_space<hbm>> -> memref<1000xi32, #tpu.memory_space<hbm>>
      %dma_start3A_535 = arith.constant 0 : i32
      %dma_start3A_536 = tpu.memref_slice %arg7[%run_scoped3A_288, %dma_start3A_535] : memref<2x1000xi32, #tpu.memory_space<vmem>> -> memref<1x1000xi32, #tpu.memory_space<vmem>>
      %dma_start3A_537 = tpu.memref_squeeze %dma_start3A_536 : memref<1x1000xi32, #tpu.memory_space<vmem>> -> memref<1000xi32, #tpu.memory_space<vmem>>
      %dma_start3A_538 = tpu.memref_slice %arg5[%add3A_16] : memref<160000xi32, #tpu.memory_space<hbm>> -> memref<1000xi32, #tpu.memory_space<hbm>>
      tpu.enqueue_dma source(%dma_start3A_538 : memref<1000xi32, #tpu.memory_space<hbm>>) target(%dma_start3A_537 : memref<1000xi32, #tpu.memory_space<vmem>>) target_semaphore(%run_scoped3A_530 : memref<!tpu.dma_semaphore, #tpu.memory_space<semaphore_mem>>)
      %dma_wait3A_539 = arith.constant 0 : i32
      %dma_wait3A_540 = tpu.memref_slice %arg7[%run_scoped3A_288, %dma_wait3A_539] : memref<2x1000xi32, #tpu.memory_space<vmem>> -> memref<1x1000xi32, #tpu.memory_space<vmem>>
      %dma_wait3A_541 = tpu.memref_squeeze %dma_wait3A_540 : memref<1x1000xi32, #tpu.memory_space<vmem>> -> memref<1000xi32, #tpu.memory_space<vmem>>
      %dma_wait3A_542 = tpu.memref_slice %arg5[%add3A_16] : memref<160000xi32, #tpu.memory_space<hbm>> -> memref<1000xi32, #tpu.memory_space<hbm>>
      %dma_wait3A_543 = arith.constant 0 : i32
      %dma_wait3A_544 = tpu.memref_slice %arg7[%run_scoped3A_288, %dma_wait3A_543] : memref<2x1000xi32, #tpu.memory_space<vmem>> -> memref<1x1000xi32, #tpu.memory_space<vmem>>
      %dma_wait3A_545 = tpu.memref_squeeze %dma_wait3A_544 : memref<1x1000xi32, #tpu.memory_space<vmem>> -> memref<1000xi32, #tpu.memory_space<vmem>>
      %dma_wait3A_546 = tpu.memref_slice %arg5[%add3A_16] : memref<160000xi32, #tpu.memory_space<hbm>> -> memref<1000xi32, #tpu.memory_space<hbm>>
      tpu.wait_dma2 semaphore(%run_scoped3A_530 : memref<!tpu.dma_semaphore, #tpu.memory_space<semaphore_mem>>) src(%dma_wait3A_546 : memref<1000xi32, #tpu.memory_space<hbm>>) dst(%dma_wait3A_545 : memref<1000xi32, #tpu.memory_space<vmem>>)
      tpu.yield
    }) : () -> ()
    %dma_start3A_289 = arith.constant 0 : i32
    %dma_start3A_290 = arith.constant 0 : i32
    %dma_start3A_291 = arith.constant 0 : i32
    %dma_start3A_292 = arith.constant 0 : i32
    %dma_start3A_293 = tpu.memref_slice %arg8[%dma_start3A_290, %dma_start3A_291, %dma_start3A_292] : memref<2x1000x64xf32, #tpu.memory_space<vmem>> -> memref<1x1000x64xf32, #tpu.memory_space<vmem>>
    %dma_start3A_294 = tpu.memref_squeeze %dma_start3A_293 : memref<1x1000x64xf32, #tpu.memory_space<vmem>> -> memref<1000x64xf32, #tpu.memory_space<vmem>>
    %dma_start3A_295 = arith.constant 0 : i32
    %dma_start3A_296 = tpu.memref_slice %arg7[%dma_start3A_289, %dma_start3A_295] : memref<2x1000xi32, #tpu.memory_space<vmem>> -> memref<1x1000xi32, #tpu.memory_space<vmem>>
    %dma_start3A_297 = tpu.memref_squeeze %dma_start3A_296 : memref<1x1000xi32, #tpu.memory_space<vmem>> -> memref<1000xi32, #tpu.memory_space<vmem>>
    %dma_start3A_298 = arith.constant 0 : i32
    %dma_start3A_299 = arith.constant 0 : i32
    %dma_start3A_300 = tpu.memref_slice %arg3[%dma_start3A_298, %dma_start3A_299] : memref<10000x64xf32, #tpu.memory_space<hbm>> -> memref<10000x64xf32, #tpu.memory_space<hbm>>
    tpu.enqueue_indirect_dma source(%dma_start3A_300 : memref<10000x64xf32, #tpu.memory_space<hbm>>) target(%dma_start3A_294 : memref<1000x64xf32, #tpu.memory_space<vmem>>) offsets(%dma_start3A_297 : memref<1000xi32, #tpu.memory_space<vmem>>) semaphore(%arg9 : memref<!tpu.dma_semaphore, #tpu.memory_space<semaphore_mem>>)
    %dma_wait3A_301 = arith.constant 1 : i32
    %dma_wait3A_302 = arith.constant 1 : i32
    %dma_wait3A_303 = arith.constant 0 : i32
    %dma_wait3A_304 = arith.constant 0 : i32
    %dma_wait3A_305 = tpu.memref_slice %arg8[%dma_wait3A_302, %dma_wait3A_303, %dma_wait3A_304] : memref<2x1000x64xf32, #tpu.memory_space<vmem>> -> memref<1x1000x64xf32, #tpu.memory_space<vmem>>
    %dma_wait3A_306 = tpu.memref_squeeze %dma_wait3A_305 : memref<1x1000x64xf32, #tpu.memory_space<vmem>> -> memref<1000x64xf32, #tpu.memory_space<vmem>>
    %dma_wait3A_307 = arith.constant 0 : i32
    %dma_wait3A_308 = tpu.memref_slice %arg7[%dma_wait3A_301, %dma_wait3A_307] : memref<2x1000xi32, #tpu.memory_space<vmem>> -> memref<1x1000xi32, #tpu.memory_space<vmem>>
    %dma_wait3A_309 = tpu.memref_squeeze %dma_wait3A_308 : memref<1x1000xi32, #tpu.memory_space<vmem>> -> memref<1000xi32, #tpu.memory_space<vmem>>
    %dma_wait3A_310 = arith.constant 0 : i32
    %dma_wait3A_311 = arith.constant 0 : i32
    %dma_wait3A_312 = tpu.memref_slice %arg3[%dma_wait3A_310, %dma_wait3A_311] : memref<10000x64xf32, #tpu.memory_space<hbm>> -> memref<10000x64xf32, #tpu.memory_space<hbm>>
    tpu.wait_indirect_dma semaphore(%arg10 : memref<!tpu.dma_semaphore, #tpu.memory_space<semaphore_mem>>) src(%dma_wait3A_312 : memref<10000x64xf32, #tpu.memory_space<hbm>>) dst(%dma_wait3A_306 : memref<1000x64xf32, #tpu.memory_space<vmem>>)
    %dma_start3A_313 = arith.constant 1 : i32
    %dma_start3A_314 = arith.constant 0 : i32
    %dma_start3A_315 = arith.constant 0 : i32
    %dma_start3A_316 = tpu.memref_slice %arg8[%dma_start3A_313, %dma_start3A_314, %dma_start3A_315] : memref<2x1000x64xf32, #tpu.memory_space<vmem>> -> memref<1x1000x64xf32, #tpu.memory_space<vmem>>
    %dma_start3A_317 = tpu.memref_squeeze %dma_start3A_316 : memref<1x1000x64xf32, #tpu.memory_space<vmem>> -> memref<1000x64xf32, #tpu.memory_space<vmem>>
    %dma_start3A_318 = arith.constant 64 : i32
    %dma_start3A_319 = tpu.memref_slice %arg6[%add3A_14, %dma_start3A_318] : memref<160000x128xf32, #tpu.memory_space<hbm>> -> memref<1000x64xf32, #tpu.memory_space<hbm>>
    %dma_start3A_320 = arith.constant 64 : i32
    %dma_start3A_321 = tpu.memref_slice %arg6[%add3A_14, %dma_start3A_320] : memref<160000x128xf32, #tpu.memory_space<hbm>> -> memref<1000x64xf32, #tpu.memory_space<hbm>>
    %dma_start3A_322 = arith.constant 0 : i32
    %dma_start3A_323 = arith.constant 0 : i32
    %dma_start3A_324 = tpu.memref_slice %arg8[%dma_start3A_313, %dma_start3A_322, %dma_start3A_323] : memref<2x1000x64xf32, #tpu.memory_space<vmem>> -> memref<1x1000x64xf32, #tpu.memory_space<vmem>>
    %dma_start3A_325 = tpu.memref_squeeze %dma_start3A_324 : memref<1x1000x64xf32, #tpu.memory_space<vmem>> -> memref<1000x64xf32, #tpu.memory_space<vmem>>
    tpu.enqueue_dma source(%dma_start3A_325 : memref<1000x64xf32, #tpu.memory_space<vmem>>) target(%dma_start3A_321 : memref<1000x64xf32, #tpu.memory_space<hbm>>) target_semaphore(%arg12 : memref<!tpu.dma_semaphore, #tpu.memory_space<semaphore_mem>>)
    %dma_wait3A_326 = arith.constant 1 : i32
    %dma_wait3A_327 = arith.constant 0 : i32
    %dma_wait3A_328 = arith.constant 0 : i32
    %dma_wait3A_329 = tpu.memref_slice %arg8[%dma_wait3A_326, %dma_wait3A_327, %dma_wait3A_328] : memref<2x1000x64xf32, #tpu.memory_space<vmem>> -> memref<1x1000x64xf32, #tpu.memory_space<vmem>>
    %dma_wait3A_330 = tpu.memref_squeeze %dma_wait3A_329 : memref<1x1000x64xf32, #tpu.memory_space<vmem>> -> memref<1000x64xf32, #tpu.memory_space<vmem>>
    %dma_wait3A_331 = arith.constant 64 : i32
    %dma_wait3A_332 = tpu.memref_slice %arg6[%add3A_14, %dma_wait3A_331] : memref<160000x128xf32, #tpu.memory_space<hbm>> -> memref<1000x64xf32, #tpu.memory_space<hbm>>
    %dma_wait3A_333 = arith.constant 64 : i32
    %dma_wait3A_334 = tpu.memref_slice %arg6[%add3A_14, %dma_wait3A_333] : memref<160000x128xf32, #tpu.memory_space<hbm>> -> memref<1000x64xf32, #tpu.memory_space<hbm>>
    %dma_wait3A_335 = arith.constant 0 : i32
    %dma_wait3A_336 = arith.constant 0 : i32
    %dma_wait3A_337 = tpu.memref_slice %arg8[%dma_wait3A_326, %dma_wait3A_335, %dma_wait3A_336] : memref<2x1000x64xf32, #tpu.memory_space<vmem>> -> memref<1x1000x64xf32, #tpu.memory_space<vmem>>
    %dma_wait3A_338 = tpu.memref_squeeze %dma_wait3A_337 : memref<1x1000x64xf32, #tpu.memory_space<vmem>> -> memref<1000x64xf32, #tpu.memory_space<vmem>>
    tpu.wait_dma2 semaphore(%arg12 : memref<!tpu.dma_semaphore, #tpu.memory_space<semaphore_mem>>) src(%dma_wait3A_338 : memref<1000x64xf32, #tpu.memory_space<vmem>>) dst(%dma_wait3A_334 : memref<1000x64xf32, #tpu.memory_space<hbm>>)
    %run_scoped3A_339 = arith.constant 1 : i32
    "tpu.region"() ({
      %run_scoped3A_530 = tpu.sem_alloc : memref<!tpu.dma_semaphore, #tpu.memory_space<semaphore_mem>>
      %dma_start3A_531 = arith.constant 0 : i32
      %dma_start3A_532 = tpu.memref_slice %arg7[%run_scoped3A_339, %dma_start3A_531] : memref<2x1000xi32, #tpu.memory_space<vmem>> -> memref<1x1000xi32, #tpu.memory_space<vmem>>
      %dma_start3A_533 = tpu.memref_squeeze %dma_start3A_532 : memref<1x1000xi32, #tpu.memory_space<vmem>> -> memref<1000xi32, #tpu.memory_space<vmem>>
      %dma_start3A_534 = tpu.memref_slice %arg5[%add3A_18] : memref<160000xi32, #tpu.memory_space<hbm>> -> memref<1000xi32, #tpu.memory_space<hbm>>
      %dma_start3A_535 = arith.constant 0 : i32
      %dma_start3A_536 = tpu.memref_slice %arg7[%run_scoped3A_339, %dma_start3A_535] : memref<2x1000xi32, #tpu.memory_space<vmem>> -> memref<1x1000xi32, #tpu.memory_space<vmem>>
      %dma_start3A_537 = tpu.memref_squeeze %dma_start3A_536 : memref<1x1000xi32, #tpu.memory_space<vmem>> -> memref<1000xi32, #tpu.memory_space<vmem>>
      %dma_start3A_538 = tpu.memref_slice %arg5[%add3A_18] : memref<160000xi32, #tpu.memory_space<hbm>> -> memref<1000xi32, #tpu.memory_space<hbm>>
      tpu.enqueue_dma source(%dma_start3A_538 : memref<1000xi32, #tpu.memory_space<hbm>>) target(%dma_start3A_537 : memref<1000xi32, #tpu.memory_space<vmem>>) target_semaphore(%run_scoped3A_530 : memref<!tpu.dma_semaphore, #tpu.memory_space<semaphore_mem>>)
      %dma_wait3A_539 = arith.constant 0 : i32
      %dma_wait3A_540 = tpu.memref_slice %arg7[%run_scoped3A_339, %dma_wait3A_539] : memref<2x1000xi32, #tpu.memory_space<vmem>> -> memref<1x1000xi32, #tpu.memory_space<vmem>>
      %dma_wait3A_541 = tpu.memref_squeeze %dma_wait3A_540 : memref<1x1000xi32, #tpu.memory_space<vmem>> -> memref<1000xi32, #tpu.memory_space<vmem>>
      %dma_wait3A_542 = tpu.memref_slice %arg5[%add3A_18] : memref<160000xi32, #tpu.memory_space<hbm>> -> memref<1000xi32, #tpu.memory_space<hbm>>
      %dma_wait3A_543 = arith.constant 0 : i32
      %dma_wait3A_544 = tpu.memref_slice %arg7[%run_scoped3A_339, %dma_wait3A_543] : memref<2x1000xi32, #tpu.memory_space<vmem>> -> memref<1x1000xi32, #tpu.memory_space<vmem>>
      %dma_wait3A_545 = tpu.memref_squeeze %dma_wait3A_544 : memref<1x1000xi32, #tpu.memory_space<vmem>> -> memref<1000xi32, #tpu.memory_space<vmem>>
      %dma_wait3A_546 = tpu.memref_slice %arg5[%add3A_18] : memref<160000xi32, #tpu.memory_space<hbm>> -> memref<1000xi32, #tpu.memory_space<hbm>>
      tpu.wait_dma2 semaphore(%run_scoped3A_530 : memref<!tpu.dma_semaphore, #tpu.memory_space<semaphore_mem>>) src(%dma_wait3A_546 : memref<1000xi32, #tpu.memory_space<hbm>>) dst(%dma_wait3A_545 : memref<1000xi32, #tpu.memory_space<vmem>>)
      tpu.yield
    }) : () -> ()
    %dma_start3A_340 = arith.constant 1 : i32
    %dma_start3A_341 = arith.constant 1 : i32
    %dma_start3A_342 = arith.constant 0 : i32
    %dma_start3A_343 = arith.constant 0 : i32
    %dma_start3A_344 = tpu.memref_slice %arg8[%dma_start3A_341, %dma_start3A_342, %dma_start3A_343] : memref<2x1000x64xf32, #tpu.memory_space<vmem>> -> memref<1x1000x64xf32, #tpu.memory_space<vmem>>
    %dma_start3A_345 = tpu.memref_squeeze %dma_start3A_344 : memref<1x1000x64xf32, #tpu.memory_space<vmem>> -> memref<1000x64xf32, #tpu.memory_space<vmem>>
    %dma_start3A_346 = arith.constant 0 : i32
    %dma_start3A_347 = tpu.memref_slice %arg7[%dma_start3A_340, %dma_start3A_346] : memref<2x1000xi32, #tpu.memory_space<vmem>> -> memref<1x1000xi32, #tpu.memory_space<vmem>>
    %dma_start3A_348 = tpu.memref_squeeze %dma_start3A_347 : memref<1x1000xi32, #tpu.memory_space<vmem>> -> memref<1000xi32, #tpu.memory_space<vmem>>
    %dma_start3A_349 = arith.constant 0 : i32
    %dma_start3A_350 = arith.constant 0 : i32
    %dma_start3A_351 = tpu.memref_slice %arg3[%dma_start3A_349, %dma_start3A_350] : memref<10000x64xf32, #tpu.memory_space<hbm>> -> memref<10000x64xf32, #tpu.memory_space<hbm>>
    tpu.enqueue_indirect_dma source(%dma_start3A_351 : memref<10000x64xf32, #tpu.memory_space<hbm>>) target(%dma_start3A_345 : memref<1000x64xf32, #tpu.memory_space<vmem>>) offsets(%dma_start3A_348 : memref<1000xi32, #tpu.memory_space<vmem>>) semaphore(%arg10 : memref<!tpu.dma_semaphore, #tpu.memory_space<semaphore_mem>>)
    %dma_wait3A_352 = arith.constant 0 : i32
    %dma_wait3A_353 = arith.constant 0 : i32
    %dma_wait3A_354 = arith.constant 0 : i32
    %dma_wait3A_355 = arith.constant 0 : i32
    %dma_wait3A_356 = tpu.memref_slice %arg8[%dma_wait3A_353, %dma_wait3A_354, %dma_wait3A_355] : memref<2x1000x64xf32, #tpu.memory_space<vmem>> -> memref<1x1000x64xf32, #tpu.memory_space<vmem>>
    %dma_wait3A_357 = tpu.memref_squeeze %dma_wait3A_356 : memref<1x1000x64xf32, #tpu.memory_space<vmem>> -> memref<1000x64xf32, #tpu.memory_space<vmem>>
    %dma_wait3A_358 = arith.constant 0 : i32
    %dma_wait3A_359 = tpu.memref_slice %arg7[%dma_wait3A_352, %dma_wait3A_358] : memref<2x1000xi32, #tpu.memory_space<vmem>> -> memref<1x1000xi32, #tpu.memory_space<vmem>>
    %dma_wait3A_360 = tpu.memref_squeeze %dma_wait3A_359 : memref<1x1000xi32, #tpu.memory_space<vmem>> -> memref<1000xi32, #tpu.memory_space<vmem>>
    %dma_wait3A_361 = arith.constant 0 : i32
    %dma_wait3A_362 = arith.constant 0 : i32
    %dma_wait3A_363 = tpu.memref_slice %arg3[%dma_wait3A_361, %dma_wait3A_362] : memref<10000x64xf32, #tpu.memory_space<hbm>> -> memref<10000x64xf32, #tpu.memory_space<hbm>>
    tpu.wait_indirect_dma semaphore(%arg9 : memref<!tpu.dma_semaphore, #tpu.memory_space<semaphore_mem>>) src(%dma_wait3A_363 : memref<10000x64xf32, #tpu.memory_space<hbm>>) dst(%dma_wait3A_357 : memref<1000x64xf32, #tpu.memory_space<vmem>>)
    %dma_start3A_364 = arith.constant 0 : i32
    %dma_start3A_365 = arith.constant 0 : i32
    %dma_start3A_366 = arith.constant 0 : i32
    %dma_start3A_367 = tpu.memref_slice %arg8[%dma_start3A_364, %dma_start3A_365, %dma_start3A_366] : memref<2x1000x64xf32, #tpu.memory_space<vmem>> -> memref<1x1000x64xf32, #tpu.memory_space<vmem>>
    %dma_start3A_368 = tpu.memref_squeeze %dma_start3A_367 : memref<1x1000x64xf32, #tpu.memory_space<vmem>> -> memref<1000x64xf32, #tpu.memory_space<vmem>>
    %dma_start3A_369 = arith.constant 64 : i32
    %dma_start3A_370 = tpu.memref_slice %arg6[%add3A_16, %dma_start3A_369] : memref<160000x128xf32, #tpu.memory_space<hbm>> -> memref<1000x64xf32, #tpu.memory_space<hbm>>
    %dma_start3A_371 = arith.constant 64 : i32
    %dma_start3A_372 = tpu.memref_slice %arg6[%add3A_16, %dma_start3A_371] : memref<160000x128xf32, #tpu.memory_space<hbm>> -> memref<1000x64xf32, #tpu.memory_space<hbm>>
    %dma_start3A_373 = arith.constant 0 : i32
    %dma_start3A_374 = arith.constant 0 : i32
    %dma_start3A_375 = tpu.memref_slice %arg8[%dma_start3A_364, %dma_start3A_373, %dma_start3A_374] : memref<2x1000x64xf32, #tpu.memory_space<vmem>> -> memref<1x1000x64xf32, #tpu.memory_space<vmem>>
    %dma_start3A_376 = tpu.memref_squeeze %dma_start3A_375 : memref<1x1000x64xf32, #tpu.memory_space<vmem>> -> memref<1000x64xf32, #tpu.memory_space<vmem>>
    tpu.enqueue_dma source(%dma_start3A_376 : memref<1000x64xf32, #tpu.memory_space<vmem>>) target(%dma_start3A_372 : memref<1000x64xf32, #tpu.memory_space<hbm>>) target_semaphore(%arg11 : memref<!tpu.dma_semaphore, #tpu.memory_space<semaphore_mem>>)
    %dma_wait3A_377 = arith.constant 0 : i32
    %dma_wait3A_378 = arith.constant 0 : i32
    %dma_wait3A_379 = arith.constant 0 : i32
    %dma_wait3A_380 = tpu.memref_slice %arg8[%dma_wait3A_377, %dma_wait3A_378, %dma_wait3A_379] : memref<2x1000x64xf32, #tpu.memory_space<vmem>> -> memref<1x1000x64xf32, #tpu.memory_space<vmem>>
    %dma_wait3A_381 = tpu.memref_squeeze %dma_wait3A_380 : memref<1x1000x64xf32, #tpu.memory_space<vmem>> -> memref<1000x64xf32, #tpu.memory_space<vmem>>
    %dma_wait3A_382 = arith.constant 64 : i32
    %dma_wait3A_383 = tpu.memref_slice %arg6[%add3A_16, %dma_wait3A_382] : memref<160000x128xf32, #tpu.memory_space<hbm>> -> memref<1000x64xf32, #tpu.memory_space<hbm>>
    %dma_wait3A_384 = arith.constant 64 : i32
    %dma_wait3A_385 = tpu.memref_slice %arg6[%add3A_16, %dma_wait3A_384] : memref<160000x128xf32, #tpu.memory_space<hbm>> -> memref<1000x64xf32, #tpu.memory_space<hbm>>
    %dma_wait3A_386 = arith.constant 0 : i32
    %dma_wait3A_387 = arith.constant 0 : i32
    %dma_wait3A_388 = tpu.memref_slice %arg8[%dma_wait3A_377, %dma_wait3A_386, %dma_wait3A_387] : memref<2x1000x64xf32, #tpu.memory_space<vmem>> -> memref<1x1000x64xf32, #tpu.memory_space<vmem>>
    %dma_wait3A_389 = tpu.memref_squeeze %dma_wait3A_388 : memref<1x1000x64xf32, #tpu.memory_space<vmem>> -> memref<1000x64xf32, #tpu.memory_space<vmem>>
    tpu.wait_dma2 semaphore(%arg11 : memref<!tpu.dma_semaphore, #tpu.memory_space<semaphore_mem>>) src(%dma_wait3A_389 : memref<1000x64xf32, #tpu.memory_space<vmem>>) dst(%dma_wait3A_385 : memref<1000x64xf32, #tpu.memory_space<hbm>>)
    %run_scoped3A_390 = arith.constant 0 : i32
    "tpu.region"() ({
      %run_scoped3A_530 = tpu.sem_alloc : memref<!tpu.dma_semaphore, #tpu.memory_space<semaphore_mem>>
      %dma_start3A_531 = arith.constant 0 : i32
      %dma_start3A_532 = tpu.memref_slice %arg7[%run_scoped3A_390, %dma_start3A_531] : memref<2x1000xi32, #tpu.memory_space<vmem>> -> memref<1x1000xi32, #tpu.memory_space<vmem>>
      %dma_start3A_533 = tpu.memref_squeeze %dma_start3A_532 : memref<1x1000xi32, #tpu.memory_space<vmem>> -> memref<1000xi32, #tpu.memory_space<vmem>>
      %dma_start3A_534 = tpu.memref_slice %arg5[%add3A_20] : memref<160000xi32, #tpu.memory_space<hbm>> -> memref<1000xi32, #tpu.memory_space<hbm>>
      %dma_start3A_535 = arith.constant 0 : i32
      %dma_start3A_536 = tpu.memref_slice %arg7[%run_scoped3A_390, %dma_start3A_535] : memref<2x1000xi32, #tpu.memory_space<vmem>> -> memref<1x1000xi32, #tpu.memory_space<vmem>>
      %dma_start3A_537 = tpu.memref_squeeze %dma_start3A_536 : memref<1x1000xi32, #tpu.memory_space<vmem>> -> memref<1000xi32, #tpu.memory_space<vmem>>
      %dma_start3A_538 = tpu.memref_slice %arg5[%add3A_20] : memref<160000xi32, #tpu.memory_space<hbm>> -> memref<1000xi32, #tpu.memory_space<hbm>>
      tpu.enqueue_dma source(%dma_start3A_538 : memref<1000xi32, #tpu.memory_space<hbm>>) target(%dma_start3A_537 : memref<1000xi32, #tpu.memory_space<vmem>>) target_semaphore(%run_scoped3A_530 : memref<!tpu.dma_semaphore, #tpu.memory_space<semaphore_mem>>)
      %dma_wait3A_539 = arith.constant 0 : i32
      %dma_wait3A_540 = tpu.memref_slice %arg7[%run_scoped3A_390, %dma_wait3A_539] : memref<2x1000xi32, #tpu.memory_space<vmem>> -> memref<1x1000xi32, #tpu.memory_space<vmem>>
      %dma_wait3A_541 = tpu.memref_squeeze %dma_wait3A_540 : memref<1x1000xi32, #tpu.memory_space<vmem>> -> memref<1000xi32, #tpu.memory_space<vmem>>
      %dma_wait3A_542 = tpu.memref_slice %arg5[%add3A_20] : memref<160000xi32, #tpu.memory_space<hbm>> -> memref<1000xi32, #tpu.memory_space<hbm>>
      %dma_wait3A_543 = arith.constant 0 : i32
      %dma_wait3A_544 = tpu.memref_slice %arg7[%run_scoped3A_390, %dma_wait3A_543] : memref<2x1000xi32, #tpu.memory_space<vmem>> -> memref<1x1000xi32, #tpu.memory_space<vmem>>
      %dma_wait3A_545 = tpu.memref_squeeze %dma_wait3A_544 : memref<1x1000xi32, #tpu.memory_space<vmem>> -> memref<1000xi32, #tpu.memory_space<vmem>>
      %dma_wait3A_546 = tpu.memref_slice %arg5[%add3A_20] : memref<160000xi32, #tpu.memory_space<hbm>> -> memref<1000xi32, #tpu.memory_space<hbm>>
      tpu.wait_dma2 semaphore(%run_scoped3A_530 : memref<!tpu.dma_semaphore, #tpu.memory_space<semaphore_mem>>) src(%dma_wait3A_546 : memref<1000xi32, #tpu.memory_space<hbm>>) dst(%dma_wait3A_545 : memref<1000xi32, #tpu.memory_space<vmem>>)
      tpu.yield
    }) : () -> ()
    %dma_start3A_391 = arith.constant 0 : i32
    %dma_start3A_392 = arith.constant 0 : i32
    %dma_start3A_393 = arith.constant 0 : i32
    %dma_start3A_394 = arith.constant 0 : i32
    %dma_start3A_395 = tpu.memref_slice %arg8[%dma_start3A_392, %dma_start3A_393, %dma_start3A_394] : memref<2x1000x64xf32, #tpu.memory_space<vmem>> -> memref<1x1000x64xf32, #tpu.memory_space<vmem>>
    %dma_start3A_396 = tpu.memref_squeeze %dma_start3A_395 : memref<1x1000x64xf32, #tpu.memory_space<vmem>> -> memref<1000x64xf32, #tpu.memory_space<vmem>>
    %dma_start3A_397 = arith.constant 0 : i32
    %dma_start3A_398 = tpu.memref_slice %arg7[%dma_start3A_391, %dma_start3A_397] : memref<2x1000xi32, #tpu.memory_space<vmem>> -> memref<1x1000xi32, #tpu.memory_space<vmem>>
    %dma_start3A_399 = tpu.memref_squeeze %dma_start3A_398 : memref<1x1000xi32, #tpu.memory_space<vmem>> -> memref<1000xi32, #tpu.memory_space<vmem>>
    %dma_start3A_400 = arith.constant 0 : i32
    %dma_start3A_401 = arith.constant 0 : i32
    %dma_start3A_402 = tpu.memref_slice %arg3[%dma_start3A_400, %dma_start3A_401] : memref<10000x64xf32, #tpu.memory_space<hbm>> -> memref<10000x64xf32, #tpu.memory_space<hbm>>
    tpu.enqueue_indirect_dma source(%dma_start3A_402 : memref<10000x64xf32, #tpu.memory_space<hbm>>) target(%dma_start3A_396 : memref<1000x64xf32, #tpu.memory_space<vmem>>) offsets(%dma_start3A_399 : memref<1000xi32, #tpu.memory_space<vmem>>) semaphore(%arg9 : memref<!tpu.dma_semaphore, #tpu.memory_space<semaphore_mem>>)
    %dma_wait3A_403 = arith.constant 1 : i32
    %dma_wait3A_404 = arith.constant 1 : i32
    %dma_wait3A_405 = arith.constant 0 : i32
    %dma_wait3A_406 = arith.constant 0 : i32
    %dma_wait3A_407 = tpu.memref_slice %arg8[%dma_wait3A_404, %dma_wait3A_405, %dma_wait3A_406] : memref<2x1000x64xf32, #tpu.memory_space<vmem>> -> memref<1x1000x64xf32, #tpu.memory_space<vmem>>
    %dma_wait3A_408 = tpu.memref_squeeze %dma_wait3A_407 : memref<1x1000x64xf32, #tpu.memory_space<vmem>> -> memref<1000x64xf32, #tpu.memory_space<vmem>>
    %dma_wait3A_409 = arith.constant 0 : i32
    %dma_wait3A_410 = tpu.memref_slice %arg7[%dma_wait3A_403, %dma_wait3A_409] : memref<2x1000xi32, #tpu.memory_space<vmem>> -> memref<1x1000xi32, #tpu.memory_space<vmem>>
    %dma_wait3A_411 = tpu.memref_squeeze %dma_wait3A_410 : memref<1x1000xi32, #tpu.memory_space<vmem>> -> memref<1000xi32, #tpu.memory_space<vmem>>
    %dma_wait3A_412 = arith.constant 0 : i32
    %dma_wait3A_413 = arith.constant 0 : i32
    %dma_wait3A_414 = tpu.memref_slice %arg3[%dma_wait3A_412, %dma_wait3A_413] : memref<10000x64xf32, #tpu.memory_space<hbm>> -> memref<10000x64xf32, #tpu.memory_space<hbm>>
    tpu.wait_indirect_dma semaphore(%arg10 : memref<!tpu.dma_semaphore, #tpu.memory_space<semaphore_mem>>) src(%dma_wait3A_414 : memref<10000x64xf32, #tpu.memory_space<hbm>>) dst(%dma_wait3A_408 : memref<1000x64xf32, #tpu.memory_space<vmem>>)
    %dma_start3A_415 = arith.constant 1 : i32
    %dma_start3A_416 = arith.constant 0 : i32
    %dma_start3A_417 = arith.constant 0 : i32
    %dma_start3A_418 = tpu.memref_slice %arg8[%dma_start3A_415, %dma_start3A_416, %dma_start3A_417] : memref<2x1000x64xf32, #tpu.memory_space<vmem>> -> memref<1x1000x64xf32, #tpu.memory_space<vmem>>
    %dma_start3A_419 = tpu.memref_squeeze %dma_start3A_418 : memref<1x1000x64xf32, #tpu.memory_space<vmem>> -> memref<1000x64xf32, #tpu.memory_space<vmem>>
    %dma_start3A_420 = arith.constant 64 : i32
    %dma_start3A_421 = tpu.memref_slice %arg6[%add3A_18, %dma_start3A_420] : memref<160000x128xf32, #tpu.memory_space<hbm>> -> memref<1000x64xf32, #tpu.memory_space<hbm>>
    %dma_start3A_422 = arith.constant 64 : i32
    %dma_start3A_423 = tpu.memref_slice %arg6[%add3A_18, %dma_start3A_422] : memref<160000x128xf32, #tpu.memory_space<hbm>> -> memref<1000x64xf32, #tpu.memory_space<hbm>>
    %dma_start3A_424 = arith.constant 0 : i32
    %dma_start3A_425 = arith.constant 0 : i32
    %dma_start3A_426 = tpu.memref_slice %arg8[%dma_start3A_415, %dma_start3A_424, %dma_start3A_425] : memref<2x1000x64xf32, #tpu.memory_space<vmem>> -> memref<1x1000x64xf32, #tpu.memory_space<vmem>>
    %dma_start3A_427 = tpu.memref_squeeze %dma_start3A_426 : memref<1x1000x64xf32, #tpu.memory_space<vmem>> -> memref<1000x64xf32, #tpu.memory_space<vmem>>
    tpu.enqueue_dma source(%dma_start3A_427 : memref<1000x64xf32, #tpu.memory_space<vmem>>) target(%dma_start3A_423 : memref<1000x64xf32, #tpu.memory_space<hbm>>) target_semaphore(%arg12 : memref<!tpu.dma_semaphore, #tpu.memory_space<semaphore_mem>>)
    %dma_wait3A_428 = arith.constant 1 : i32
    %dma_wait3A_429 = arith.constant 0 : i32
    %dma_wait3A_430 = arith.constant 0 : i32
    %dma_wait3A_431 = tpu.memref_slice %arg8[%dma_wait3A_428, %dma_wait3A_429, %dma_wait3A_430] : memref<2x1000x64xf32, #tpu.memory_space<vmem>> -> memref<1x1000x64xf32, #tpu.memory_space<vmem>>
    %dma_wait3A_432 = tpu.memref_squeeze %dma_wait3A_431 : memref<1x1000x64xf32, #tpu.memory_space<vmem>> -> memref<1000x64xf32, #tpu.memory_space<vmem>>
    %dma_wait3A_433 = arith.constant 64 : i32
    %dma_wait3A_434 = tpu.memref_slice %arg6[%add3A_18, %dma_wait3A_433] : memref<160000x128xf32, #tpu.memory_space<hbm>> -> memref<1000x64xf32, #tpu.memory_space<hbm>>
    %dma_wait3A_435 = arith.constant 64 : i32
    %dma_wait3A_436 = tpu.memref_slice %arg6[%add3A_18, %dma_wait3A_435] : memref<160000x128xf32, #tpu.memory_space<hbm>> -> memref<1000x64xf32, #tpu.memory_space<hbm>>
    %dma_wait3A_437 = arith.constant 0 : i32
    %dma_wait3A_438 = arith.constant 0 : i32
    %dma_wait3A_439 = tpu.memref_slice %arg8[%dma_wait3A_428, %dma_wait3A_437, %dma_wait3A_438] : memref<2x1000x64xf32, #tpu.memory_space<vmem>> -> memref<1x1000x64xf32, #tpu.memory_space<vmem>>
    %dma_wait3A_440 = tpu.memref_squeeze %dma_wait3A_439 : memref<1x1000x64xf32, #tpu.memory_space<vmem>> -> memref<1000x64xf32, #tpu.memory_space<vmem>>
    tpu.wait_dma2 semaphore(%arg12 : memref<!tpu.dma_semaphore, #tpu.memory_space<semaphore_mem>>) src(%dma_wait3A_440 : memref<1000x64xf32, #tpu.memory_space<vmem>>) dst(%dma_wait3A_436 : memref<1000x64xf32, #tpu.memory_space<hbm>>)
    %run_scoped3A_441 = arith.constant 1 : i32
    "tpu.region"() ({
      %run_scoped3A_530 = tpu.sem_alloc : memref<!tpu.dma_semaphore, #tpu.memory_space<semaphore_mem>>
      %dma_start3A_531 = arith.constant 0 : i32
      %dma_start3A_532 = tpu.memref_slice %arg7[%run_scoped3A_441, %dma_start3A_531] : memref<2x1000xi32, #tpu.memory_space<vmem>> -> memref<1x1000xi32, #tpu.memory_space<vmem>>
      %dma_start3A_533 = tpu.memref_squeeze %dma_start3A_532 : memref<1x1000xi32, #tpu.memory_space<vmem>> -> memref<1000xi32, #tpu.memory_space<vmem>>
      %dma_start3A_534 = tpu.memref_slice %arg5[%add3A_22] : memref<160000xi32, #tpu.memory_space<hbm>> -> memref<1000xi32, #tpu.memory_space<hbm>>
      %dma_start3A_535 = arith.constant 0 : i32
      %dma_start3A_536 = tpu.memref_slice %arg7[%run_scoped3A_441, %dma_start3A_535] : memref<2x1000xi32, #tpu.memory_space<vmem>> -> memref<1x1000xi32, #tpu.memory_space<vmem>>
      %dma_start3A_537 = tpu.memref_squeeze %dma_start3A_536 : memref<1x1000xi32, #tpu.memory_space<vmem>> -> memref<1000xi32, #tpu.memory_space<vmem>>
      %dma_start3A_538 = tpu.memref_slice %arg5[%add3A_22] : memref<160000xi32, #tpu.memory_space<hbm>> -> memref<1000xi32, #tpu.memory_space<hbm>>
      tpu.enqueue_dma source(%dma_start3A_538 : memref<1000xi32, #tpu.memory_space<hbm>>) target(%dma_start3A_537 : memref<1000xi32, #tpu.memory_space<vmem>>) target_semaphore(%run_scoped3A_530 : memref<!tpu.dma_semaphore, #tpu.memory_space<semaphore_mem>>)
      %dma_wait3A_539 = arith.constant 0 : i32
      %dma_wait3A_540 = tpu.memref_slice %arg7[%run_scoped3A_441, %dma_wait3A_539] : memref<2x1000xi32, #tpu.memory_space<vmem>> -> memref<1x1000xi32, #tpu.memory_space<vmem>>
      %dma_wait3A_541 = tpu.memref_squeeze %dma_wait3A_540 : memref<1x1000xi32, #tpu.memory_space<vmem>> -> memref<1000xi32, #tpu.memory_space<vmem>>
      %dma_wait3A_542 = tpu.memref_slice %arg5[%add3A_22] : memref<160000xi32, #tpu.memory_space<hbm>> -> memref<1000xi32, #tpu.memory_space<hbm>>
      %dma_wait3A_543 = arith.constant 0 : i32
      %dma_wait3A_544 = tpu.memref_slice %arg7[%run_scoped3A_441, %dma_wait3A_543] : memref<2x1000xi32, #tpu.memory_space<vmem>> -> memref<1x1000xi32, #tpu.memory_space<vmem>>
      %dma_wait3A_545 = tpu.memref_squeeze %dma_wait3A_544 : memref<1x1000xi32, #tpu.memory_space<vmem>> -> memref<1000xi32, #tpu.memory_space<vmem>>
      %dma_wait3A_546 = tpu.memref_slice %arg5[%add3A_22] : memref<160000xi32, #tpu.memory_space<hbm>> -> memref<1000xi32, #tpu.memory_space<hbm>>
      tpu.wait_dma2 semaphore(%run_scoped3A_530 : memref<!tpu.dma_semaphore, #tpu.memory_space<semaphore_mem>>) src(%dma_wait3A_546 : memref<1000xi32, #tpu.memory_space<hbm>>) dst(%dma_wait3A_545 : memref<1000xi32, #tpu.memory_space<vmem>>)
      tpu.yield
    }) : () -> ()
    %dma_start3A_442 = arith.constant 1 : i32
    %dma_start3A_443 = arith.constant 1 : i32
    %dma_start3A_444 = arith.constant 0 : i32
    %dma_start3A_445 = arith.constant 0 : i32
    %dma_start3A_446 = tpu.memref_slice %arg8[%dma_start3A_443, %dma_start3A_444, %dma_start3A_445] : memref<2x1000x64xf32, #tpu.memory_space<vmem>> -> memref<1x1000x64xf32, #tpu.memory_space<vmem>>
    %dma_start3A_447 = tpu.memref_squeeze %dma_start3A_446 : memref<1x1000x64xf32, #tpu.memory_space<vmem>> -> memref<1000x64xf32, #tpu.memory_space<vmem>>
    %dma_start3A_448 = arith.constant 0 : i32
    %dma_start3A_449 = tpu.memref_slice %arg7[%dma_start3A_442, %dma_start3A_448] : memref<2x1000xi32, #tpu.memory_space<vmem>> -> memref<1x1000xi32, #tpu.memory_space<vmem>>
    %dma_start3A_450 = tpu.memref_squeeze %dma_start3A_449 : memref<1x1000xi32, #tpu.memory_space<vmem>> -> memref<1000xi32, #tpu.memory_space<vmem>>
    %dma_start3A_451 = arith.constant 0 : i32
    %dma_start3A_452 = arith.constant 0 : i32
    %dma_start3A_453 = tpu.memref_slice %arg3[%dma_start3A_451, %dma_start3A_452] : memref<10000x64xf32, #tpu.memory_space<hbm>> -> memref<10000x64xf32, #tpu.memory_space<hbm>>
    tpu.enqueue_indirect_dma source(%dma_start3A_453 : memref<10000x64xf32, #tpu.memory_space<hbm>>) target(%dma_start3A_447 : memref<1000x64xf32, #tpu.memory_space<vmem>>) offsets(%dma_start3A_450 : memref<1000xi32, #tpu.memory_space<vmem>>) semaphore(%arg10 : memref<!tpu.dma_semaphore, #tpu.memory_space<semaphore_mem>>)
    %dma_wait3A_454 = arith.constant 0 : i32
    %dma_wait3A_455 = arith.constant 0 : i32
    %dma_wait3A_456 = arith.constant 0 : i32
    %dma_wait3A_457 = arith.constant 0 : i32
    %dma_wait3A_458 = tpu.memref_slice %arg8[%dma_wait3A_455, %dma_wait3A_456, %dma_wait3A_457] : memref<2x1000x64xf32, #tpu.memory_space<vmem>> -> memref<1x1000x64xf32, #tpu.memory_space<vmem>>
    %dma_wait3A_459 = tpu.memref_squeeze %dma_wait3A_458 : memref<1x1000x64xf32, #tpu.memory_space<vmem>> -> memref<1000x64xf32, #tpu.memory_space<vmem>>
    %dma_wait3A_460 = arith.constant 0 : i32
    %dma_wait3A_461 = tpu.memref_slice %arg7[%dma_wait3A_454, %dma_wait3A_460] : memref<2x1000xi32, #tpu.memory_space<vmem>> -> memref<1x1000xi32, #tpu.memory_space<vmem>>
    %dma_wait3A_462 = tpu.memref_squeeze %dma_wait3A_461 : memref<1x1000xi32, #tpu.memory_space<vmem>> -> memref<1000xi32, #tpu.memory_space<vmem>>
    %dma_wait3A_463 = arith.constant 0 : i32
    %dma_wait3A_464 = arith.constant 0 : i32
    %dma_wait3A_465 = tpu.memref_slice %arg3[%dma_wait3A_463, %dma_wait3A_464] : memref<10000x64xf32, #tpu.memory_space<hbm>> -> memref<10000x64xf32, #tpu.memory_space<hbm>>
    tpu.wait_indirect_dma semaphore(%arg9 : memref<!tpu.dma_semaphore, #tpu.memory_space<semaphore_mem>>) src(%dma_wait3A_465 : memref<10000x64xf32, #tpu.memory_space<hbm>>) dst(%dma_wait3A_459 : memref<1000x64xf32, #tpu.memory_space<vmem>>)
    %dma_start3A_466 = arith.constant 0 : i32
    %dma_start3A_467 = arith.constant 0 : i32
    %dma_start3A_468 = arith.constant 0 : i32
    %dma_start3A_469 = tpu.memref_slice %arg8[%dma_start3A_466, %dma_start3A_467, %dma_start3A_468] : memref<2x1000x64xf32, #tpu.memory_space<vmem>> -> memref<1x1000x64xf32, #tpu.memory_space<vmem>>
    %dma_start3A_470 = tpu.memref_squeeze %dma_start3A_469 : memref<1x1000x64xf32, #tpu.memory_space<vmem>> -> memref<1000x64xf32, #tpu.memory_space<vmem>>
    %dma_start3A_471 = arith.constant 64 : i32
    %dma_start3A_472 = tpu.memref_slice %arg6[%add3A_20, %dma_start3A_471] : memref<160000x128xf32, #tpu.memory_space<hbm>> -> memref<1000x64xf32, #tpu.memory_space<hbm>>
    %dma_start3A_473 = arith.constant 64 : i32
    %dma_start3A_474 = tpu.memref_slice %arg6[%add3A_20, %dma_start3A_473] : memref<160000x128xf32, #tpu.memory_space<hbm>> -> memref<1000x64xf32, #tpu.memory_space<hbm>>
    %dma_start3A_475 = arith.constant 0 : i32
    %dma_start3A_476 = arith.constant 0 : i32
    %dma_start3A_477 = tpu.memref_slice %arg8[%dma_start3A_466, %dma_start3A_475, %dma_start3A_476] : memref<2x1000x64xf32, #tpu.memory_space<vmem>> -> memref<1x1000x64xf32, #tpu.memory_space<vmem>>
    %dma_start3A_478 = tpu.memref_squeeze %dma_start3A_477 : memref<1x1000x64xf32, #tpu.memory_space<vmem>> -> memref<1000x64xf32, #tpu.memory_space<vmem>>
    tpu.enqueue_dma source(%dma_start3A_478 : memref<1000x64xf32, #tpu.memory_space<vmem>>) target(%dma_start3A_474 : memref<1000x64xf32, #tpu.memory_space<hbm>>) target_semaphore(%arg11 : memref<!tpu.dma_semaphore, #tpu.memory_space<semaphore_mem>>)
    %dma_wait3A_479 = arith.constant 1 : i32
    %dma_wait3A_480 = arith.constant 1 : i32
    %dma_wait3A_481 = arith.constant 0 : i32
    %dma_wait3A_482 = arith.constant 0 : i32
    %dma_wait3A_483 = tpu.memref_slice %arg8[%dma_wait3A_480, %dma_wait3A_481, %dma_wait3A_482] : memref<2x1000x64xf32, #tpu.memory_space<vmem>> -> memref<1x1000x64xf32, #tpu.memory_space<vmem>>
    %dma_wait3A_484 = tpu.memref_squeeze %dma_wait3A_483 : memref<1x1000x64xf32, #tpu.memory_space<vmem>> -> memref<1000x64xf32, #tpu.memory_space<vmem>>
    %dma_wait3A_485 = arith.constant 0 : i32
    %dma_wait3A_486 = tpu.memref_slice %arg7[%dma_wait3A_479, %dma_wait3A_485] : memref<2x1000xi32, #tpu.memory_space<vmem>> -> memref<1x1000xi32, #tpu.memory_space<vmem>>
    %dma_wait3A_487 = tpu.memref_squeeze %dma_wait3A_486 : memref<1x1000xi32, #tpu.memory_space<vmem>> -> memref<1000xi32, #tpu.memory_space<vmem>>
    %dma_wait3A_488 = arith.constant 0 : i32
    %dma_wait3A_489 = arith.constant 0 : i32
    %dma_wait3A_490 = tpu.memref_slice %arg3[%dma_wait3A_488, %dma_wait3A_489] : memref<10000x64xf32, #tpu.memory_space<hbm>> -> memref<10000x64xf32, #tpu.memory_space<hbm>>
    tpu.wait_indirect_dma semaphore(%arg10 : memref<!tpu.dma_semaphore, #tpu.memory_space<semaphore_mem>>) src(%dma_wait3A_490 : memref<10000x64xf32, #tpu.memory_space<hbm>>) dst(%dma_wait3A_484 : memref<1000x64xf32, #tpu.memory_space<vmem>>)
    %dma_start3A_491 = arith.constant 1 : i32
    %dma_start3A_492 = arith.constant 0 : i32
    %dma_start3A_493 = arith.constant 0 : i32
    %dma_start3A_494 = tpu.memref_slice %arg8[%dma_start3A_491, %dma_start3A_492, %dma_start3A_493] : memref<2x1000x64xf32, #tpu.memory_space<vmem>> -> memref<1x1000x64xf32, #tpu.memory_space<vmem>>
    %dma_start3A_495 = tpu.memref_squeeze %dma_start3A_494 : memref<1x1000x64xf32, #tpu.memory_space<vmem>> -> memref<1000x64xf32, #tpu.memory_space<vmem>>
    %dma_start3A_496 = arith.constant 64 : i32
    %dma_start3A_497 = tpu.memref_slice %arg6[%add3A_22, %dma_start3A_496] : memref<160000x128xf32, #tpu.memory_space<hbm>> -> memref<1000x64xf32, #tpu.memory_space<hbm>>
    %dma_start3A_498 = arith.constant 64 : i32
    %dma_start3A_499 = tpu.memref_slice %arg6[%add3A_22, %dma_start3A_498] : memref<160000x128xf32, #tpu.memory_space<hbm>> -> memref<1000x64xf32, #tpu.memory_space<hbm>>
    %dma_start3A_500 = arith.constant 0 : i32
    %dma_start3A_501 = arith.constant 0 : i32
    %dma_start3A_502 = tpu.memref_slice %arg8[%dma_start3A_491, %dma_start3A_500, %dma_start3A_501] : memref<2x1000x64xf32, #tpu.memory_space<vmem>> -> memref<1x1000x64xf32, #tpu.memory_space<vmem>>
    %dma_start3A_503 = tpu.memref_squeeze %dma_start3A_502 : memref<1x1000x64xf32, #tpu.memory_space<vmem>> -> memref<1000x64xf32, #tpu.memory_space<vmem>>
    tpu.enqueue_dma source(%dma_start3A_503 : memref<1000x64xf32, #tpu.memory_space<vmem>>) target(%dma_start3A_499 : memref<1000x64xf32, #tpu.memory_space<hbm>>) target_semaphore(%arg12 : memref<!tpu.dma_semaphore, #tpu.memory_space<semaphore_mem>>)
    %dma_wait3A_504 = arith.constant 0 : i32
    %dma_wait3A_505 = arith.constant 0 : i32
    %dma_wait3A_506 = arith.constant 0 : i32
    %dma_wait3A_507 = tpu.memref_slice %arg8[%dma_wait3A_504, %dma_wait3A_505, %dma_wait3A_506] : memref<2x1000x64xf32, #tpu.memory_space<vmem>> -> memref<1x1000x64xf32, #tpu.memory_space<vmem>>
    %dma_wait3A_508 = tpu.memref_squeeze %dma_wait3A_507 : memref<1x1000x64xf32, #tpu.memory_space<vmem>> -> memref<1000x64xf32, #tpu.memory_space<vmem>>
    %dma_wait3A_509 = arith.constant 64 : i32
    %dma_wait3A_510 = tpu.memref_slice %arg6[%add3A_20, %dma_wait3A_509] : memref<160000x128xf32, #tpu.memory_space<hbm>> -> memref<1000x64xf32, #tpu.memory_space<hbm>>
    %dma_wait3A_511 = arith.constant 64 : i32
    %dma_wait3A_512 = tpu.memref_slice %arg6[%add3A_20, %dma_wait3A_511] : memref<160000x128xf32, #tpu.memory_space<hbm>> -> memref<1000x64xf32, #tpu.memory_space<hbm>>
    %dma_wait3A_513 = arith.constant 0 : i32
    %dma_wait3A_514 = arith.constant 0 : i32
    %dma_wait3A_515 = tpu.memref_slice %arg8[%dma_wait3A_504, %dma_wait3A_513, %dma_wait3A_514] : memref<2x1000x64xf32, #tpu.memory_space<vmem>> -> memref<1x1000x64xf32, #tpu.memory_space<vmem>>
    %dma_wait3A_516 = tpu.memref_squeeze %dma_wait3A_515 : memref<1x1000x64xf32, #tpu.memory_space<vmem>> -> memref<1000x64xf32, #tpu.memory_space<vmem>>
    tpu.wait_dma2 semaphore(%arg11 : memref<!tpu.dma_semaphore, #tpu.memory_space<semaphore_mem>>) src(%dma_wait3A_516 : memref<1000x64xf32, #tpu.memory_space<vmem>>) dst(%dma_wait3A_512 : memref<1000x64xf32, #tpu.memory_space<hbm>>)
    %dma_wait3A_517 = arith.constant 1 : i32
    %dma_wait3A_518 = arith.constant 0 : i32
    %dma_wait3A_519 = arith.constant 0 : i32
    %dma_wait3A_520 = tpu.memref_slice %arg8[%dma_wait3A_517, %dma_wait3A_518, %dma_wait3A_519] : memref<2x1000x64xf32, #tpu.memory_space<vmem>> -> memref<1x1000x64xf32, #tpu.memory_space<vmem>>
    %dma_wait3A_521 = tpu.memref_squeeze %dma_wait3A_520 : memref<1x1000x64xf32, #tpu.memory_space<vmem>> -> memref<1000x64xf32, #tpu.memory_space<vmem>>
    %dma_wait3A_522 = arith.constant 64 : i32
    %dma_wait3A_523 = tpu.memref_slice %arg6[%add3A_22, %dma_wait3A_522] : memref<160000x128xf32, #tpu.memory_space<hbm>> -> memref<1000x64xf32, #tpu.memory_space<hbm>>
    %dma_wait3A_524 = arith.constant 64 : i32
    %dma_wait3A_525 = tpu.memref_slice %arg6[%add3A_22, %dma_wait3A_524] : memref<160000x128xf32, #tpu.memory_space<hbm>> -> memref<1000x64xf32, #tpu.memory_space<hbm>>
    %dma_wait3A_526 = arith.constant 0 : i32
    %dma_wait3A_527 = arith.constant 0 : i32
    %dma_wait3A_528 = tpu.memref_slice %arg8[%dma_wait3A_517, %dma_wait3A_526, %dma_wait3A_527] : memref<2x1000x64xf32, #tpu.memory_space<vmem>> -> memref<1x1000x64xf32, #tpu.memory_space<vmem>>
    %dma_wait3A_529 = tpu.memref_squeeze %dma_wait3A_528 : memref<1x1000x64xf32, #tpu.memory_space<vmem>> -> memref<1000x64xf32, #tpu.memory_space<vmem>>
    tpu.wait_dma2 semaphore(%arg12 : memref<!tpu.dma_semaphore, #tpu.memory_space<semaphore_mem>>) src(%dma_wait3A_529 : memref<1000x64xf32, #tpu.memory_space<vmem>>) dst(%dma_wait3A_525 : memref<1000x64xf32, #tpu.memory_space<hbm>>)
    return
  }
}

module attributes {stable_mosaic.version = 14 : i64} {
  func.func @_logits_body(%arg0: i32, %arg1: memref<6400x256xf32, #tpu.memory_space<vmem>>, %arg2: memref<6400x128xf32, #tpu.memory_space<vmem>>, %arg3: memref<1x1x6400xi32, #tpu.memory_space<vmem>>, %arg4: memref<64x256xf32, #tpu.memory_space<vmem>>, %arg5: memref<1x64xf32, #tpu.memory_space<vmem>>, %arg6: memref<64x256xf32, #tpu.memory_space<vmem>>, %arg7: memref<64x256xf32, #tpu.memory_space<vmem>>, %arg8: memref<128x128xf32, #tpu.memory_space<vmem>>, %arg9: memref<64x64xf32, #tpu.memory_space<vmem>>, %arg10: memref<1x64xf32, #tpu.memory_space<vmem>>, %arg11: memref<1x1x6400xf32, #tpu.memory_space<vmem>>) attributes {dimension_semantics = [#tpu.dimension_semantics<arbitrary>], iteration_bounds = array<i64: 25>, scalar_prefetch = 0 : i64, scratch_operands = 0 : i64, tpu.core_type = #tpu.core_type<tc>, window_params = [{transform_indices = @transform_0, window_bounds = array<i64: 6400, 256>}, {transform_indices = @transform_1, window_bounds = array<i64: 6400, 128>}, {transform_indices = @transform_2, window_bounds = array<i64: 1, 1, 6400>}, {pipeline_mode = #tpu.pipeline_mode<synchronous>, transform_indices = @transform_3, window_bounds = array<i64: 64, 256>}, {pipeline_mode = #tpu.pipeline_mode<synchronous>, transform_indices = @transform_4, window_bounds = array<i64: 1, 64>}, {pipeline_mode = #tpu.pipeline_mode<synchronous>, transform_indices = @transform_5, window_bounds = array<i64: 64, 256>}, {pipeline_mode = #tpu.pipeline_mode<synchronous>, transform_indices = @transform_6, window_bounds = array<i64: 64, 256>}, {pipeline_mode = #tpu.pipeline_mode<synchronous>, transform_indices = @transform_7, window_bounds = array<i64: 128, 128>}, {pipeline_mode = #tpu.pipeline_mode<synchronous>, transform_indices = @transform_8, window_bounds = array<i64: 64, 64>}, {pipeline_mode = #tpu.pipeline_mode<synchronous>, transform_indices = @transform_9, window_bounds = array<i64: 1, 64>}, {transform_indices = @transform_10, window_bounds = array<i64: 1, 1, 6400>}]} {
    %get3A = arith.constant 0 : index
    %get3A_0 = arith.constant 0 : index
    %get3A_1 = vector.load %arg1[%get3A, %get3A_0] : memref<6400x256xf32, #tpu.memory_space<vmem>>, vector<6400x256xf32>
    %get3A_2 = arith.constant 0 : index
    %get3A_3 = arith.constant 0 : index
    %get3A_4 = vector.load %arg4[%get3A_2, %get3A_3] : memref<64x256xf32, #tpu.memory_space<vmem>>, vector<64x256xf32>
    %transpose3A = tpu.transpose %get3A_4, [1, 0] : vector<64x256xf32> -> vector<256x64xf32>
    %dot_general3A = arith.constant dense<0.000000e+00> : vector<6400x64xf32>
    %dot_general3A_5 = tpu.matmul %get3A_1, %transpose3A, %dot_general3A {dimension_numbers = #tpu.dot_dimension_numbers<[1], [0], [0], [1], [0, 0, 1, 1], [], []>, transpose_lhs_hint = false} : vector<6400x256xf32>, vector<256x64xf32>, vector<6400x64xf32> -> vector<6400x64xf32>
    %get3A_6 = arith.constant 0 : index
    %get3A_7 = arith.constant 0 : index
    %get3A_8 = vector.load %arg5[%get3A_6, %get3A_7] : memref<1x64xf32, #tpu.memory_space<vmem>>, vector<1x64xf32>
    %add3A = vector.broadcast %get3A_8 : vector<1x64xf32> to vector<6400x64xf32>
    %add3A_9 = arith.addf %dot_general3A_5, %add3A : vector<6400x64xf32>
    %get3A_10 = arith.constant 0 : index
    %get3A_11 = arith.constant 0 : index
    %get3A_12 = vector.load %arg6[%get3A_10, %get3A_11] : memref<64x256xf32, #tpu.memory_space<vmem>>, vector<64x256xf32>
    %slice3A = vector.extract_strided_slice %get3A_12 {offsets = [0, 64], sizes = [64, 64], strides = [1, 1]} : vector<64x256xf32> to vector<64x64xf32>
    %transpose3A_13 = tpu.transpose %slice3A, [1, 0] : vector<64x64xf32> -> vector<64x64xf32>
    %dot_general3A_14 = arith.constant dense<0.000000e+00> : vector<6400x64xf32>
    %dot_general3A_15 = tpu.matmul %add3A_9, %transpose3A_13, %dot_general3A_14 {dimension_numbers = #tpu.dot_dimension_numbers<[1], [0], [0], [1], [0, 0, 1, 1], [], []>, transpose_lhs_hint = false} : vector<6400x64xf32>, vector<64x64xf32>, vector<6400x64xf32> -> vector<6400x64xf32>
    %get3A_16 = arith.constant 0 : index
    %get3A_17 = arith.constant 0 : index
    %get3A_18 = vector.load %arg7[%get3A_16, %get3A_17] : memref<64x256xf32, #tpu.memory_space<vmem>>, vector<64x256xf32>
    %slice3A_19 = vector.extract_strided_slice %get3A_18 {offsets = [0, 64], sizes = [64, 64], strides = [1, 1]} : vector<64x256xf32> to vector<64x64xf32>
    %transpose3A_20 = tpu.transpose %slice3A_19, [1, 0] : vector<64x64xf32> -> vector<64x64xf32>
    %dot_general3A_21 = arith.constant dense<0.000000e+00> : vector<6400x64xf32>
    %dot_general3A_22 = tpu.matmul %add3A_9, %transpose3A_20, %dot_general3A_21 {dimension_numbers = #tpu.dot_dimension_numbers<[1], [0], [0], [1], [0, 0, 1, 1], [], []>, transpose_lhs_hint = false} : vector<6400x64xf32>, vector<64x64xf32>, vector<6400x64xf32> -> vector<6400x64xf32>
    %get3A_23 = arith.constant 0 : index
    %get3A_24 = arith.constant 0 : index
    %get3A_25 = arith.constant 0 : index
    %get3A_26 = vector.load %arg3[%get3A_23, %get3A_24, %get3A_25] : memref<1x1x6400xi32, #tpu.memory_space<vmem>>, vector<1x1x6400xi32>
    %get3A_27 = vector.shape_cast %get3A_26 : vector<1x1x6400xi32> to vector<6400xi32>
    %broadcast_in_dim3A = vector.shape_cast %get3A_27 : vector<6400xi32> to vector<6400x1xi32>
    %iota3A = tpu.iota {dimensions = array<i32: 1>} : vector<6400x128xi32>
    %eq3A = vector.broadcast %broadcast_in_dim3A : vector<6400x1xi32> to vector<6400x128xi32>
    %eq3A_28 = arith.cmpi eq, %eq3A, %iota3A : vector<6400x128xi32>
    %convert_element_type3A = arith.extui %eq3A_28 : vector<6400x128xi1> to vector<6400x128xi32>
    %convert_element_type3A_29 = arith.sitofp %convert_element_type3A : vector<6400x128xi32> to vector<6400x128xf32>
    %convert_element_type3A_30 = arith.truncf %convert_element_type3A_29 : vector<6400x128xf32> to vector<6400x128xbf16>
    %get3A_31 = arith.constant 0 : index
    %get3A_32 = arith.constant 0 : index
    %get3A_33 = vector.load %arg8[%get3A_31, %get3A_32] : memref<128x128xf32, #tpu.memory_space<vmem>>, vector<128x128xf32>
    %convert_element_type3A_34 = arith.truncf %get3A_33 : vector<128x128xf32> to vector<128x128xbf16>
    %convert_element_type3A_35 = arith.extf %convert_element_type3A_34 : vector<128x128xbf16> to vector<128x128xf32>
    %sub3A = arith.subf %get3A_33, %convert_element_type3A_35 : vector<128x128xf32>
    %convert_element_type3A_36 = arith.truncf %sub3A : vector<128x128xf32> to vector<128x128xbf16>
    %dot_general3A_37 = arith.constant dense<0.000000e+00> : vector<6400x128xf32>
    %dot_general3A_38 = tpu.matmul %convert_element_type3A_30, %convert_element_type3A_34, %dot_general3A_37 {dimension_numbers = #tpu.dot_dimension_numbers<[1], [0], [0], [1], [0, 0, 1, 1], [], []>, transpose_lhs_hint = false} : vector<6400x128xbf16>, vector<128x128xbf16>, vector<6400x128xf32> -> vector<6400x128xf32>
    %dot_general3A_39 = arith.constant dense<0.000000e+00> : vector<6400x128xf32>
    %dot_general3A_40 = tpu.matmul %convert_element_type3A_30, %convert_element_type3A_36, %dot_general3A_39 {dimension_numbers = #tpu.dot_dimension_numbers<[1], [0], [0], [1], [0, 0, 1, 1], [], []>, transpose_lhs_hint = false} : vector<6400x128xbf16>, vector<128x128xbf16>, vector<6400x128xf32> -> vector<6400x128xf32>
    %add3A_41 = arith.addf %dot_general3A_38, %dot_general3A_40 : vector<6400x128xf32>
    %get3A_42 = arith.constant 0 : index
    %get3A_43 = arith.constant 0 : index
    %get3A_44 = vector.load %arg2[%get3A_42, %get3A_43] : memref<6400x128xf32, #tpu.memory_space<vmem>>, vector<6400x128xf32>
    %slice3A_45 = vector.extract_strided_slice %add3A_41 {offsets = [0, 0], sizes = [6400, 64], strides = [1, 1]} : vector<6400x128xf32> to vector<6400x64xf32>
    %add3A_46 = arith.addf %dot_general3A_15, %slice3A_45 : vector<6400x64xf32>
    %slice3A_47 = vector.extract_strided_slice %get3A_44 {offsets = [0, 0], sizes = [6400, 64], strides = [1, 1]} : vector<6400x128xf32> to vector<6400x64xf32>
    %add3A_48 = arith.addf %add3A_46, %slice3A_47 : vector<6400x64xf32>
    %slice3A_49 = vector.extract_strided_slice %add3A_41 {offsets = [0, 64], sizes = [6400, 64], strides = [1, 1]} : vector<6400x128xf32> to vector<6400x64xf32>
    %add3A_50 = arith.addf %dot_general3A_22, %slice3A_49 : vector<6400x64xf32>
    %slice3A_51 = vector.extract_strided_slice %get3A_44 {offsets = [0, 64], sizes = [6400, 64], strides = [1, 1]} : vector<6400x128xf32> to vector<6400x64xf32>
    %add3A_52 = arith.addf %add3A_50, %slice3A_51 : vector<6400x64xf32>
    %jit3A = arith.constant 0.00999999977 : f32
    %ge3A = arith.constant 0.000000e+00 : f32
    %ge3A_53 = vector.broadcast %ge3A : f32 to vector<6400x64xf32>
    %ge3A_54 = arith.cmpf oge, %add3A_48, %ge3A_53 : vector<6400x64xf32>
    %mul3A = vector.broadcast %jit3A : f32 to vector<6400x64xf32>
    %mul3A_55 = arith.mulf %mul3A, %add3A_48 : vector<6400x64xf32>
    %select_n3A = arith.select %ge3A_54, %add3A_48, %mul3A_55 : vector<6400x64xi1>, vector<6400x64xf32>
    %jit3A_56 = arith.constant 0.00999999977 : f32
    %ge3A_57 = arith.constant 0.000000e+00 : f32
    %ge3A_58 = vector.broadcast %ge3A_57 : f32 to vector<6400x64xf32>
    %ge3A_59 = arith.cmpf oge, %add3A_52, %ge3A_58 : vector<6400x64xf32>
    %mul3A_60 = vector.broadcast %jit3A_56 : f32 to vector<6400x64xf32>
    %mul3A_61 = arith.mulf %mul3A_60, %add3A_52 : vector<6400x64xf32>
    %select_n3A_62 = arith.select %ge3A_59, %add3A_52, %mul3A_61 : vector<6400x64xi1>, vector<6400x64xf32>
    %get3A_63 = arith.constant 0 : index
    %get3A_64 = arith.constant 0 : index
    %get3A_65 = vector.load %arg9[%get3A_63, %get3A_64] : memref<64x64xf32, #tpu.memory_space<vmem>>, vector<64x64xf32>
    %transpose3A_66 = tpu.transpose %get3A_65, [1, 0] : vector<64x64xf32> -> vector<64x64xf32>
    %dot_general3A_67 = arith.constant dense<0.000000e+00> : vector<6400x64xf32>
    %dot_general3A_68 = tpu.matmul %select_n3A_62, %transpose3A_66, %dot_general3A_67 {dimension_numbers = #tpu.dot_dimension_numbers<[1], [0], [0], [1], [0, 0, 1, 1], [], []>, transpose_lhs_hint = false} : vector<6400x64xf32>, vector<64x64xf32>, vector<6400x64xf32> -> vector<6400x64xf32>
    %get3A_69 = arith.constant 0 : index
    %get3A_70 = arith.constant 0 : index
    %get3A_71 = vector.load %arg10[%get3A_69, %get3A_70] : memref<1x64xf32, #tpu.memory_space<vmem>>, vector<1x64xf32>
    %add3A_72 = vector.broadcast %get3A_71 : vector<1x64xf32> to vector<6400x64xf32>
    %add3A_73 = arith.addf %dot_general3A_68, %add3A_72 : vector<6400x64xf32>
    %mul3A_74 = arith.mulf %select_n3A, %add3A_73 : vector<6400x64xf32>
    %transpose3A_75 = tpu.transpose %mul3A_74, [1, 0] : vector<6400x64xf32> -> vector<64x6400xf32>
    %reduce_sum3A = arith.constant dense<0.000000e+00> : vector<6400xf32>
    %reduce_sum3A_76 = vector.multi_reduction <add>, %transpose3A_75, %reduce_sum3A [0] : vector<64x6400xf32> to vector<6400xf32>
    %swap3A = arith.constant 0 : index
    %swap3A_77 = arith.constant 0 : index
    %swap3A_78 = arith.constant 0 : index
    %swap3A_79 = vector.load %arg11[%swap3A, %swap3A_77, %swap3A_78] : memref<1x1x6400xf32, #tpu.memory_space<vmem>>, vector<1x1x6400xf32>
    %swap3A_80 = vector.shape_cast %swap3A_79 : vector<1x1x6400xf32> to vector<6400xf32>
    %swap3A_81 = vector.shape_cast %reduce_sum3A_76 : vector<6400xf32> to vector<1x1x6400xf32>
    tpu.vector_store %arg11[%swap3A, %swap3A_77, %swap3A_78], %swap3A_81 {strides = array<i32>} : memref<1x1x6400xf32, #tpu.memory_space<vmem>>, vector<1x1x6400xf32>,
    return
  }
  func.func @transform_0(%arg0: i32) -> (i32, i32) {
    %c0_i32 = arith.constant 0 : i32
    %c0_i32_0 = arith.constant 0 : i32
    return %arg0, %c0_i32 : i32, i32
  }
  func.func @transform_1(%arg0: i32) -> (i32, i32) {
    %c0_i32 = arith.constant 0 : i32
    %c0_i32_0 = arith.constant 0 : i32
    return %arg0, %c0_i32 : i32, i32
  }
  func.func @transform_2(%arg0: i32) -> (i32, i32, i32) {
    %c0_i32 = arith.constant 0 : i32
    %c0_i32_0 = arith.constant 0 : i32
    %c0_i32_1 = arith.constant 0 : i32
    return %arg0, %c0_i32, %c0_i32_0 : i32, i32, i32
  }
  func.func @transform_3(%arg0: i32) -> (i32, i32) {
    %c0_i32 = arith.constant 0 : i32
    %c0_i32_0 = arith.constant 0 : i32
    %c0_i32_1 = arith.constant 0 : i32
    return %c0_i32, %c0_i32_0 : i32, i32
  }
  func.func @transform_4(%arg0: i32) -> (i32, i32) {
    %c0_i32 = arith.constant 0 : i32
    %c0_i32_0 = arith.constant 0 : i32
    %c0_i32_1 = arith.constant 0 : i32
    return %c0_i32, %c0_i32_0 : i32, i32
  }
  func.func @transform_5(%arg0: i32) -> (i32, i32) {
    %c0_i32 = arith.constant 0 : i32
    %c0_i32_0 = arith.constant 0 : i32
    %c0_i32_1 = arith.constant 0 : i32
    return %c0_i32, %c0_i32_0 : i32, i32
  }
  func.func @transform_6(%arg0: i32) -> (i32, i32) {
    %c0_i32 = arith.constant 0 : i32
    %c0_i32_0 = arith.constant 0 : i32
    %c0_i32_1 = arith.constant 0 : i32
    return %c0_i32, %c0_i32_0 : i32, i32
  }
  func.func @transform_7(%arg0: i32) -> (i32, i32) {
    %c0_i32 = arith.constant 0 : i32
    %c0_i32_0 = arith.constant 0 : i32
    %c0_i32_1 = arith.constant 0 : i32
    return %c0_i32, %c0_i32_0 : i32, i32
  }
  func.func @transform_8(%arg0: i32) -> (i32, i32) {
    %c0_i32 = arith.constant 0 : i32
    %c0_i32_0 = arith.constant 0 : i32
    %c0_i32_1 = arith.constant 0 : i32
    return %c0_i32, %c0_i32_0 : i32, i32
  }
  func.func @transform_9(%arg0: i32) -> (i32, i32) {
    %c0_i32 = arith.constant 0 : i32
    %c0_i32_0 = arith.constant 0 : i32
    %c0_i32_1 = arith.constant 0 : i32
    return %c0_i32, %c0_i32_0 : i32, i32
  }
  func.func @transform_10(%arg0: i32) -> (i32, i32, i32) {
    %c0_i32 = arith.constant 0 : i32
    %c0_i32_0 = arith.constant 0 : i32
    %c0_i32_1 = arith.constant 0 : i32
    return %arg0, %c0_i32, %c0_i32_0 : i32, i32, i32
  }
}

module attributes {stable_mosaic.version = 14 : i64} {
  func.func @_prep_body(%arg0: memref<10000x256xf32, #tpu.memory_space<vmem>>, %arg1: memref<64x256xf32, #tpu.memory_space<vmem>>, %arg2: memref<1x64xf32, #tpu.memory_space<vmem>>, %arg3: memref<64x256xf32, #tpu.memory_space<vmem>>, %arg4: memref<1x64xf32, #tpu.memory_space<vmem>>, %arg5: memref<64x256xf32, #tpu.memory_space<vmem>>, %arg6: memref<1x64xf32, #tpu.memory_space<vmem>>, %arg7: memref<128x128xf32, #tpu.memory_space<vmem>>, %arg8: memref<32x128xf32, #tpu.memory_space<vmem>>, %arg9: memref<1x32xf32, #tpu.memory_space<vmem>>, %arg10: memref<128x256xf32, #tpu.memory_space<vmem>>, %arg11: memref<128x128xf32, #tpu.memory_space<vmem>>, %arg12: memref<32x128xf32, #tpu.memory_space<vmem>>, %arg13: memref<1x32xf32, #tpu.memory_space<vmem>>, %arg14: memref<10000x64xf32, #tpu.memory_space<vmem>>, %arg15: memref<10000x64xf32, #tpu.memory_space<vmem>>, %arg16: memref<128x128xf32, #tpu.memory_space<vmem>>) attributes {dimension_semantics = [], scalar_prefetch = 0 : i64, scratch_operands = 0 : i64, tpu.core_type = #tpu.core_type<tc>} {
    %get3A = arith.constant 0 : index
    %get3A_0 = arith.constant 0 : index
    %get3A_1 = vector.load %arg1[%get3A, %get3A_0] : memref<64x256xf32, #tpu.memory_space<vmem>>, vector<64x256xf32>
    %get3A_2 = arith.constant 0 : index
    %get3A_3 = arith.constant 0 : index
    %get3A_4 = vector.load %arg3[%get3A_2, %get3A_3] : memref<64x256xf32, #tpu.memory_space<vmem>>, vector<64x256xf32>
    %get3A_5 = arith.constant 0 : index
    %get3A_6 = arith.constant 0 : index
    %get3A_7 = vector.load %arg5[%get3A_5, %get3A_6] : memref<64x256xf32, #tpu.memory_space<vmem>>, vector<64x256xf32>
    %get3A_8 = arith.constant 0 : index
    %get3A_9 = arith.constant 0 : index
    %get3A_10 = vector.load %arg2[%get3A_8, %get3A_9] : memref<1x64xf32, #tpu.memory_space<vmem>>, vector<1x64xf32>
    %get3A_11 = arith.constant 0 : index
    %get3A_12 = arith.constant 0 : index
    %get3A_13 = vector.load %arg0[%get3A_11, %get3A_12] : memref<10000x256xf32, #tpu.memory_space<vmem>>, vector<10000x256xf32>
    %transpose3A = tpu.transpose %get3A_1, [1, 0] : vector<64x256xf32> -> vector<256x64xf32>
    %dot_general3A = arith.constant dense<0.000000e+00> : vector<10000x64xf32>
    %dot_general3A_14 = tpu.matmul %get3A_13, %transpose3A, %dot_general3A {dimension_numbers = #tpu.dot_dimension_numbers<[1], [0], [0], [1], [0, 0, 1, 1], [], []>, transpose_lhs_hint = false} : vector<10000x256xf32>, vector<256x64xf32>, vector<10000x64xf32> -> vector<10000x64xf32>
    %add3A = vector.broadcast %get3A_10 : vector<1x64xf32> to vector<10000x64xf32>
    %add3A_15 = arith.addf %dot_general3A_14, %add3A : vector<10000x64xf32>
    %slice3A = vector.extract_strided_slice %get3A_4 {offsets = [0, 0], sizes = [64, 64], strides = [1, 1]} : vector<64x256xf32> to vector<64x64xf32>
    %transpose3A_16 = tpu.transpose %slice3A, [1, 0] : vector<64x64xf32> -> vector<64x64xf32>
    %dot_general3A_17 = arith.constant dense<0.000000e+00> : vector<10000x64xf32>
    %dot_general3A_18 = tpu.matmul %add3A_15, %transpose3A_16, %dot_general3A_17 {dimension_numbers = #tpu.dot_dimension_numbers<[1], [0], [0], [1], [0, 0, 1, 1], [], []>, transpose_lhs_hint = false} : vector<10000x64xf32>, vector<64x64xf32>, vector<10000x64xf32> -> vector<10000x64xf32>
    %swap3A = arith.constant 0 : index
    %swap3A_19 = arith.constant 0 : index
    %swap3A_20 = vector.load %arg14[%swap3A, %swap3A_19] : memref<10000x64xf32, #tpu.memory_space<vmem>>, vector<10000x64xf32>
    tpu.vector_store %arg14[%swap3A, %swap3A_19], %dot_general3A_18 {strides = array<i32>} : memref<10000x64xf32, #tpu.memory_space<vmem>>, vector<10000x64xf32>,
    %slice3A_21 = vector.extract_strided_slice %get3A_7 {offsets = [0, 0], sizes = [64, 64], strides = [1, 1]} : vector<64x256xf32> to vector<64x64xf32>
    %transpose3A_22 = tpu.transpose %slice3A_21, [1, 0] : vector<64x64xf32> -> vector<64x64xf32>
    %dot_general3A_23 = arith.constant dense<0.000000e+00> : vector<10000x64xf32>
    %dot_general3A_24 = tpu.matmul %add3A_15, %transpose3A_22, %dot_general3A_23 {dimension_numbers = #tpu.dot_dimension_numbers<[1], [0], [0], [1], [0, 0, 1, 1], [], []>, transpose_lhs_hint = false} : vector<10000x64xf32>, vector<64x64xf32>, vector<10000x64xf32> -> vector<10000x64xf32>
    %swap3A_25 = arith.constant 0 : index
    %swap3A_26 = arith.constant 0 : index
    %swap3A_27 = vector.load %arg15[%swap3A_25, %swap3A_26] : memref<10000x64xf32, #tpu.memory_space<vmem>>, vector<10000x64xf32>
    tpu.vector_store %arg15[%swap3A_25, %swap3A_26], %dot_general3A_24 {strides = array<i32>} : memref<10000x64xf32, #tpu.memory_space<vmem>>, vector<10000x64xf32>,
    %get3A_28 = arith.constant 0 : index
    %get3A_29 = arith.constant 0 : index
    %get3A_30 = vector.load %arg7[%get3A_28, %get3A_29] : memref<128x128xf32, #tpu.memory_space<vmem>>, vector<128x128xf32>
    %get3A_31 = arith.constant 0 : index
    %get3A_32 = arith.constant 0 : index
    %get3A_33 = vector.load %arg8[%get3A_31, %get3A_32] : memref<32x128xf32, #tpu.memory_space<vmem>>, vector<32x128xf32>
    %transpose3A_34 = tpu.transpose %get3A_33, [1, 0] : vector<32x128xf32> -> vector<128x32xf32>
    %dot_general3A_35 = arith.constant dense<0.000000e+00> : vector<128x32xf32>
    %dot_general3A_36 = tpu.matmul %get3A_30, %transpose3A_34, %dot_general3A_35 {dimension_numbers = #tpu.dot_dimension_numbers<[1], [0], [0], [1], [0, 0, 1, 1], [], []>, transpose_lhs_hint = false} : vector<128x128xf32>, vector<128x32xf32>, vector<128x32xf32> -> vector<128x32xf32>
    %get3A_37 = arith.constant 0 : index
    %get3A_38 = arith.constant 0 : index
    %get3A_39 = vector.load %arg9[%get3A_37, %get3A_38] : memref<1x32xf32, #tpu.memory_space<vmem>>, vector<1x32xf32>
    %add3A_40 = vector.broadcast %get3A_39 : vector<1x32xf32> to vector<128x32xf32>
    %add3A_41 = arith.addf %dot_general3A_36, %add3A_40 : vector<128x32xf32>
    %get3A_42 = arith.constant 0 : index
    %get3A_43 = arith.constant 0 : index
    %get3A_44 = vector.load %arg10[%get3A_42, %get3A_43] : memref<128x256xf32, #tpu.memory_space<vmem>>, vector<128x256xf32>
    %transpose3A_45 = tpu.transpose %get3A_1, [1, 0] : vector<64x256xf32> -> vector<256x64xf32>
    %dot_general3A_46 = arith.constant dense<0.000000e+00> : vector<128x64xf32>
    %dot_general3A_47 = tpu.matmul %get3A_44, %transpose3A_45, %dot_general3A_46 {dimension_numbers = #tpu.dot_dimension_numbers<[1], [0], [0], [1], [0, 0, 1, 1], [], []>, transpose_lhs_hint = false} : vector<128x256xf32>, vector<256x64xf32>, vector<128x64xf32> -> vector<128x64xf32>
    %add3A_48 = vector.broadcast %get3A_10 : vector<1x64xf32> to vector<128x64xf32>
    %add3A_49 = arith.addf %dot_general3A_47, %add3A_48 : vector<128x64xf32>
    %get3A_50 = arith.constant 0 : index
    %get3A_51 = arith.constant 0 : index
    %get3A_52 = vector.load %arg11[%get3A_50, %get3A_51] : memref<128x128xf32, #tpu.memory_space<vmem>>, vector<128x128xf32>
    %get3A_53 = arith.constant 0 : index
    %get3A_54 = arith.constant 0 : index
    %get3A_55 = vector.load %arg12[%get3A_53, %get3A_54] : memref<32x128xf32, #tpu.memory_space<vmem>>, vector<32x128xf32>
    %transpose3A_56 = tpu.transpose %get3A_55, [1, 0] : vector<32x128xf32> -> vector<128x32xf32>
    %dot_general3A_57 = arith.constant dense<0.000000e+00> : vector<128x32xf32>
    %dot_general3A_58 = tpu.matmul %get3A_52, %transpose3A_56, %dot_general3A_57 {dimension_numbers = #tpu.dot_dimension_numbers<[1], [0], [0], [1], [0, 0, 1, 1], [], []>, transpose_lhs_hint = false} : vector<128x128xf32>, vector<128x32xf32>, vector<128x32xf32> -> vector<128x32xf32>
    %get3A_59 = arith.constant 0 : index
    %get3A_60 = arith.constant 0 : index
    %get3A_61 = vector.load %arg13[%get3A_59, %get3A_60] : memref<1x32xf32, #tpu.memory_space<vmem>>, vector<1x32xf32>
    %add3A_62 = vector.broadcast %get3A_61 : vector<1x32xf32> to vector<128x32xf32>
    %add3A_63 = arith.addf %dot_general3A_58, %add3A_62 : vector<128x32xf32>
    %slice3A_64 = vector.extract_strided_slice %get3A_4 {offsets = [0, 128], sizes = [64, 32], strides = [1, 1]} : vector<64x256xf32> to vector<64x32xf32>
    %transpose3A_65 = tpu.transpose %slice3A_64, [1, 0] : vector<64x32xf32> -> vector<32x64xf32>
    %dot_general3A_66 = arith.constant dense<0.000000e+00> : vector<128x64xf32>
    %dot_general3A_67 = tpu.matmul %add3A_41, %transpose3A_65, %dot_general3A_66 {dimension_numbers = #tpu.dot_dimension_numbers<[1], [0], [0], [1], [0, 0, 1, 1], [], []>, transpose_lhs_hint = false} : vector<128x32xf32>, vector<32x64xf32>, vector<128x64xf32> -> vector<128x64xf32>
    %slice3A_68 = vector.extract_strided_slice %get3A_4 {offsets = [0, 160], sizes = [64, 64], strides = [1, 1]} : vector<64x256xf32> to vector<64x64xf32>
    %transpose3A_69 = tpu.transpose %slice3A_68, [1, 0] : vector<64x64xf32> -> vector<64x64xf32>
    %dot_general3A_70 = arith.constant dense<0.000000e+00> : vector<128x64xf32>
    %dot_general3A_71 = tpu.matmul %add3A_49, %transpose3A_69, %dot_general3A_70 {dimension_numbers = #tpu.dot_dimension_numbers<[1], [0], [0], [1], [0, 0, 1, 1], [], []>, transpose_lhs_hint = false} : vector<128x64xf32>, vector<64x64xf32>, vector<128x64xf32> -> vector<128x64xf32>
    %add3A_72 = arith.addf %dot_general3A_67, %dot_general3A_71 : vector<128x64xf32>
    %slice3A_73 = vector.extract_strided_slice %get3A_4 {offsets = [0, 224], sizes = [64, 32], strides = [1, 1]} : vector<64x256xf32> to vector<64x32xf32>
    %transpose3A_74 = tpu.transpose %slice3A_73, [1, 0] : vector<64x32xf32> -> vector<32x64xf32>
    %dot_general3A_75 = arith.constant dense<0.000000e+00> : vector<128x64xf32>
    %dot_general3A_76 = tpu.matmul %add3A_63, %transpose3A_74, %dot_general3A_75 {dimension_numbers = #tpu.dot_dimension_numbers<[1], [0], [0], [1], [0, 0, 1, 1], [], []>, transpose_lhs_hint = false} : vector<128x32xf32>, vector<32x64xf32>, vector<128x64xf32> -> vector<128x64xf32>
    %add3A_77 = arith.addf %add3A_72, %dot_general3A_76 : vector<128x64xf32>
    %get3A_78 = arith.constant 0 : index
    %get3A_79 = arith.constant 0 : index
    %get3A_80 = vector.load %arg4[%get3A_78, %get3A_79] : memref<1x64xf32, #tpu.memory_space<vmem>>, vector<1x64xf32>
    %add3A_81 = vector.broadcast %get3A_80 : vector<1x64xf32> to vector<128x64xf32>
    %add3A_82 = arith.addf %add3A_77, %add3A_81 : vector<128x64xf32>
    %slice3A_83 = vector.extract_strided_slice %get3A_7 {offsets = [0, 128], sizes = [64, 32], strides = [1, 1]} : vector<64x256xf32> to vector<64x32xf32>
    %transpose3A_84 = tpu.transpose %slice3A_83, [1, 0] : vector<64x32xf32> -> vector<32x64xf32>
    %dot_general3A_85 = arith.constant dense<0.000000e+00> : vector<128x64xf32>
    %dot_general3A_86 = tpu.matmul %add3A_41, %transpose3A_84, %dot_general3A_85 {dimension_numbers = #tpu.dot_dimension_numbers<[1], [0], [0], [1], [0, 0, 1, 1], [], []>, transpose_lhs_hint = false} : vector<128x32xf32>, vector<32x64xf32>, vector<128x64xf32> -> vector<128x64xf32>
    %slice3A_87 = vector.extract_strided_slice %get3A_7 {offsets = [0, 160], sizes = [64, 64], strides = [1, 1]} : vector<64x256xf32> to vector<64x64xf32>
    %transpose3A_88 = tpu.transpose %slice3A_87, [1, 0] : vector<64x64xf32> -> vector<64x64xf32>
    %dot_general3A_89 = arith.constant dense<0.000000e+00> : vector<128x64xf32>
    %dot_general3A_90 = tpu.matmul %add3A_49, %transpose3A_88, %dot_general3A_89 {dimension_numbers = #tpu.dot_dimension_numbers<[1], [0], [0], [1], [0, 0, 1, 1], [], []>, transpose_lhs_hint = false} : vector<128x64xf32>, vector<64x64xf32>, vector<128x64xf32> -> vector<128x64xf32>
    %add3A_91 = arith.addf %dot_general3A_86, %dot_general3A_90 : vector<128x64xf32>
    %slice3A_92 = vector.extract_strided_slice %get3A_7 {offsets = [0, 224], sizes = [64, 32], strides = [1, 1]} : vector<64x256xf32> to vector<64x32xf32>
    %transpose3A_93 = tpu.transpose %slice3A_92, [1, 0] : vector<64x32xf32> -> vector<32x64xf32>
    %dot_general3A_94 = arith.constant dense<0.000000e+00> : vector<128x64xf32>
    %dot_general3A_95 = tpu.matmul %add3A_63, %transpose3A_93, %dot_general3A_94 {dimension_numbers = #tpu.dot_dimension_numbers<[1], [0], [0], [1], [0, 0, 1, 1], [], []>, transpose_lhs_hint = false} : vector<128x32xf32>, vector<32x64xf32>, vector<128x64xf32> -> vector<128x64xf32>
    %add3A_96 = arith.addf %add3A_91, %dot_general3A_95 : vector<128x64xf32>
    %get3A_97 = arith.constant 0 : index
    %get3A_98 = arith.constant 0 : index
    %get3A_99 = vector.load %arg6[%get3A_97, %get3A_98] : memref<1x64xf32, #tpu.memory_space<vmem>>, vector<1x64xf32>
    %add3A_100 = vector.broadcast %get3A_99 : vector<1x64xf32> to vector<128x64xf32>
    %add3A_101 = arith.addf %add3A_96, %add3A_100 : vector<128x64xf32>
    %concatenate3A = tpu.concatenate %add3A_82, %add3A_101 in 1 : vector<128x64xf32>, vector<128x64xf32> -> vector<128x128xf32>
    %swap3A_102 = arith.constant 0 : index
    %swap3A_103 = arith.constant 0 : index
    %swap3A_104 = vector.load %arg16[%swap3A_102, %swap3A_103] : memref<128x128xf32, #tpu.memory_space<vmem>>, vector<128x128xf32>
    tpu.vector_store %arg16[%swap3A_102, %swap3A_103], %concatenate3A {strides = array<i32>} : memref<128x128xf32, #tpu.memory_space<vmem>>, vector<128x128xf32>,
    return
  }
}

</mosaic_0001>

<sc_bundles>
// kernel: kernel.6.cloned.1.call-start
scs
__scs_entry_jumppad:
0x0: {  	(pc) =	sbr.rel $0x88, $3  }
0x1: {  	(tag) =	ssettag $0x0;
	lr =	simm.s32 $0x1  }
0x2: {  	[smem:$0x3F8E] =	sst lr;
	_ =	strace $0xD0000000  }
0x3: {  	_ = 	snop  }
0x4: {  	_ = 	snop  }
0x5: {  	_ = 	snop  }
0x6: {  	_ = 	snop  }
0x7: {  	_ = 	snop  }
__scs_overlays_trampoline_lowered:
0x8: {  	[smem:$0x3F9D] =	sst s0  }
0x9: {  	[smem:$0x3F9E] =	sst s1  }
0xa: {  	[smem:$0x3F9F] =	sst s2  }
0xb: {  	[smem:$0x3FA0] =	sst s3  }
0xc: {  	[smem:$0x3FA1] =	sst s4  }
0xd: {  	[smem:$0x3FA2] =	sst s5  }
0xe: {  	[smem:$0x3FA3] =	sst s6  }
0xf: {  	[smem:$0x3FA4] =	sst s7  }
0x10: {  	[smem:$0x3FA5] =	sst s8  }
0x11: {  	[smem:$0x3FA6] =	sst s9;
	s0 =	simm.s32 @!p0 $0x0  }
0x12: {  	s1 =	sld [smem:$0x3F8C];
	s0 =	simm.s32 @p0 $0x1  }
0x13: {  	[smem:$0x3FA7] =	sst s0;
	s0 =	simm.s32 @!p1 $0x0  }
0x14: {  	s2 =	sld [smem:$0x3F8B];
	s0 =	simm.s32 @p1 $0x1  }
0x15: {  	[smem:$0x3FA8] =	sst s0;
	s0 =	simm.s32 @!p2 $0x0  }
0x16: {  	s3 =	sld [smem:$0x3FDB];
	s0 =	simm.s32 @p2 $0x1  }
0x17: {  	s4 =	simm.s32 $0x1BF5;
	[smem:$0x3FAA] =	sst s0  }
0x18: {  	s0 =	sld [smem:$0x3F8D];
	_ =	swait.ge [sflag:s4], $0x0  }
0x19: {  	s7 =	sld [smem:$0x3F8E]  }
0x1a: {  	s8 =	sadd.s32 $0xFFFFE003, lr  }
0x1b: {  	s9 =	sadd.s32 $0xFFFFFEF7, lr;
	s5 =	simm.s32 $0xFFFFFFFF;
	p2 =	slt.u32 s8, $0xFFFFF086  }
0x1c: {  	p1 =	slt.u32 s9, $0xF7A;
	s5 =	simm.s32 @!p2 $0x0  }
0x1d: {  	s5 =	simm.s32 @p1 $0x1;
	p0 =	seq.s32 s7, s2  }
0x1e: {  	s7 =	smul.u32 @!p0 $0xF7A, s2;
	p2 =	seq.s32 @!p0 s5, $0x0  }
0x1f: {  	s9 =	smul.u32 $0xF7A, s1;
	s8 =	simm.s32 @!p0 $0x1BF5;
	p2 =	por !p2, p0  }
0x20: {  	[sflag:s8] =	ssyncset.s32 @!p0 $0xFFFFF086;
	s6 =	sadd.s32 @!p0 s3, s7;
	s7 =	simm.s32 @!p0 $0x108  }
0x21: {  	s3 =	sadd.s32 s3, s9;
	s6 =	sadd.s32 @!p0 $0x88, s6;
	s7 =	simm.s32 @p2 $0x1082  }
0x22: {  	[simem:s7], [sflag:s8] =	dma.local @!p0 [hbm:s6], $0xF7A  }
0x23: {  	s9 =	sor.u32 $0xD0000000, s2;
	s6 =	simm.s32 $0x108;
	_ =	swait.ge @!p0 [sflag:s8], $0x0  }
0x24: {  	s3 =	sadd.s32 $0x88, s3;
	s6 =	simm.s32 @!p1 $0x1082;
	[sflag:s4] =	ssyncset.s32 $0xFFFFF086  }
0x25: {  	[simem:s6], [sflag:s4] =	dma.local [hbm:s3], $0xF7A  }
0x26: {  	[smem:$0x3F8E] =	sst s1;
	(tag) =	ssettag s2;
	_ =	strace s9  }
0x27: {  	s1 =	sld [smem:$0x3F9E]  }
0x28: {  	s2 =	sld [smem:$0x3F9F]  }
0x29: {  	s4 =	sld [smem:$0x3FA1]  }
0x2a: {  	p0 =	seq.s32 s5, $0x0;
	s5 =	sld [smem:$0x3FA2]  }
0x2b: {  	s6 =	sld [smem:$0x3FA3]  }
0x2c: {  	s7 =	sld [smem:$0x3FA4]  }
0x2d: {  	s3 =	simm.s32 $0x108;
	s8 =	sld [smem:$0x3FA5]  }
0x2e: {  	s3 =	simm.s32 @!p0 $0x1082;
	s9 =	sld [smem:$0x3FA6]  }
0x2f: {  	lr =	sadd.s32 s0, s3;
	s0 =	sld [smem:$0x3F9D]  }
0x30: {  	s3 =	sld [smem:$0x3FA0]  }
0x31: {  	[smem:$0x3FA9] =	sst s10  }
0x32: {  	s10 =	sld [smem:$0x3FA7];
	_ =	sdelay $0x3  }
0x33: {  	p0 =	seq.s32 s10, $0x1;
	s10 =	sld [smem:$0x3FA9];
	_ =	sdelay $0x3  }
0x34: {  	[smem:$0x3FA9] =	sst s10  }
0x35: {  	s10 =	sld [smem:$0x3FA8];
	_ =	sdelay $0x3  }
0x36: {  	p1 =	seq.s32 s10, $0x1;
	s10 =	sld [smem:$0x3FA9];
	_ =	sdelay $0x3  }
0x37: {  	[smem:$0x3FA9] =	sst s10  }
0x38: {  	s10 =	sld [smem:$0x3FAA]  }
0x39: {  	_ = 	snop;
	(pc) =	sbr.ind lr, $3  }
0x3a: {  	_ = 	snop  }
0x3b: {  	_ = 	snop  }
0x3c: {  	p2 =	seq.s32 s10, $0x1;
	s10 =	sld [smem:$0x3FA9]  }
0x3d: {  	_ =	shalt  }
0x3e: {  	_ =	shalt  }
0x3f: {  	_ =	shalt  }
0x40: {  	_ =	shalt  }
0x41: {  	_ =	shalt  }
0x42: {  	_ =	shalt  }
0x43: {  	_ =	shalt  }
0x44: {  	_ =	shalt  }
0x45: {  	_ =	shalt  }
0x46: {  	_ =	shalt  }
0x47: {  	_ =	shalt  }
0x48: {  	_ =	shalt  }
0x49: {  	_ =	shalt  }
0x4a: {  	_ =	shalt  }
0x4b: {  	_ =	shalt  }
0x4c: {  	_ =	shalt  }
0x4d: {  	_ =	shalt  }
0x4e: {  	_ =	shalt  }
0x4f: {  	_ =	shalt  }
0x50: {  	_ =	shalt  }
0x51: {  	_ =	shalt  }
0x52: {  	_ =	shalt  }
0x53: {  	_ =	shalt  }
0x54: {  	_ =	shalt  }
0x55: {  	_ =	shalt  }
0x56: {  	_ =	shalt  }
0x57: {  	_ =	shalt  }
0x58: {  	_ =	shalt  }
0x59: {  	_ =	shalt  }
0x5a: {  	_ =	shalt  }
0x5b: {  	_ =	shalt  }
0x5c: {  	_ =	shalt  }
0x5d: {  	_ =	shalt  }
0x5e: {  	_ =	shalt  }
0x5f: {  	_ =	shalt  }
0x60: {  	_ =	shalt  }
0x61: {  	_ =	shalt  }
0x62: {  	_ =	shalt  }
0x63: {  	_ =	shalt  }
0x64: {  	_ =	shalt  }
0x65: {  	_ =	shalt  }
0x66: {  	_ =	shalt  }
0x67: {  	_ =	shalt  }
0x68: {  	_ =	shalt  }
0x69: {  	_ =	shalt  }
0x6a: {  	_ =	shalt  }
0x6b: {  	_ =	shalt  }
0x6c: {  	_ =	shalt  }
0x6d: {  	_ =	shalt  }
0x6e: {  	_ =	shalt  }
0x6f: {  	_ =	shalt  }
0x70: {  	_ =	shalt  }
0x71: {  	_ =	shalt  }
0x72: {  	_ =	shalt  }
0x73: {  	_ =	shalt  }
0x74: {  	_ =	shalt  }
0x75: {  	_ =	shalt  }
0x76: {  	_ =	shalt  }
0x77: {  	_ =	shalt  }
0x78: {  	_ =	shalt  }
0x79: {  	_ =	shalt  }
0x7a: {  	_ =	shalt  }
0x7b: {  	_ =	shalt  }
0x7c: {  	_ =	shalt  }
0x7d: {  	_ =	shalt  }
0x7e: {  	_ =	shalt  }
0x7f: {  	_ =	shalt  }
0x80: {  	_ =	shalt  }
0x81: {  	_ =	shalt  }
0x82: {  	_ =	shalt  }
0x83: {  	_ =	shalt  }
0x84: {  	_ =	shalt  }
0x85: {  	_ =	shalt  }
0x86: {  	_ =	shalt  }
0x87: {  	_ =	shalt  }
.Lfunc_end0:
.L_simem_size_0:
called_computation_lowered:
.L_overlay_start_0:
0x88: {  	s2 =	sld [smem:$0x3FD9]  }
0x89: {  	s3 =	sld [smem:$0x3FFE];
	_ =	sdelay $0x1  }
0x8a: {  	s1 =	srdreg.scid  }
0x8b: {  	s0 =	sand.u32 $0x1, s1  }
0x8c: {  	s17 =	sshll.u32 s0, $0xA;
	s2 =	sadd.s32 s3, s2  }
0x8d: {  	s2 =	sadd.s32 s2, s17  }
0x8e: {  	[smem:$0x3FB5] =	sst s2  }
0x8f: {  	_ = 	snop  }
0x90: {  	s2 =	sld [smem:$0x3FD0];
	(tm) =	ssettm $0x1  }
0x91: {  	s18 =	sld [smem:$0x3FFB];
	_ =	sdelay $0x3  }
0x92: {  	_ =	strace s18  }
0x93: {  	s3 =	sld [smem:$0x3FFC];
	_ =	sdelay $0x3  }
0x94: {  	_ =	strace s3  }
0x95: {  	s3 =	sld [smem:$0x3FFD];
	_ =	sdelay $0x3  }
0x96: {  	_ =	strace s3  }
0x97: {  	_ =	strace $0x8FFFFFFF  }
0x98: {  	s19 =	sld [smem:$0x3FDB];
	_ =	sdelay $0x1  }
0x99: {  	s4 =	simm.s32 $_scs_section_size  }
0x9a: {  	s5 =	simm.s32 $_size__tile_overlayer_lowered;
	s6 =	simm.s32 $_tile_overlayer_lowered  }
0x9b: {  	s22 =	simm.s32 $0x1BFF;
	s21 =	sshll.u32 s6, $0x1;
	s3 =	sadd.s32 s4, s19  }
0x9c: {  	s7 =	simm.s32 $0x0;
	s20 =	sshll.u32 s5, $0x1;
	s5 =	sadd.s32 s21, s3  }
0x9d: {  	[timem:s7], [sflag:s22] =	dma.local [hbm:s5], s20  }
0x9e: {  	_ =	swait.ge [sflag:s22], s20  }
0x9f: {  	s4 =	ssub.s32 $0x0, s20;
	[sflag:s22] =	ssyncset.done $0x0  }
0xa0: {  	[sflag:s22] =	ssyncadd.s32 s4;
	_ =	sdelay $0x1  }
0xa1: {  	s23 =	simm.s32 $0x1B8B  }
0xa2: {  	_ =	swait.ge [sflag:s23], $0x1  }
0xa3: {  	[sflag:s23] =	ssyncset.done $0x0  }
0xa4: {  	s25 =	simm.s32 $0x1B8E;
	s24 =	sld [smem:$0x3FFE];
	[sflag:s23] =	ssyncadd.s32 $0xFFFFFFFF  }
0xa5: {  	s26 =	simm.s32 $execute0_lowered;
	[smem:$0x3FD2] =	sst s25  }
0xa6: {  	s5 =	sshll.u32 s26, $0x1;
	_ =	strace $0x80000046;
	[dreg:$0x1] =	wrdreg $0xFFFFFFFF  }
0xa7: {  	s28 =	simm.s32 $_size_execute0_lowered;
	s3 =	sadd.s32 s3, s5;
	[dreg:$0x0] =	wrdreg $0x0  }
0xa8: {  	s5 =	sshll.u32 s28, $0x1;
	[dreg:$0x2] =	wrdreg s3  }
0xa9: {  	[dreg:$0x3] =	wrdreg s5  }
0xaa: {  	[dreg:$0x4] =	wrdreg $0xC0  }
0xab: {  	_ =	task [dreg:s7], $0x5FFFF  }
0xac: {  	[dreg:$0x1] =	wrdreg $0xFFFFFFFF  }
0xad: {  	[dreg:$0x0] =	wrdreg $0x60  }
0xae: {  	[dreg:$0x2] =	wrdreg s24  }
0xaf: {  	[dreg:$0x3] =	wrdreg s2  }
0xb0: {  	[dreg:$0x4] =	wrdreg $0x9  }
0xb1: {  	_ =	task.clear_ibuf [dreg:s7], $0x5FFFF;
	_ =	strace $0x90000046  }
0xb2: {  	s29 =	simm.s32 $0x9;
	_ =	strace $0x80000048  }
0xb3: {  	_ =	swait.ge [sflag:s29], $0x1  }
0xb4: {  	[sflag:s29] =	ssyncadd.s32 $0xFFFFFFFF  }
0xb5: {  	_ =	strace $0x90000048  }
0xb6: {  	_ =	sfence  }
0xb7: {  	s30 =	sld [smem:$0x0];
	_ =	sdelay $0x2  }
0xb8: {  	s31 =	sshll.u32 s1, $0xD;
	s1 =	sshrl.u32 s1, $0x2  }
0xb9: {  	s3 =	sand.u32 $0x4000, s31;
	s1 =	sadd.s32 s1, s30  }
0xba: {  	s0 =	sor.u32 s3, s0;
	s1 =	sshll.u32 s1, $0x11  }
0xbb: {  	s0 =	sor.u32 s1, s0  }
0xbc: {  	s0 =	sadd.s32 $0x8F2B, s0  }
0xbd: {  	[sflag:s0] =	ssyncadd.remote.s32 $0x1  }
0xbe: {  	_ =	sfence.sel $0xFFFF  }
0xbf: {  	[dreg:$0x0] =	wrdreg $0xFFFFFFFF;
	(pc) =	sbr.abs _section_cstart, $3  }
0xc0: {  	[dreg:$0x1] =	wrdreg $0xFFFFFFFF  }
0xc1: {  	_ =	task.clear_ibuf [dreg:s7], $0x2FFFF;
	_ =	strace $0x9FFFFFFF  }
0xc2: {  	(tm) =	ssettm $0x7FFFFFFF  }
0xc3: {  	_ =	shalt  }
tec
execute0_lowered:
.L_overlay_start_1:
0x0: {  	(tag) =	ssettag $0x1  }
0x1: {  	s0 =	srdreg.scid;
	s1 =	stileid.u32  }
0x2: {  	s23 =	rddreg [dreg:$0x0];
	s2 =	sand.u32 $0x1, s0;
	s12 =	sshll.u32 s1, $0x1  }
0x3: {  	s20 =	rddreg [dreg:$0x1];
	s0 =	sor.u32 s2, s12  }
0x4: {  	[dreg:$0x7] =	wrdreg s2;
	s2 =	simm.s32 $0x0;
	s18 =	smul.u32 $0x1388, s0  }
0x5: {  	[smem:$0x7FF] =	sst s2;
	s24 =	smul.u32 $0x13880, s0  }
0x6: {  	s17 =	sadd.s32 $0x1C00, s23;
	s21 =	sadd.s32 $0x2E000, s23;
	_ =	strace $0x80000047  }
0x7: {  	s13 =	sadd.s32 $0x3E8, s18;
	s19 =	sshrl.u32 s18, $0x3;
	s15 =	sadd.s32 s21, s24  }
0x8: {  	s3 =	sadd.s32 s17, s19;
	s22 =	sshrl.u32 s13, $0x3;
	[dreg:$0x5] =	wrdreg s15  }
0x9: {  	s0 =	sadd.s32 $0x7D0, s18;
	[dreg:$0x3] =	wrdreg s3;
	s14 =	sadd.s32 s17, s22  }
0xa: {  	s25 =	sshrl.u32 s0, $0x3;
	[dreg:$0x4] =	wrdreg s14  }
0xb: {  	s16 =	sadd.s32 s17, s25;
	s4 =	rddreg [dreg:$0x3]  }
0xc: {  	s3 =	simm.s32 $0x5;
	[dreg:$0x6] =	wrdreg s16  }
0xd: {  	[tilespmem:s2], [sflag:$0x5] =	stream.linear.gather [hbm4b:s4+s2], $0x3E8, $0x38;
	[tilespmem:$0x1FBD0] =	vst v63  }
0xe: {  	_ =	swait.ge [sflag:s3], $0x3E8  }
0xf: {  	s5 =	simm.s32 $0x3E8;
	[sflag:s3] =	ssyncset.done $0x0  }
0x10: {  	s6 =	simm.s32 $0x7D0;
	s4 =	sadd.s32 $0x6C00, s23;
	[sflag:s3] =	ssyncadd.s32 $0xFFFFFC18  }
0x11: {  	[tilespmem:s6], [sflag:$0x1] =	stream.indirect.gather [hbm4b:s4+s5], $0x40, s2, s5, $0xb8;
	[tilespmem:$0x1FBD0] =	vst v63  }
0x12: {  	s7 =	rddreg [dreg:$0x4]  }
0x13: {  	[tilespmem:s5], [sflag:$0x5] =	stream.linear.gather [hbm4b:s7+s2], $0x3E8, $0x38;
	[tilespmem:$0x1FBD0] =	vst v63  }
0x14: {  	_ =	swait.ge [sflag:s3], $0x3E8  }
0x15: {  	[sflag:s3] =	ssyncset.done $0x0  }
0x16: {  	s8 =	simm.s32 $0x1;
	s7 =	simm.s32 $0x101D0;
	[sflag:s3] =	ssyncadd.s32 $0xFFFFFC18  }
0x17: {  	[tilespmem:s7], [sflag:$0x2] =	stream.indirect.gather [hbm4b:s4+s5], $0x40, s5, s5, $0xb8;
	[tilespmem:$0x1FBD0] =	vst v63  }
0x18: {  	_ =	swait.ge [sflag:s8], $0xFA00  }
0x19: {  	s9 =	simm.s32 $0x40;
	s10 =	simm.s32 $0x80;
	[sflag:s8] =	ssyncset.done $0x0  }
0x1a: {  	s11 =	simm.s32 $0x3;
	s12 =	rddreg [dreg:$0x5];
	[sflag:s8] =	ssyncadd.s32 $0xFFFF0600  }
0x1b: {  	[hbm4b:s12+s9] =	stream.strided.scatter [tilespmem:s6], [sflag:$0x3], $0xFA00, s10, s9, $0x38;
	[tilespmem:$0x1FBD0] =	vst v63  }
0x1c: {  	_ =	swait.ge [sflag:s11], $0xFA00  }
0x1d: {  	[sflag:s11] =	ssyncset.done $0x0  }
0x1e: {  	s26 =	rddreg [dreg:$0x6];
	[sflag:s11] =	ssyncadd.s32 $0xFFFF0600  }
0x1f: {  	[tilespmem:s2], [sflag:$0x5] =	stream.linear.gather [hbm4b:s26+s2], $0x3E8, $0x38;
	[tilespmem:$0x1FBD0] =	vst v63  }
0x20: {  	_ =	swait.ge [sflag:s3], $0x3E8  }
0x21: {  	[sflag:s3] =	ssyncset.done $0x0  }
0x22: {  	s12 =	simm.s32 $0x2;
	[sflag:s3] =	ssyncadd.s32 $0xFFFFFC18  }
0x23: {  	[tilespmem:s6], [sflag:$0x1] =	stream.indirect.gather [hbm4b:s4+s5], $0x40, s2, s5, $0xb8;
	[tilespmem:$0x1FBD0] =	vst v63  }
0x24: {  	_ =	swait.ge [sflag:s12], $0xFA00  }
0x25: {  	s26 =	sshll.u32 s13, $0x4;
	[sflag:s12] =	ssyncset.done $0x0  }
0x26: {  	s14 =	simm.s32 $0x4;
	s13 =	sadd.s32 s21, s26;
	[sflag:s12] =	ssyncadd.s32 $0xFFFF0600  }
0x27: {  	[hbm4b:s13+s9] =	stream.strided.scatter [tilespmem:s7], [sflag:$0x4], $0xFA00, s10, s9, $0x38;
	[tilespmem:$0x1FBD0] =	vst v63  }
0x28: {  	s1 =	sadd.s32 $0xBB8, s18;
	_ =	swait.ge [sflag:s14], $0xFA00  }
0x29: {  	s28 =	sshrl.u32 s1, $0x3;
	[sflag:s14] =	ssyncset.done $0x0  }
0x2a: {  	s15 =	sadd.s32 s17, s28;
	[sflag:s14] =	ssyncadd.s32 $0xFFFF0600  }
0x2b: {  	[tilespmem:s5], [sflag:$0x5] =	stream.linear.gather [hbm4b:s15+s2], $0x3E8, $0x38;
	[tilespmem:$0x1FBD0] =	vst v63  }
0x2c: {  	_ =	swait.ge [sflag:s3], $0x3E8  }
0x2d: {  	[sflag:s3] =	ssyncset.done $0x0  }
0x2e: {  	[sflag:s3] =	ssyncadd.s32 $0xFFFFFC18  }
0x2f: {  	[tilespmem:s7], [sflag:$0x2] =	stream.indirect.gather [hbm4b:s4+s5], $0x40, s5, s5, $0xb8;
	[tilespmem:$0x1FBD0] =	vst v63  }
0x30: {  	_ =	swait.ge [sflag:s8], $0xFA00  }
0x31: {  	s0 =	sshll.u32 s0, $0x4;
	[sflag:s8] =	ssyncset.done $0x0  }
0x32: {  	s16 =	sadd.s32 s21, s0;
	[dreg:$0x8] =	wrdreg s0;
	[sflag:s8] =	ssyncadd.s32 $0xFFFF0600  }
0x33: {  	[hbm4b:s16+s9] =	stream.strided.scatter [tilespmem:s6], [sflag:$0x3], $0xFA00, s10, s9, $0x38;
	[tilespmem:$0x1FBD0] =	vst v63  }
0x34: {  	s0 =	sadd.s32 $0xFA0, s18;
	_ =	swait.ge [sflag:s11], $0xFA00  }
0x35: {  	s29 =	sshrl.u32 s0, $0x3;
	[sflag:s11] =	ssyncset.done $0x0  }
0x36: {  	s17 =	sadd.s32 s17, s29;
	[sflag:s11] =	ssyncadd.s32 $0xFFFF0600  }
0x37: {  	[tilespmem:s2], [sflag:$0x5] =	stream.linear.gather [hbm4b:s17+s2], $0x3E8, $0x38;
	[tilespmem:$0x1FBD0] =	vst v63  }
0x38: {  	_ =	swait.ge [sflag:s3], $0x3E8  }
0x39: {  	[sflag:s3] =	ssyncset.done $0x0  }
0x3a: {  	[sflag:s3] =	ssyncadd.s32 $0xFFFFFC18  }
0x3b: {  	[tilespmem:s6], [sflag:$0x1] =	stream.indirect.gather [hbm4b:s4+s5], $0x40, s2, s5, $0xb8;
	[tilespmem:$0x1FBD0] =	vst v63  }
0x3c: {  	_ =	swait.ge [sflag:s12], $0xFA00  }
0x3d: {  	s30 =	sshll.u32 s1, $0x4;
	[sflag:s12] =	ssyncset.done $0x0  }
0x3e: {  	s18 =	sadd.s32 s21, s30;
	[sflag:s12] =	ssyncadd.s32 $0xFFFF0600  }
0x3f: {  	[hbm4b:s18+s9] =	stream.strided.scatter [tilespmem:s7], [sflag:$0x4], $0xFA00, s10, s9, $0x38;
	[tilespmem:$0x1FBD0] =	vst v63  }
0x40: {  	_ =	swait.ge [sflag:s14], $0xFA00  }
0x41: {  	[sflag:s14] =	ssyncset.done $0x0  }
0x42: {  	s19 =	sadd.s32 s20, s19;
	[sflag:s14] =	ssyncadd.s32 $0xFFFF0600  }
0x43: {  	[tilespmem:s5], [sflag:$0x5] =	stream.linear.gather [hbm4b:s19+s2], $0x3E8, $0x38;
	[tilespmem:$0x1FBD0] =	vst v63  }
0x44: {  	_ =	swait.ge [sflag:s3], $0x3E8  }
0x45: {  	[sflag:s3] =	ssyncset.done $0x0  }
0x46: {  	s1 =	smov.u32 s20;
	s20 =	sadd.s32 $0x1A600, s23;
	[sflag:s3] =	ssyncadd.s32 $0xFFFFFC18  }
0x47: {  	[tilespmem:s7], [sflag:$0x2] =	stream.indirect.gather [hbm4b:s20+s5], $0x40, s5, s5, $0xb8;
	[tilespmem:$0x1FBD0] =	vst v63  }
0x48: {  	_ =	swait.ge [sflag:s8], $0xFA00  }
0x49: {  	s31 =	sshll.u32 s0, $0x4;
	[sflag:s8] =	ssyncset.done $0x0  }
0x4a: {  	s21 =	sadd.s32 s21, s31;
	[sflag:s8] =	ssyncadd.s32 $0xFFFF0600  }
0x4b: {  	[hbm4b:s21+s9] =	stream.strided.scatter [tilespmem:s6], [sflag:$0x3], $0xFA00, s10, s9, $0x38;
	[tilespmem:$0x1FBD0] =	vst v63  }
0x4c: {  	_ =	swait.ge [sflag:s11], $0xFA00  }
0x4d: {  	[sflag:s11] =	ssyncset.done $0x0  }
0x4e: {  	s22 =	sadd.s32 s1, s22;
	[sflag:s11] =	ssyncadd.s32 $0xFFFF0600  }
0x4f: {  	[tilespmem:s2], [sflag:$0x5] =	stream.linear.gather [hbm4b:s22+s2], $0x3E8, $0x38;
	[tilespmem:$0x1FBD0] =	vst v63  }
0x50: {  	_ =	swait.ge [sflag:s3], $0x3E8  }
0x51: {  	[sflag:s3] =	ssyncset.done $0x0  }
0x52: {  	[sflag:s3] =	ssyncadd.s32 $0xFFFFFC18  }
0x53: {  	[tilespmem:s6], [sflag:$0x1] =	stream.indirect.gather [hbm4b:s20+s5], $0x40, s2, s5, $0xb8;
	[tilespmem:$0x1FBD0] =	vst v63  }
0x54: {  	_ =	swait.ge [sflag:s12], $0xFA00  }
0x55: {  	s0 =	sadd.s32 $0x2E008, s23;
	[sflag:s12] =	ssyncset.done $0x0  }
0x56: {  	s23 =	sadd.s32 s24, s0;
	[sflag:s12] =	ssyncadd.s32 $0xFFFF0600  }
0x57: {  	[hbm4b:s23+s9] =	stream.strided.scatter [tilespmem:s7], [sflag:$0x4], $0xFA00, s10, s9, $0x38;
	[tilespmem:$0x1FBD0] =	vst v63  }
0x58: {  	_ =	swait.ge [sflag:s14], $0xFA00  }
0x59: {  	[sflag:s14] =	ssyncset.done $0x0  }
0x5a: {  	s24 =	sadd.s32 s1, s25;
	[sflag:s14] =	ssyncadd.s32 $0xFFFF0600  }
0x5b: {  	[tilespmem:s5], [sflag:$0x5] =	stream.linear.gather [hbm4b:s24+s2], $0x3E8, $0x38;
	[tilespmem:$0x1FBD0] =	vst v63  }
0x5c: {  	_ =	swait.ge [sflag:s3], $0x3E8  }
0x5d: {  	[sflag:s3] =	ssyncset.done $0x0  }
0x5e: {  	[sflag:s3] =	ssyncadd.s32 $0xFFFFFC18  }
0x5f: {  	[tilespmem:s7], [sflag:$0x2] =	stream.indirect.gather [hbm4b:s20+s5], $0x40, s5, s5, $0xb8;
	[tilespmem:$0x1FBD0] =	vst v63  }
0x60: {  	_ =	swait.ge [sflag:s8], $0xFA00  }
0x61: {  	[sflag:s8] =	ssyncset.done $0x0  }
0x62: {  	s25 =	sadd.s32 s26, s0;
	[sflag:s8] =	ssyncadd.s32 $0xFFFF0600  }
0x63: {  	[hbm4b:s25+s9] =	stream.strided.scatter [tilespmem:s6], [sflag:$0x3], $0xFA00, s10, s9, $0x38;
	[tilespmem:$0x1FBD0] =	vst v63  }
0x64: {  	_ =	swait.ge [sflag:s11], $0xFA00  }
0x65: {  	[sflag:s11] =	ssyncset.done $0x0  }
0x66: {  	s26 =	sadd.s32 s1, s28;
	[sflag:s11] =	ssyncadd.s32 $0xFFFF0600  }
0x67: {  	[tilespmem:s2], [sflag:$0x5] =	stream.linear.gather [hbm4b:s26+s2], $0x3E8, $0x38;
	[tilespmem:$0x1FBD0] =	vst v63  }
0x68: {  	_ =	swait.ge [sflag:s3], $0x3E8  }
0x69: {  	[sflag:s3] =	ssyncset.done $0x0  }
0x6a: {  	[sflag:s3] =	ssyncadd.s32 $0xFFFFFC18  }
0x6b: {  	[tilespmem:s6], [sflag:$0x1] =	stream.indirect.gather [hbm4b:s20+s5], $0x40, s2, s5, $0xb8;
	[tilespmem:$0x1FBD0] =	vst v63  }
0x6c: {  	_ =	swait.ge [sflag:s12], $0xFA00  }
0x6d: {  	[sflag:s12] =	ssyncset.done $0x0;
	s28 =	rddreg [dreg:$0x8]  }
0x6e: {  	s28 =	sadd.s32 s28, s0;
	[sflag:s12] =	ssyncadd.s32 $0xFFFF0600  }
0x6f: {  	[hbm4b:s28+s9] =	stream.strided.scatter [tilespmem:s7], [sflag:$0x4], $0xFA00, s10, s9, $0x38;
	[tilespmem:$0x1FBD0] =	vst v63  }
0x70: {  	_ =	swait.ge [sflag:s14], $0xFA00  }
0x71: {  	[sflag:s14] =	ssyncset.done $0x0  }
0x72: {  	s29 =	sadd.s32 s1, s29;
	[sflag:s14] =	ssyncadd.s32 $0xFFFF0600  }
0x73: {  	[tilespmem:s5], [sflag:$0x5] =	stream.linear.gather [hbm4b:s29+s2], $0x3E8, $0x38;
	[tilespmem:$0x1FBD0] =	vst v63  }
0x74: {  	_ =	swait.ge [sflag:s3], $0x3E8  }
0x75: {  	[sflag:s3] =	ssyncset.done $0x0  }
0x76: {  	[sflag:s3] =	ssyncadd.s32 $0xFFFFFC18  }
0x77: {  	[tilespmem:s7], [sflag:$0x2] =	stream.indirect.gather [hbm4b:s20+s5], $0x40, s5, s5, $0xb8;
	[tilespmem:$0x1FBD0] =	vst v63  }
0x78: {  	_ =	swait.ge [sflag:s8], $0xFA00  }
0x79: {  	[sflag:s8] =	ssyncset.done $0x0  }
0x7a: {  	s30 =	sadd.s32 s30, s0;
	[sflag:s8] =	ssyncadd.s32 $0xFFFF0600  }
0x7b: {  	[hbm4b:s30+s9] =	stream.strided.scatter [tilespmem:s6], [sflag:$0x3], $0xFA00, s10, s9, $0x38;
	[tilespmem:$0x1FBD0] =	vst v63  }
0x7c: {  	_ =	swait.ge [sflag:s12], $0xFA00  }
0x7d: {  	[sflag:s12] =	ssyncset.done $0x0;
	s1 =	rddreg [dreg:$0x7]  }
0x7e: {  	s31 =	sadd.s32 s31, s0;
	s0 =	ssub.s32 $0x2, s1;
	[sflag:s12] =	ssyncadd.s32 $0xFFFF0600  }
0x7f: {  	[hbm4b:s31+s9] =	stream.strided.scatter [tilespmem:s7], [sflag:$0x4], $0xFA00, s10, s9, $0x38;
	[tilespmem:$0x1FBD0] =	vst v63  }
0x80: {  	s1 =	sshrl.u32 s0, $0x1  }
0x81: {  	s0 =	ssub.s32 s0, s1  }
0x82: {  	s0 =	smax.u32 s0, $0x1  }
0x83: {  	p0 =	sne.s32 s0, $0x1  }
.Ltmp0:
0x84: {  	_ =	swait.ge [sflag:s11], $0xFA00;
	(pc) =	sbr.rel @!p0 .LBB2_2-.Ltmp0, $4  }
0x85: {  	[sflag:s11] =	ssyncset.done $0x0  }
0x86: {  	[sflag:s11] =	ssyncadd.s32 $0xFFFF0600  }
0x87: {  	_ =	swait.ge [sflag:s14], $0xFA00  }
0x88: {  	s1 =	sadd.s32 $0xFFFFFFFF, s0;
	[sflag:s14] =	ssyncset.done $0x0  }
.LBB2_1:
0x89: {  	s0 =	rddreg [dreg:$0x3];
	[sflag:s14] =	ssyncadd.s32 $0xFFFF0600  }
0x8a: {  	[tilespmem:s2], [sflag:$0x5] =	stream.linear.gather [hbm4b:s0+s2], $0x3E8, $0x38;
	[tilespmem:$0x1FBD0] =	vst v63  }
0x8b: {  	_ =	swait.ge [sflag:s3], $0x3E8  }
0x8c: {  	[sflag:s3] =	ssyncset.done $0x0  }
0x8d: {  	[sflag:s3] =	ssyncadd.s32 $0xFFFFFC18  }
0x8e: {  	[tilespmem:s6], [sflag:$0x1] =	stream.indirect.gather [hbm4b:s4+s5], $0x40, s2, s5, $0xb8;
	[tilespmem:$0x1FBD0] =	vst v63  }
0x8f: {  	s0 =	rddreg [dreg:$0x4]  }
0x90: {  	[tilespmem:s5], [sflag:$0x5] =	stream.linear.gather [hbm4b:s0+s2], $0x3E8, $0x38;
	[tilespmem:$0x1FBD0] =	vst v63  }
0x91: {  	_ =	swait.ge [sflag:s3], $0x3E8  }
0x92: {  	[sflag:s3] =	ssyncset.done $0x0  }
0x93: {  	[sflag:s3] =	ssyncadd.s32 $0xFFFFFC18  }
0x94: {  	[tilespmem:s7], [sflag:$0x2] =	stream.indirect.gather [hbm4b:s4+s5], $0x40, s5, s5, $0xb8;
	[tilespmem:$0x1FBD0] =	vst v63  }
0x95: {  	_ =	swait.ge [sflag:s8], $0xFA00  }
0x96: {  	[sflag:s8] =	ssyncset.done $0x0  }
0x97: {  	s0 =	rddreg [dreg:$0x5];
	[sflag:s8] =	ssyncadd.s32 $0xFFFF0600  }
0x98: {  	[hbm4b:s0+s9] =	stream.strided.scatter [tilespmem:s6], [sflag:$0x3], $0xFA00, s10, s9, $0x38;
	[tilespmem:$0x1FBD0] =	vst v63  }
0x99: {  	_ =	swait.ge [sflag:s11], $0xFA00  }
0x9a: {  	[sflag:s11] =	ssyncset.done $0x0  }
0x9b: {  	s0 =	rddreg [dreg:$0x6];
	[sflag:s11] =	ssyncadd.s32 $0xFFFF0600  }
0x9c: {  	[tilespmem:s2], [sflag:$0x5] =	stream.linear.gather [hbm4b:s0+s2], $0x3E8, $0x38;
	[tilespmem:$0x1FBD0] =	vst v63  }
0x9d: {  	_ =	swait.ge [sflag:s3], $0x3E8  }
0x9e: {  	[sflag:s3] =	ssyncset.done $0x0  }
0x9f: {  	[sflag:s3] =	ssyncadd.s32 $0xFFFFFC18  }
0xa0: {  	[tilespmem:s6], [sflag:$0x1] =	stream.indirect.gather [hbm4b:s4+s5], $0x40, s2, s5, $0xb8;
	[tilespmem:$0x1FBD0] =	vst v63  }
0xa1: {  	_ =	swait.ge [sflag:s12], $0xFA00  }
0xa2: {  	[sflag:s12] =	ssyncset.done $0x0  }
0xa3: {  	[sflag:s12] =	ssyncadd.s32 $0xFFFF0600  }
0xa4: {  	[hbm4b:s13+s9] =	stream.strided.scatter [tilespmem:s7], [sflag:$0x4], $0xFA00, s10, s9, $0x38;
	[tilespmem:$0x1FBD0] =	vst v63  }
0xa5: {  	_ =	swait.ge [sflag:s14], $0xFA00  }
0xa6: {  	[sflag:s14] =	ssyncset.done $0x0  }
0xa7: {  	[sflag:s14] =	ssyncadd.s32 $0xFFFF0600  }
0xa8: {  	[tilespmem:s5], [sflag:$0x5] =	stream.linear.gather [hbm4b:s15+s2], $0x3E8, $0x38;
	[tilespmem:$0x1FBD0] =	vst v63  }
0xa9: {  	_ =	swait.ge [sflag:s3], $0x3E8  }
0xaa: {  	[sflag:s3] =	ssyncset.done $0x0  }
0xab: {  	[sflag:s3] =	ssyncadd.s32 $0xFFFFFC18  }
0xac: {  	[tilespmem:s7], [sflag:$0x2] =	stream.indirect.gather [hbm4b:s4+s5], $0x40, s5, s5, $0xb8;
	[tilespmem:$0x1FBD0] =	vst v63  }
0xad: {  	_ =	swait.ge [sflag:s8], $0xFA00  }
0xae: {  	[sflag:s8] =	ssyncset.done $0x0  }
0xaf: {  	[sflag:s8] =	ssyncadd.s32 $0xFFFF0600  }
0xb0: {  	[hbm4b:s16+s9] =	stream.strided.scatter [tilespmem:s6], [sflag:$0x3], $0xFA00, s10, s9, $0x38;
	[tilespmem:$0x1FBD0] =	vst v63  }
0xb1: {  	_ =	swait.ge [sflag:s11], $0xFA00  }
0xb2: {  	[sflag:s11] =	ssyncset.done $0x0  }
0xb3: {  	[sflag:s11] =	ssyncadd.s32 $0xFFFF0600  }
0xb4: {  	[tilespmem:s2], [sflag:$0x5] =	stream.linear.gather [hbm4b:s17+s2], $0x3E8, $0x38;
	[tilespmem:$0x1FBD0] =	vst v63  }
0xb5: {  	_ =	swait.ge [sflag:s3], $0x3E8  }
0xb6: {  	[sflag:s3] =	ssyncset.done $0x0  }
0xb7: {  	[sflag:s3] =	ssyncadd.s32 $0xFFFFFC18  }
0xb8: {  	[tilespmem:s6], [sflag:$0x1] =	stream.indirect.gather [hbm4b:s4+s5], $0x40, s2, s5, $0xb8;
	[tilespmem:$0x1FBD0] =	vst v63  }
0xb9: {  	_ =	swait.ge [sflag:s12], $0xFA00  }
0xba: {  	[sflag:s12] =	ssyncset.done $0x0  }
0xbb: {  	[sflag:s12] =	ssyncadd.s32 $0xFFFF0600  }
0xbc: {  	[hbm4b:s18+s9] =	stream.strided.scatter [tilespmem:s7], [sflag:$0x4], $0xFA00, s10, s9, $0x38;
	[tilespmem:$0x1FBD0] =	vst v63  }
0xbd: {  	_ =	swait.ge [sflag:s14], $0xFA00  }
0xbe: {  	[sflag:s14] =	ssyncset.done $0x0  }
0xbf: {  	[sflag:s14] =	ssyncadd.s32 $0xFFFF0600  }
0xc0: {  	[tilespmem:s5], [sflag:$0x5] =	stream.linear.gather [hbm4b:s19+s2], $0x3E8, $0x38;
	[tilespmem:$0x1FBD0] =	vst v63  }
0xc1: {  	_ =	swait.ge [sflag:s3], $0x3E8  }
0xc2: {  	[sflag:s3] =	ssyncset.done $0x0  }
0xc3: {  	[sflag:s3] =	ssyncadd.s32 $0xFFFFFC18  }
0xc4: {  	[tilespmem:s7], [sflag:$0x2] =	stream.indirect.gather [hbm4b:s20+s5], $0x40, s5, s5, $0xb8;
	[tilespmem:$0x1FBD0] =	vst v63  }
0xc5: {  	_ =	swait.ge [sflag:s8], $0xFA00  }
0xc6: {  	[sflag:s8] =	ssyncset.done $0x0  }
0xc7: {  	[sflag:s8] =	ssyncadd.s32 $0xFFFF0600  }
0xc8: {  	[hbm4b:s21+s9] =	stream.strided.scatter [tilespmem:s6], [sflag:$0x3], $0xFA00, s10, s9, $0x38;
	[tilespmem:$0x1FBD0] =	vst v63  }
0xc9: {  	_ =	swait.ge [sflag:s11], $0xFA00  }
0xca: {  	[sflag:s11] =	ssyncset.done $0x0  }
0xcb: {  	[sflag:s11] =	ssyncadd.s32 $0xFFFF0600  }
0xcc: {  	[tilespmem:s2], [sflag:$0x5] =	stream.linear.gather [hbm4b:s22+s2], $0x3E8, $0x38;
	[tilespmem:$0x1FBD0] =	vst v63  }
0xcd: {  	_ =	swait.ge [sflag:s3], $0x3E8  }
0xce: {  	[sflag:s3] =	ssyncset.done $0x0  }
0xcf: {  	[sflag:s3] =	ssyncadd.s32 $0xFFFFFC18  }
0xd0: {  	[tilespmem:s6], [sflag:$0x1] =	stream.indirect.gather [hbm4b:s20+s5], $0x40, s2, s5, $0xb8;
	[tilespmem:$0x1FBD0] =	vst v63  }
0xd1: {  	_ =	swait.ge [sflag:s12], $0xFA00  }
0xd2: {  	[sflag:s12] =	ssyncset.done $0x0  }
0xd3: {  	[sflag:s12] =	ssyncadd.s32 $0xFFFF0600  }
0xd4: {  	[hbm4b:s23+s9] =	stream.strided.scatter [tilespmem:s7], [sflag:$0x4], $0xFA00, s10, s9, $0x38;
	[tilespmem:$0x1FBD0] =	vst v63  }
0xd5: {  	_ =	swait.ge [sflag:s14], $0xFA00  }
0xd6: {  	[sflag:s14] =	ssyncset.done $0x0  }
0xd7: {  	[sflag:s14] =	ssyncadd.s32 $0xFFFF0600  }
0xd8: {  	[tilespmem:s5], [sflag:$0x5] =	stream.linear.gather [hbm4b:s24+s2], $0x3E8, $0x38;
	[tilespmem:$0x1FBD0] =	vst v63  }
0xd9: {  	_ =	swait.ge [sflag:s3], $0x3E8  }
0xda: {  	[sflag:s3] =	ssyncset.done $0x0  }
0xdb: {  	[sflag:s3] =	ssyncadd.s32 $0xFFFFFC18  }
0xdc: {  	[tilespmem:s7], [sflag:$0x2] =	stream.indirect.gather [hbm4b:s20+s5], $0x40, s5, s5, $0xb8;
	[tilespmem:$0x1FBD0] =	vst v63  }
0xdd: {  	_ =	swait.ge [sflag:s8], $0xFA00  }
0xde: {  	[sflag:s8] =	ssyncset.done $0x0  }
0xdf: {  	[sflag:s8] =	ssyncadd.s32 $0xFFFF0600  }
0xe0: {  	[hbm4b:s25+s9] =	stream.strided.scatter [tilespmem:s6], [sflag:$0x3], $0xFA00, s10, s9, $0x38;
	[tilespmem:$0x1FBD0] =	vst v63  }
0xe1: {  	_ =	swait.ge [sflag:s11], $0xFA00  }
0xe2: {  	[sflag:s11] =	ssyncset.done $0x0  }
0xe3: {  	[sflag:s11] =	ssyncadd.s32 $0xFFFF0600  }
0xe4: {  	[tilespmem:s2], [sflag:$0x5] =	stream.linear.gather [hbm4b:s26+s2], $0x3E8, $0x38;
	[tilespmem:$0x1FBD0] =	vst v63  }
0xe5: {  	_ =	swait.ge [sflag:s3], $0x3E8  }
0xe6: {  	[sflag:s3] =	ssyncset.done $0x0  }
0xe7: {  	[sflag:s3] =	ssyncadd.s32 $0xFFFFFC18  }
0xe8: {  	[tilespmem:s6], [sflag:$0x1] =	stream.indirect.gather [hbm4b:s20+s5], $0x40, s2, s5, $0xb8;
	[tilespmem:$0x1FBD0] =	vst v63  }
0xe9: {  	_ =	swait.ge [sflag:s12], $0xFA00  }
0xea: {  	[sflag:s12] =	ssyncset.done $0x0  }
0xeb: {  	[sflag:s12] =	ssyncadd.s32 $0xFFFF0600  }
0xec: {  	[hbm4b:s28+s9] =	stream.strided.scatter [tilespmem:s7], [sflag:$0x4], $0xFA00, s10, s9, $0x38;
	[tilespmem:$0x1FBD0] =	vst v63  }
0xed: {  	_ =	swait.ge [sflag:s14], $0xFA00  }
0xee: {  	[sflag:s14] =	ssyncset.done $0x0  }
0xef: {  	[sflag:s14] =	ssyncadd.s32 $0xFFFF0600  }
0xf0: {  	[tilespmem:s5], [sflag:$0x5] =	stream.linear.gather [hbm4b:s29+s2], $0x3E8, $0x38;
	[tilespmem:$0x1FBD0] =	vst v63  }
0xf1: {  	_ =	swait.ge [sflag:s3], $0x3E8  }
0xf2: {  	[sflag:s3] =	ssyncset.done $0x0  }
0xf3: {  	[sflag:s3] =	ssyncadd.s32 $0xFFFFFC18  }
0xf4: {  	[tilespmem:s7], [sflag:$0x2] =	stream.indirect.gather [hbm4b:s20+s5], $0x40, s5, s5, $0xb8;
	[tilespmem:$0x1FBD0] =	vst v63  }
0xf5: {  	_ =	swait.ge [sflag:s8], $0xFA00  }
0xf6: {  	[sflag:s8] =	ssyncset.done $0x0  }
0xf7: {  	[sflag:s8] =	ssyncadd.s32 $0xFFFF0600  }
0xf8: {  	[hbm4b:s30+s9] =	stream.strided.scatter [tilespmem:s6], [sflag:$0x3], $0xFA00, s10, s9, $0x38;
	[tilespmem:$0x1FBD0] =	vst v63  }
0xf9: {  	_ =	swait.ge [sflag:s12], $0xFA00  }
0xfa: {  	[sflag:s12] =	ssyncset.done $0x0  }
0xfb: {  	p0 =	sne.s32 s1, $0x1;
	[sflag:s12] =	ssyncadd.s32 $0xFFFF0600  }
0xfc: {  	[hbm4b:s31+s9] =	stream.strided.scatter [tilespmem:s7], [sflag:$0x4], $0xFA00, s10, s9, $0x38;
	[tilespmem:$0x1FBD0] =	vst v63  }
.Ltmp1:
0xfd: {  	_ =	swait.ge [sflag:s11], $0xFA00;
	(pc) =	sbr.rel @p0 .LBB2_1-.Ltmp1, $4  }
0xfe: {  	[sflag:s11] =	ssyncset.done $0x0  }
0xff: {  	[sflag:s11] =	ssyncadd.s32 $0xFFFF0600  }
0x100: {  	_ =	swait.ge [sflag:s14], $0xFA00  }
0x101: {  	s1 =	sadd.s32 $0xFFFFFFFF, s1;
	[sflag:s14] =	ssyncset.done $0x0  }
.LBB2_2:
0x102: {  	[sflag:s14] =	ssyncadd.s32 $0xFFFF0600  }
0x103: {  	_ =	sfence.sel $0x180000  }
0x104: {  	[bflag:$0x0] =	sbarrier.arrive $0xFFFF  }
0x105: {  	_ =	strace $0x90000047  }
0x106: {  	s0 =	stileid.u32;
	[bflag:$0x2] =	sbarrier.arrive $0xFFFF  }
0x107: {  	p0 =	sne.s32 s0, $0x0;
	s0 =	rddreg [dreg:$0x2]  }
0x108: {  	s0 =	sadd.s32 @!p0 $0x100000, s0  }
0x109: {  	[sflag:s0] =	ssyncadd.tile.s32 @!p0 $0x1;
	_ =	shalt  }
.Lfunc_end2:
_tile_overlayer_lowered:
.L_overlay_start_2:
0x10a: {  	(tag) =	ssettag $0x2  }
0x10b: {  	s0 =	rddreg [dreg:$0x0];
	s2 =	stileid.u32  }
0x10c: {  	s1 =	rddreg [dreg:$0x1];
	p0 =	sne.s32 s2, $0x0  }
0x10d: {  	s3 =	rddreg [dreg:$0x2];
	[bflag:$0x3] =	sbarrier.arrive $0xFFFF;
	s2 =	simm.s32 @!p0 $0x1C05  }
0x10e: {  	[timem:s3], [sflag:s2] =	dma.local @!p0 [hbm:s0], s1  }
0x10f: {  	s0 =	simm.s32 @!p0 $0x5  }
0x110: {  	_ =	swait.ge @!p0 [sflag:s0], s1  }
0x111: {  	s1 =	ssub.s32 @!p0 $0x0, s1;
	[sflag:s0] =	ssyncset.done @!p0 $0x0  }
0x112: {  	[sflag:s0] =	ssyncadd.s32 @!p0 s1  }
0x113: {  	[bflag:$0x3] =	sbarrier.arrive $0xFFFF  }
0x114: {  	_ =	shalt  }

// kernel: kernel.9.cloned.1.call-start
scs
__scs_entry_jumppad:
0x0: {  	(pc) =	sbr.rel $0x88, $3  }
0x1: {  	(tag) =	ssettag $0x0;
	lr =	simm.s32 $0x1  }
0x2: {  	[smem:$0x3F8E] =	sst lr;
	_ =	strace $0xD0000000  }
0x3: {  	_ = 	snop  }
0x4: {  	_ = 	snop  }
0x5: {  	_ = 	snop  }
0x6: {  	_ = 	snop  }
0x7: {  	_ = 	snop  }
__scs_overlays_trampoline_lowered:
0x8: {  	[smem:$0x3F9D] =	sst s0  }
0x9: {  	[smem:$0x3F9E] =	sst s1  }
0xa: {  	[smem:$0x3F9F] =	sst s2  }
0xb: {  	[smem:$0x3FA0] =	sst s3  }
0xc: {  	[smem:$0x3FA1] =	sst s4  }
0xd: {  	[smem:$0x3FA2] =	sst s5  }
0xe: {  	[smem:$0x3FA3] =	sst s6  }
0xf: {  	[smem:$0x3FA4] =	sst s7  }
0x10: {  	[smem:$0x3FA5] =	sst s8  }
0x11: {  	[smem:$0x3FA6] =	sst s9;
	s0 =	simm.s32 @!p0 $0x0  }
0x12: {  	s1 =	sld [smem:$0x3F8C];
	s0 =	simm.s32 @p0 $0x1  }
0x13: {  	[smem:$0x3FA7] =	sst s0;
	s0 =	simm.s32 @!p1 $0x0  }
0x14: {  	s2 =	sld [smem:$0x3F8B];
	s0 =	simm.s32 @p1 $0x1  }
0x15: {  	[smem:$0x3FA8] =	sst s0;
	s0 =	simm.s32 @!p2 $0x0  }
0x16: {  	s3 =	sld [smem:$0x3FDB];
	s0 =	simm.s32 @p2 $0x1  }
0x17: {  	s4 =	simm.s32 $0x1BF5;
	[smem:$0x3FAA] =	sst s0  }
0x18: {  	s0 =	sld [smem:$0x3F8D];
	_ =	swait.ge [sflag:s4], $0x0  }
0x19: {  	s7 =	sld [smem:$0x3F8E]  }
0x1a: {  	s8 =	sadd.s32 $0xFFFFE003, lr  }
0x1b: {  	s9 =	sadd.s32 $0xFFFFFEF7, lr;
	s5 =	simm.s32 $0xFFFFFFFF;
	p2 =	slt.u32 s8, $0xFFFFF086  }
0x1c: {  	p1 =	slt.u32 s9, $0xF7A;
	s5 =	simm.s32 @!p2 $0x0  }
0x1d: {  	s5 =	simm.s32 @p1 $0x1;
	p0 =	seq.s32 s7, s2  }
0x1e: {  	s7 =	smul.u32 @!p0 $0xF7A, s2;
	p2 =	seq.s32 @!p0 s5, $0x0  }
0x1f: {  	s9 =	smul.u32 $0xF7A, s1;
	s8 =	simm.s32 @!p0 $0x1BF5;
	p2 =	por !p2, p0  }
0x20: {  	[sflag:s8] =	ssyncset.s32 @!p0 $0xFFFFF086;
	s6 =	sadd.s32 @!p0 s3, s7;
	s7 =	simm.s32 @!p0 $0x108  }
0x21: {  	s3 =	sadd.s32 s3, s9;
	s6 =	sadd.s32 @!p0 $0x88, s6;
	s7 =	simm.s32 @p2 $0x1082  }
0x22: {  	[simem:s7], [sflag:s8] =	dma.local @!p0 [hbm:s6], $0xF7A  }
0x23: {  	s9 =	sor.u32 $0xD0000000, s2;
	s6 =	simm.s32 $0x108;
	_ =	swait.ge @!p0 [sflag:s8], $0x0  }
0x24: {  	s3 =	sadd.s32 $0x88, s3;
	s6 =	simm.s32 @!p1 $0x1082;
	[sflag:s4] =	ssyncset.s32 $0xFFFFF086  }
0x25: {  	[simem:s6], [sflag:s4] =	dma.local [hbm:s3], $0xF7A  }
0x26: {  	[smem:$0x3F8E] =	sst s1;
	(tag) =	ssettag s2;
	_ =	strace s9  }
0x27: {  	s1 =	sld [smem:$0x3F9E]  }
0x28: {  	s2 =	sld [smem:$0x3F9F]  }
0x29: {  	s4 =	sld [smem:$0x3FA1]  }
0x2a: {  	p0 =	seq.s32 s5, $0x0;
	s5 =	sld [smem:$0x3FA2]  }
0x2b: {  	s6 =	sld [smem:$0x3FA3]  }
0x2c: {  	s7 =	sld [smem:$0x3FA4]  }
0x2d: {  	s3 =	simm.s32 $0x108;
	s8 =	sld [smem:$0x3FA5]  }
0x2e: {  	s3 =	simm.s32 @!p0 $0x1082;
	s9 =	sld [smem:$0x3FA6]  }
0x2f: {  	lr =	sadd.s32 s0, s3;
	s0 =	sld [smem:$0x3F9D]  }
0x30: {  	s3 =	sld [smem:$0x3FA0]  }
0x31: {  	[smem:$0x3FA9] =	sst s10  }
0x32: {  	s10 =	sld [smem:$0x3FA7];
	_ =	sdelay $0x3  }
0x33: {  	p0 =	seq.s32 s10, $0x1;
	s10 =	sld [smem:$0x3FA9];
	_ =	sdelay $0x3  }
0x34: {  	[smem:$0x3FA9] =	sst s10  }
0x35: {  	s10 =	sld [smem:$0x3FA8];
	_ =	sdelay $0x3  }
0x36: {  	p1 =	seq.s32 s10, $0x1;
	s10 =	sld [smem:$0x3FA9];
	_ =	sdelay $0x3  }
0x37: {  	[smem:$0x3FA9] =	sst s10  }
0x38: {  	s10 =	sld [smem:$0x3FAA]  }
0x39: {  	_ = 	snop;
	(pc) =	sbr.ind lr, $3  }
0x3a: {  	_ = 	snop  }
0x3b: {  	_ = 	snop  }
0x3c: {  	p2 =	seq.s32 s10, $0x1;
	s10 =	sld [smem:$0x3FA9]  }
0x3d: {  	_ =	shalt  }
0x3e: {  	_ =	shalt  }
0x3f: {  	_ =	shalt  }
0x40: {  	_ =	shalt  }
0x41: {  	_ =	shalt  }
0x42: {  	_ =	shalt  }
0x43: {  	_ =	shalt  }
0x44: {  	_ =	shalt  }
0x45: {  	_ =	shalt  }
0x46: {  	_ =	shalt  }
0x47: {  	_ =	shalt  }
0x48: {  	_ =	shalt  }
0x49: {  	_ =	shalt  }
0x4a: {  	_ =	shalt  }
0x4b: {  	_ =	shalt  }
0x4c: {  	_ =	shalt  }
0x4d: {  	_ =	shalt  }
0x4e: {  	_ =	shalt  }
0x4f: {  	_ =	shalt  }
0x50: {  	_ =	shalt  }
0x51: {  	_ =	shalt  }
0x52: {  	_ =	shalt  }
0x53: {  	_ =	shalt  }
0x54: {  	_ =	shalt  }
0x55: {  	_ =	shalt  }
0x56: {  	_ =	shalt  }
0x57: {  	_ =	shalt  }
0x58: {  	_ =	shalt  }
0x59: {  	_ =	shalt  }
0x5a: {  	_ =	shalt  }
0x5b: {  	_ =	shalt  }
0x5c: {  	_ =	shalt  }
0x5d: {  	_ =	shalt  }
0x5e: {  	_ =	shalt  }
0x5f: {  	_ =	shalt  }
0x60: {  	_ =	shalt  }
0x61: {  	_ =	shalt  }
0x62: {  	_ =	shalt  }
0x63: {  	_ =	shalt  }
0x64: {  	_ =	shalt  }
0x65: {  	_ =	shalt  }
0x66: {  	_ =	shalt  }
0x67: {  	_ =	shalt  }
0x68: {  	_ =	shalt  }
0x69: {  	_ =	shalt  }
0x6a: {  	_ =	shalt  }
0x6b: {  	_ =	shalt  }
0x6c: {  	_ =	shalt  }
0x6d: {  	_ =	shalt  }
0x6e: {  	_ =	shalt  }
0x6f: {  	_ =	shalt  }
0x70: {  	_ =	shalt  }
0x71: {  	_ =	shalt  }
0x72: {  	_ =	shalt  }
0x73: {  	_ =	shalt  }
0x74: {  	_ =	shalt  }
0x75: {  	_ =	shalt  }
0x76: {  	_ =	shalt  }
0x77: {  	_ =	shalt  }
0x78: {  	_ =	shalt  }
0x79: {  	_ =	shalt  }
0x7a: {  	_ =	shalt  }
0x7b: {  	_ =	shalt  }
0x7c: {  	_ =	shalt  }
0x7d: {  	_ =	shalt  }
0x7e: {  	_ =	shalt  }
0x7f: {  	_ =	shalt  }
0x80: {  	_ =	shalt  }
0x81: {  	_ =	shalt  }
0x82: {  	_ =	shalt  }
0x83: {  	_ =	shalt  }
0x84: {  	_ =	shalt  }
0x85: {  	_ =	shalt  }
0x86: {  	_ =	shalt  }
0x87: {  	_ =	shalt  }
.Lfunc_end0:
.L_simem_size_0:
called_computation.1_lowered:
.L_overlay_start_0:
0x88: {  	s2 =	sld [smem:$0x3FD9]  }
0x89: {  	s3 =	sld [smem:$0x3FFE];
	_ =	sdelay $0x1  }
0x8a: {  	s1 =	srdreg.scid  }
0x8b: {  	s0 =	sand.u32 $0x1, s1  }
0x8c: {  	s17 =	sshll.u32 s0, $0xA;
	s2 =	sadd.s32 s3, s2  }
0x8d: {  	s2 =	sadd.s32 s2, s17  }
0x8e: {  	[smem:$0x3FB5] =	sst s2  }
0x8f: {  	_ = 	snop  }
0x90: {  	s2 =	sld [smem:$0x3FC9]  }
0x91: {  	s18 =	sld [smem:$0x3FD0];
	(tm) =	ssettm $0x1  }
0x92: {  	s4 =	sld [smem:$0x3FFB];
	_ =	sdelay $0x3  }
0x93: {  	_ =	strace s4  }
0x94: {  	s4 =	sld [smem:$0x3FFC];
	_ =	sdelay $0x3  }
0x95: {  	_ =	strace s4  }
0x96: {  	s4 =	sld [smem:$0x3FFD];
	_ =	sdelay $0x3  }
0x97: {  	_ =	strace s4  }
0x98: {  	_ =	strace $0x8FFFFFFF  }
0x99: {  	s19 =	sld [smem:$0x3FDB];
	_ =	sdelay $0x1  }
0x9a: {  	s5 =	simm.s32 $_scs_section_size  }
0x9b: {  	s6 =	simm.s32 $_size__tile_overlayer_lowered;
	s7 =	simm.s32 $_tile_overlayer_lowered  }
0x9c: {  	s22 =	simm.s32 $0x1BFF;
	s21 =	sshll.u32 s7, $0x1;
	s4 =	sadd.s32 s5, s19  }
0x9d: {  	s8 =	simm.s32 $0x0;
	s20 =	sshll.u32 s6, $0x1;
	s6 =	sadd.s32 s21, s4  }
0x9e: {  	[timem:s8], [sflag:s22] =	dma.local [hbm:s6], s20  }
0x9f: {  	_ =	swait.ge [sflag:s22], s20  }
0xa0: {  	s5 =	ssub.s32 $0x0, s20;
	[sflag:s22] =	ssyncset.done $0x0  }
0xa1: {  	[sflag:s22] =	ssyncadd.s32 s5;
	_ =	sdelay $0x1  }
0xa2: {  	s23 =	simm.s32 $0x1B8B  }
0xa3: {  	_ =	swait.ge [sflag:s23], $0x1  }
0xa4: {  	[sflag:s23] =	ssyncset.done $0x0  }
0xa5: {  	s25 =	simm.s32 $0x1B8E;
	s24 =	sld [smem:$0x3FFE];
	[sflag:s23] =	ssyncadd.s32 $0xFFFFFFFF  }
0xa6: {  	s26 =	simm.s32 $execute0_lowered;
	[smem:$0x3FD2] =	sst s25  }
0xa7: {  	s6 =	sshll.u32 s26, $0x1;
	_ =	strace $0x80000049;
	[dreg:$0x1] =	wrdreg $0xFFFFFFFF  }
0xa8: {  	s28 =	simm.s32 $_size_execute0_lowered;
	s4 =	sadd.s32 s4, s6;
	[dreg:$0x0] =	wrdreg $0x0  }
0xa9: {  	s6 =	sshll.u32 s28, $0x1;
	[dreg:$0x2] =	wrdreg s4  }
0xaa: {  	[dreg:$0x3] =	wrdreg s6  }
0xab: {  	[dreg:$0x4] =	wrdreg $0xC0  }
0xac: {  	_ =	task [dreg:s8], $0x5FFFF  }
0xad: {  	[dreg:$0x1] =	wrdreg $0xFFFFFFFF  }
0xae: {  	[dreg:$0x0] =	wrdreg $0x60  }
0xaf: {  	[dreg:$0x2] =	wrdreg s24  }
0xb0: {  	[dreg:$0x3] =	wrdreg s2  }
0xb1: {  	[dreg:$0x4] =	wrdreg s18  }
0xb2: {  	[dreg:$0x5] =	wrdreg $0xEE800  }
0xb3: {  	[dreg:$0x6] =	wrdreg $0x116800  }
0xb4: {  	[dreg:$0x7] =	wrdreg $0x9  }
0xb5: {  	_ =	task.clear_ibuf [dreg:s8], $0x8FFFF;
	_ =	strace $0x90000049  }
0xb6: {  	s29 =	simm.s32 $0x9;
	_ =	strace $0x8000004B  }
0xb7: {  	_ =	swait.ge [sflag:s29], $0x1  }
0xb8: {  	[sflag:s29] =	ssyncadd.s32 $0xFFFFFFFF  }
0xb9: {  	_ =	strace $0x9000004B  }
0xba: {  	_ =	sfence  }
0xbb: {  	s30 =	sld [smem:$0x0];
	_ =	sdelay $0x2  }
0xbc: {  	s31 =	sshll.u32 s1, $0xD;
	s1 =	sshrl.u32 s1, $0x2  }
0xbd: {  	s3 =	sand.u32 $0x4000, s31;
	s1 =	sadd.s32 s1, s30  }
0xbe: {  	s0 =	sor.u32 s3, s0;
	s1 =	sshll.u32 s1, $0x11  }
0xbf: {  	s0 =	sor.u32 s1, s0  }
0xc0: {  	s0 =	sadd.s32 $0x8F2B, s0  }
0xc1: {  	[sflag:s0] =	ssyncadd.remote.s32 $0x1  }
0xc2: {  	_ =	sfence.sel $0xFFFF  }
0xc3: {  	[dreg:$0x0] =	wrdreg $0xFFFFFFFF;
	(pc) =	sbr.abs _section_cstart, $3  }
0xc4: {  	[dreg:$0x1] =	wrdreg $0xFFFFFFFF  }
0xc5: {  	_ =	task.clear_ibuf [dreg:s8], $0x2FFFF;
	_ =	strace $0x9FFFFFFF  }
0xc6: {  	(tm) =	ssettm $0x7FFFFFFF  }
0xc7: {  	_ =	shalt  }
tec
execute0_lowered:
.L_overlay_start_1:
0x0: {  	(tag) =	ssettag $0x1  }
0x1: {  	s5 =	rddreg [dreg:$0x0]  }
0x2: {  	s1 =	rddreg [dreg:$0x1]  }
0x3: {  	s12 =	rddreg [dreg:$0x2]  }
0x4: {  	s9 =	rddreg [dreg:$0x3]  }
0x5: {  	s3 =	rddreg [dreg:$0x4]  }
0x6: {  	s0 =	rddreg [dreg:$0x5]  }
0x7: {  	s4 =	simm.s32 $0x0;
	s2 =	stileid.u32;
	s6 =	srdreg.scid  }
0x8: {  	s16 =	simm.s32 $0x7680;
	s17 =	simm.s32 $0x80;
	s18 =	simm.s32 $0x400  }
0x9: {  	s19 =	simm.s32 $0x1400;
	s20 =	simm.s32 $0x14000;
	s21 =	simm.s32 $0xC680  }
0xa: {  	s22 =	simm.s32 $0x9E80;
	[smem:$0x7FF] =	sst s4;
	s13 =	smul.u32 $0x4E2, s2  }
0xb: {  	s23 =	sand.u32 $0x1, s6;
	s7 =	sshrl.u32 s2, $0x3;
	s30 =	sshll.u32 s2, $0x7  }
0xc: {  	s10 =	smul.u32 $0x5000, s2;
	_ =	strace $0x8000004A;
	s6 =	ssub.s32 $0x2, s23  }
0xd: {  	s7 =	smul.u32 $0x50000, s7;
	s11 =	sand.u32 $0x380, s30;
	p0 =	sne.s32 s23, $0x0  }
0xe: {  	s23 =	simm.s32 $0x0;
	s8 =	sadd.s32 s13, s5;
	s29 =	sshrl.u32 s6, $0x1  }
0xf: {  	s10 =	sshrl.u32 s10, $0x2;
	s12 =	sadd.s32 s12, s13;
	s14 =	ssub.s32 s6, s29  }
0x10: {  	s5 =	sadd.s32 $0x6C00, s8;
	s31 =	sshrl.u32 s7, $0x2;
	s6 =	smul.u32 $0x280, s2  }
0x11: {  	s7 =	sadd.s32 $0x1C00, s8;
	s15 =	sadd.s32 s31, s9;
	s9 =	sadd.s32 s10, s9  }
0x12: {  	s13 =	smax.u32 s14, $0x1;
	s14 =	simm.s32 $0x1;
	s8 =	sadd.s32 s11, s15  }
0x13: {  	v0 =	vimm.f32 $-3.399999950e+38;
	v1 =	vimm.f32 $0.0e+00;
	s10 =	sadd.s32 s6, s3;
	s11 =	sadd.s32 $0x9E80, s6;
	s15 =	simm.s32 $0x2780  }
.LBB2_1:
0x14: {  	[tilespmem:s4], [sflag:$0x1] =	stream.linear.gather [hbm4b:s5+s4], $0x2710, $0x38;
	[tilespmem:$0x11900] =	vst v63  }
0x15: {  	_ =	swait.ge [sflag:s14], $0x2710  }
0x16: {  	[sflag:s14] =	ssyncset.done $0x0  }
0x17: {  	[sflag:s14] =	ssyncadd.s32 $0xFFFFD8F0  }
0x18: {  	[tilespmem:s15], [sflag:$0x1] =	stream.linear.gather [hbm4b:s7+s4], $0x2710, $0x38;
	[tilespmem:$0x11900] =	vst v63  }
0x19: {  	_ =	swait.ge [sflag:s14], $0x2710  }
0x1a: {  	[sflag:s14] =	ssyncset.done $0x0  }
0x1b: {  	s24 =	simm.s32 $0x0;
	[sflag:s14] =	ssyncadd.s32 $0xFFFFD8F0  }
.LBB2_2:
0x1c: {  	p1 =	sne.s32 s24, $0x9FC0  }
.Ltmp0:
0x1d: {  	_ = 	snop;
	(pc) =	sbr.rel @p1 .LBB2_2-.Ltmp0, $3  }
0x1e: {  	_ =	sdelay $0x1  }
0x1f: {  	s25 =	sshra.s32 s24, $0x2  }
0x20: {  	s24 =	sadd.s32 $0x40, s24;
	[tilespmem:s25+$0x7680] =	vst v0  }
.Ltmp1:
0x21: {  	(pc) =	sbr.rel .LBB2_4-.Ltmp1, $2  }
0x22: {  	_ =	sdelay $0x2  }
0x23: {  	s24 =	simm.s32 $0x0  }
.LBB2_6:
0x24: {  	s24 =	sadd.s32 $0x1, s24  }
0x25: {  	p1 =	sne.s32 s24, $0x271  }
.Ltmp2:
0x26: {  	_ = 	snop;
	(pc) =	sbr.rel @!p1 .LBB2_7-.Ltmp2, $1  }
0x27: {  	_ =	sdelay $0x3  }
.LBB2_4:
0x28: {  	s25 =	sshll.u32 s24, $0x4  }
0x29: {  	v2 =	vld [tilespmem:s25+$0x2780];
	_ =	sdelay $0x6  }
0x2a: {  	v3 =	vld [tilespmem:s25+$0x0]  }
0x2b: {  	v4 =	vld.idx.msk [tilespmem:v2+s16+$0x0], $0xffff;
	_ =	sdelay $0x4  }
0x2c: {  	vm0 =	vgt.f32 v3, v4  }
0x2d: {  	v4 =	vsel vm0, $0x3F800000, v1  }
0x2e: {  	(xrf0) =	vmax.scan.msk.f32 $0xffff, v4;
	_ =	sdelay $0x5  }
0x2f: {  	v4, _, _ =	vpop (xrf0)  }
0x30: {  	(v2sf) =	vpush v4, $0xF;
	_ =	sdelay $0xe  }
0x31: {  	s31 =	spop (v2sf)  }
0x32: {  	p1 =	sgt.f32 s31, $0.0e+00  }
.Ltmp3:
0x33: {  	_ = 	snop;
	(pc) =	sbr.rel @!p1 .LBB2_6-.Ltmp3, $1  }
0x34: {  	_ =	sdelay $0x3  }
.LBB2_5:
0x35: {  	[tilespmem:v2+s16+$0x0] =	vst.idx.msk vm0, v3  }
0x36: {  	v4 =	vld.idx.msk [tilespmem:v2+s16+$0x0], $0xffff;
	_ =	sdelay $0x4  }
0x37: {  	vm0 =	vgt.f32 v3, v4  }
0x38: {  	v4 =	vsel vm0, $0x3F800000, v1  }
0x39: {  	(xrf0) =	vmax.scan.msk.f32 $0xffff, v4;
	_ =	sdelay $0x5  }
0x3a: {  	v4, _, _ =	vpop (xrf0)  }
0x3b: {  	(v2sf) =	vpush v4, $0xF;
	_ =	sdelay $0xe  }
0x3c: {  	s25 =	spop (v2sf)  }
0x3d: {  	p1 =	sgt.f32 s25, $0.0e+00  }
.Ltmp4:
0x3e: {  	_ = 	snop;
	(pc) =	sbr.rel @p1 .LBB2_5-.Ltmp4, $1  }
0x3f: {  	_ =	sdelay $0x3  }
.Ltmp5:
0x40: {  	_ = 	snop;
	(pc) =	sbr.rel .LBB2_6-.Ltmp5, $1  }
0x41: {  	_ =	sdelay $0x3  }
.LBB2_7:
0x42: {  	[spmem:s8] =	stream.strided.scatter [tilespmem:s16], [sflag:$0x1], $0x2800, s18, s17, $0x38;
	[tilespmem:$0x11900] =	vst v63  }
0x43: {  	_ =	swait.ge [sflag:s14], $0x2800  }
0x44: {  	[sflag:s14] =	ssyncset.done $0x0  }
0x45: {  	[sflag:s14] =	ssyncadd.s32 $0xFFFFD800  }
0x46: {  	[bflag:$0x0] =	sbarrier.arrive $0xFFFF  }
0x47: {  	[tilespmem:s21], [sflag:$0x1] =	stream.strided.gather [spmem:s9], $0x2800, s20, s19, $0x38;
	[tilespmem:$0x11900] =	vst v63  }
0x48: {  	s25 =	simm.s32 $0x0;
	s29 =	simm.s32 $0x10;
	_ =	swait.ge [sflag:s14], $0x2800  }
0x49: {  	s24 =	sand.u32 $0x70, s25;
	s26 =	sand.u32 $0x1C00, s25;
	[sflag:s14] =	ssyncset.done $0x0  }
0x4a: {  	s28 =	simm.s32 $0x0;
	s26 =	sor.u32 s24, s26;
	[sflag:s14] =	ssyncadd.s32 $0xFFFFD800  }
.LBB2_8:
0x4b: {  	p1 =	sne.s32 s29, $0x270;
	v2 =	vld [tilespmem:s26+$0xC700]  }
0x4c: {  	v3 =	vld [tilespmem:s26+$0xC680]  }
0x4d: {  	v4 =	vld [tilespmem:s26+$0xC780]  }
0x4e: {  	v5 =	vld [tilespmem:s26+$0xC800]  }
0x4f: {  	v6 =	vld [tilespmem:s26+$0xC880]  }
0x50: {  	s30 =	sor.u32 s28, s25;
	v7 =	vld [tilespmem:s26+$0xC900]  }
0x51: {  	s30 =	sor.u32 $0x380, s30;
	v2 =	vmax.f32 v3, v2;
	v3 =	vld [tilespmem:s26+$0xC980]  }
0x52: {  	v2 =	vmax.f32 v2, v4;
	v4 =	vld [tilespmem:s30+$0xC680]  }
0x53: {  	v2 =	vmax.f32 v2, v5;
	v5 =	vld [tilespmem:s26+$0xDA80]  }
0x54: {  	v2 =	vmax.f32 v2, v6;
	v6 =	vld [tilespmem:s26+$0xDB00]  }
0x55: {  	v2 =	vmax.f32 v2, v7;
	v7 =	vld [tilespmem:s26+$0xDB80]  }
0x56: {  	v2 =	vmax.f32 v2, v3;
	v3 =	vld [tilespmem:s26+$0xDC00]  }
0x57: {  	v2 =	vmax.f32 v2, v4;
	v4 =	vld [tilespmem:s26+$0xDC80]  }
0x58: {  	v2 =	vmax.f32 v2, v5;
	v5 =	vld [tilespmem:s26+$0xDD00]  }
0x59: {  	v2 =	vmax.f32 v2, v6;
	v6 =	vld [tilespmem:s26+$0xDD80]  }
0x5a: {  	v2 =	vmax.f32 v2, v7;
	v7 =	vld [tilespmem:s26+$0xDE00]  }
0x5b: {  	v2 =	vmax.f32 v2, v3  }
.Ltmp6:
0x5c: {  	v2 =	vmax.f32 v2, v4;
	(pc) =	sbr.rel @p1 .LBB2_8-.Ltmp6, $4  }
0x5d: {  	s26 =	sadd.s32 s25, s6;
	s25 =	smov.u32 s29;
	v2 =	vmax.f32 v2, v5  }
0x5e: {  	s28 =	sadd.s32 $0x80, s28;
	s26 =	sand.u32 $0x7F80, s26;
	v2 =	vmax.f32 v2, v6  }
0x5f: {  	s30 =	sand.u32 $0x1C00, s28;
	s31 =	sor.u32 s24, s26;
	s24 =	sand.u32 $0x70, s29;
	v2 =	vmax.f32 v2, v7  }
0x60: {  	s29 =	sadd.s32 $0x10, s29;
	s26 =	sor.u32 s24, s30;
	[tilespmem:s31+$0x9E80] =	vst v2  }
0x61: {  	v2 =	vld [tilespmem:s26+$0xC700]  }
0x62: {  	v3 =	vld [tilespmem:s26+$0xC680]  }
0x63: {  	v4 =	vld [tilespmem:s26+$0xC780]  }
0x64: {  	v5 =	vld [tilespmem:s26+$0xC800]  }
0x65: {  	v6 =	vld [tilespmem:s26+$0xC880]  }
0x66: {  	v7 =	vld [tilespmem:s26+$0xC900];
	s28 =	sor.u32 s28, s25  }
0x67: {  	s28 =	sor.u32 $0x380, s28;
	v2 =	vmax.f32 v3, v2;
	v3 =	vld [tilespmem:s26+$0xC980]  }
0x68: {  	v56 =	vld [tilespmem:s28+$0xC680];
	v2 =	vmax.f32 v2, v4  }
0x69: {  	v57 =	vld [tilespmem:s26+$0xDA80];
	v2 =	vmax.f32 v2, v5  }
0x6a: {  	v58 =	vld [tilespmem:s26+$0xDB00];
	v2 =	vmax.f32 v2, v6  }
0x6b: {  	v59 =	vld [tilespmem:s26+$0xDB80];
	v2 =	vmax.f32 v2, v7  }
0x6c: {  	v2 =	vmax.f32 v2, v3;
	v3 =	vld [tilespmem:s26+$0xDC00]  }
0x6d: {  	v60 =	vld [tilespmem:s26+$0xDC80];
	v2 =	vmax.f32 v2, v56  }
0x6e: {  	v61 =	vld [tilespmem:s26+$0xDD00];
	v2 =	vmax.f32 v2, v57  }
0x6f: {  	v62 =	vld [tilespmem:s26+$0xDD80];
	v2 =	vmax.f32 v2, v58  }
0x70: {  	v63 =	vld [tilespmem:s26+$0xDE00];
	v2 =	vmax.f32 v2, v59  }
0x71: {  	v2 =	vmax.f32 v2, v3  }
0x72: {  	v2 =	vmax.f32 v2, v60  }
0x73: {  	s31 =	sadd.s32 s25, s6;
	v2 =	vmax.f32 v2, v61  }
0x74: {  	s25 =	sand.u32 $0x7F80, s31;
	v2 =	vmax.f32 v2, v62  }
0x75: {  	s24 =	sor.u32 s24, s25;
	v2 =	vmax.f32 v2, v63  }
0x76: {  	[tilespmem:s24+$0x9E80] =	vst v2  }
0x77: {  	[spmem:s10] =	stream.linear.scatter [tilespmem:s11], [sflag:$0x1], $0x280, $0x38;
	[tilespmem:$0x11900] =	vst v63  }
0x78: {  	_ =	swait.ge [sflag:s14], $0x280  }
0x79: {  	[sflag:s14] =	ssyncset.done $0x0  }
0x7a: {  	[sflag:s14] =	ssyncadd.s32 $0xFFFFFD80  }
0x7b: {  	[bflag:$0x0] =	sbarrier.arrive $0xFFFF  }
0x7c: {  	[tilespmem:s22], [sflag:$0x1] =	stream.linear.gather [spmem:s3], $0x2800, $0x38;
	[tilespmem:$0x11900] =	vst v63  }
0x7d: {  	_ =	swait.ge [sflag:s14], $0x2800  }
0x7e: {  	[sflag:s14] =	ssyncset.done $0x0  }
0x7f: {  	s25 =	simm.s32 $0x0;
	s24 =	simm.s32 $0x40;
	[sflag:s14] =	ssyncadd.s32 $0xFFFFD800  }
.LBB2_10:
0x80: {  	p1 =	sne.s32 s24, $0x9FC0;
	[tilespmem:s25+$0x7680] =	vst v1;
	s25 =	smov.u32 s24;
	s24 =	sadd.s32 $0x40, s24  }
.Ltmp7:
0x81: {  	(pc) =	sbr.rel @p1 .LBB2_10-.Ltmp7, $2  }
0x82: {  	_ =	sdelay $0x2  }
0x83: {  	s25 =	sshra.s32 s25, $0x2  }
0x84: {  	[tilespmem:s25+$0x7680] =	vst v1;
	s24 =	simm.s32 $0x0  }
0x85: {  	s25 =	simm.s32 $0x40;
	v2 =	vld [tilespmem:s24+$0x2780]  }
.LBB2_12:
0x86: {  	p1 =	sne.s32 s25, $0x9C00;
	_ =	sdelay $0x6  }
0x87: {  	v3 =	vld.idx.msk [tilespmem:v2+s22+$0x0], $0xffff  }
0x88: {  	v4 =	vld [tilespmem:s24+$0x0];
	_ =	sdelay $0x4  }
0x89: {  	v3 =	vsub.f32 v4, v3;
	_ =	sdelay $0x1  }
0x8a: {  	v3 =	vmul.f32 $1.442695020e+00, v3;
	_ =	sdelay $0x1  }
0x8b: {  	(erf) = vpow2.f32 v3;
	_ =	sdelay $0x7  }
.Ltmp8:
0x8c: {  	(pc) =	sbr.rel @p1 .LBB2_12-.Ltmp8, $4  }
0x8d: {  	v3 =	vpop (erf)  }
0x8e: {  	[tilespmem:s24+$0x4F00] =	vst v3  }
0x8f: {  	s24 =	sshra.s32 s25, $0x2;
	[tilespmem:v2+s16+$0x0] =	vst.idx.add.f32.msk $0xffff, v3  }
0x90: {  	s25 =	sadd.s32 $0x40, s25;
	v2 =	vld [tilespmem:s24+$0x2780]  }
0x91: {  	_ =	sdelay $0x6  }
0x92: {  	v4 =	vld [tilespmem:s24+$0x0]  }
0x93: {  	v3 =	vld.idx.msk [tilespmem:v2+s22+$0x0], $0xffff;
	_ =	sdelay $0x4  }
0x94: {  	v3 =	vsub.f32 v4, v3;
	_ =	sdelay $0x1  }
0x95: {  	v3 =	vmul.f32 $1.442695020e+00, v3;
	_ =	sdelay $0x1  }
0x96: {  	(erf) = vpow2.f32 v3;
	_ =	sdelay $0x8  }
0x97: {  	v3 =	vpop (erf)  }
0x98: {  	[tilespmem:s24+$0x4F00] =	vst v3  }
0x99: {  	[tilespmem:v2+s16+$0x0] =	vst.idx.add.f32.msk $0xffff, v3  }
0x9a: {  	[spmem:s8] =	stream.strided.scatter [tilespmem:s16], [sflag:$0x1], $0x2800, s18, s17, $0x38;
	[tilespmem:$0x11900] =	vst v63  }
0x9b: {  	_ =	swait.ge [sflag:s14], $0x2800  }
0x9c: {  	[sflag:s14] =	ssyncset.done $0x0  }
0x9d: {  	[sflag:s14] =	ssyncadd.s32 $0xFFFFD800  }
0x9e: {  	[bflag:$0x0] =	sbarrier.arrive $0xFFFF  }
0x9f: {  	[tilespmem:s21], [sflag:$0x1] =	stream.strided.gather [spmem:s9], $0x2800, s20, s19, $0x38;
	[tilespmem:$0x11900] =	vst v63  }
0xa0: {  	s25 =	simm.s32 $0x0;
	s29 =	simm.s32 $0x10;
	_ =	swait.ge [sflag:s14], $0x2800  }
0xa1: {  	s26 =	sand.u32 $0x1C00, s25;
	s24 =	sand.u32 $0x70, s25;
	[sflag:s14] =	ssyncset.done $0x0  }
0xa2: {  	s28 =	simm.s32 $0x0;
	s26 =	sor.u32 s24, s26;
	[sflag:s14] =	ssyncadd.s32 $0xFFFFD800  }
.LBB2_14:
0xa3: {  	p1 =	sne.s32 s29, $0x270;
	v2 =	vld [tilespmem:s26+$0xC700]  }
0xa4: {  	v3 =	vld [tilespmem:s26+$0xC680];
	_ =	sdelay $0x1  }
0xa5: {  	v4 =	vld [tilespmem:s26+$0xC780];
	_ =	sdelay $0x1  }
0xa6: {  	v5 =	vld [tilespmem:s26+$0xC800]  }
0xa7: {  	v2 =	vadd.f32 v2, v3  }
0xa8: {  	v3 =	vld [tilespmem:s26+$0xC880]  }
0xa9: {  	v2 =	vadd.f32 v4, v2  }
0xaa: {  	v4 =	vld [tilespmem:s26+$0xC900]  }
0xab: {  	v2 =	vadd.f32 v5, v2  }
0xac: {  	s30 =	sor.u32 s28, s25;
	v5 =	vld [tilespmem:s26+$0xC980]  }
0xad: {  	s30 =	sor.u32 $0x380, s30;
	v2 =	vadd.f32 v3, v2  }
0xae: {  	v3 =	vld [tilespmem:s30+$0xC680]  }
0xaf: {  	v2 =	vadd.f32 v4, v2  }
0xb0: {  	v4 =	vld [tilespmem:s26+$0xDA80]  }
0xb1: {  	v2 =	vadd.f32 v5, v2  }
0xb2: {  	v5 =	vld [tilespmem:s26+$0xDB00]  }
0xb3: {  	v2 =	vadd.f32 v3, v2  }
0xb4: {  	v3 =	vld [tilespmem:s26+$0xDB80]  }
0xb5: {  	v2 =	vadd.f32 v4, v2  }
0xb6: {  	v4 =	vld [tilespmem:s26+$0xDC00]  }
0xb7: {  	v2 =	vadd.f32 v5, v2  }
0xb8: {  	v5 =	vld [tilespmem:s26+$0xDC80]  }
0xb9: {  	v2 =	vadd.f32 v3, v2  }
0xba: {  	v3 =	vld [tilespmem:s26+$0xDD00]  }
0xbb: {  	v2 =	vadd.f32 v4, v2  }
0xbc: {  	v4 =	vld [tilespmem:s26+$0xDD80]  }
0xbd: {  	v2 =	vadd.f32 v5, v2  }
0xbe: {  	v5 =	vld [tilespmem:s26+$0xDE00]  }
0xbf: {  	v2 =	vadd.f32 v3, v2;
	_ =	sdelay $0x1  }
.Ltmp9:
0xc0: {  	v2 =	vadd.f32 v4, v2;
	(pc) =	sbr.rel @p1 .LBB2_14-.Ltmp9, $4  }
0xc1: {  	s26 =	sadd.s32 s25, s6;
	s25 =	smov.u32 s29  }
0xc2: {  	s28 =	sadd.s32 $0x80, s28;
	s26 =	sand.u32 $0x7F80, s26;
	v2 =	vadd.f32 v5, v2  }
0xc3: {  	s30 =	sand.u32 $0x1C00, s28;
	s31 =	sor.u32 s24, s26;
	s24 =	sand.u32 $0x70, s29  }
0xc4: {  	s29 =	sadd.s32 $0x10, s29;
	s26 =	sor.u32 s24, s30;
	[tilespmem:s31+$0x9E80] =	vst v2  }
0xc5: {  	v2 =	vld [tilespmem:s26+$0xC700]  }
0xc6: {  	v3 =	vld [tilespmem:s26+$0xC680];
	_ =	sdelay $0x1  }
0xc7: {  	v4 =	vld [tilespmem:s26+$0xC780];
	_ =	sdelay $0x1  }
0xc8: {  	v5 =	vld [tilespmem:s26+$0xC800]  }
0xc9: {  	v2 =	vadd.f32 v2, v3  }
0xca: {  	v3 =	vld [tilespmem:s26+$0xC880]  }
0xcb: {  	v2 =	vadd.f32 v4, v2  }
0xcc: {  	v55 =	vld [tilespmem:s26+$0xC900]  }
0xcd: {  	v2 =	vadd.f32 v5, v2  }
0xce: {  	v56 =	vld [tilespmem:s26+$0xC980];
	s28 =	sor.u32 s28, s25  }
0xcf: {  	s28 =	sor.u32 $0x380, s28;
	v2 =	vadd.f32 v3, v2  }
0xd0: {  	v3 =	vld [tilespmem:s28+$0xC680]  }
0xd1: {  	v2 =	vadd.f32 v55, v2  }
0xd2: {  	v57 =	vld [tilespmem:s26+$0xDA80]  }
0xd3: {  	v2 =	vadd.f32 v56, v2  }
0xd4: {  	v58 =	vld [tilespmem:s26+$0xDB00]  }
0xd5: {  	v2 =	vadd.f32 v3, v2  }
0xd6: {  	v3 =	vld [tilespmem:s26+$0xDB80]  }
0xd7: {  	v2 =	vadd.f32 v57, v2  }
0xd8: {  	v59 =	vld [tilespmem:s26+$0xDC00]  }
0xd9: {  	v2 =	vadd.f32 v58, v2  }
0xda: {  	v60 =	vld [tilespmem:s26+$0xDC80]  }
0xdb: {  	v2 =	vadd.f32 v3, v2  }
0xdc: {  	v3 =	vld [tilespmem:s26+$0xDD00]  }
0xdd: {  	v2 =	vadd.f32 v59, v2  }
0xde: {  	v61 =	vld [tilespmem:s26+$0xDD80]  }
0xdf: {  	v2 =	vadd.f32 v60, v2  }
0xe0: {  	v62 =	vld [tilespmem:s26+$0xDE00]  }
0xe1: {  	v2 =	vadd.f32 v3, v2;
	_ =	sdelay $0x1  }
0xe2: {  	v2 =	vadd.f32 v61, v2  }
0xe3: {  	s26 =	sadd.s32 s25, s6  }
0xe4: {  	s25 =	sand.u32 $0x7F80, s26;
	v2 =	vadd.f32 v62, v2  }
0xe5: {  	s24 =	sor.u32 s24, s25  }
0xe6: {  	[tilespmem:s24+$0x9E80] =	vst v2  }
0xe7: {  	[spmem:s10] =	stream.linear.scatter [tilespmem:s11], [sflag:$0x1], $0x280, $0x38;
	[tilespmem:$0x11900] =	vst v63  }
0xe8: {  	_ =	swait.ge [sflag:s14], $0x280  }
0xe9: {  	[sflag:s14] =	ssyncset.done $0x0  }
0xea: {  	[sflag:s14] =	ssyncadd.s32 $0xFFFFFD80  }
0xeb: {  	[bflag:$0x0] =	sbarrier.arrive $0xFFFF  }
0xec: {  	[tilespmem:s22], [sflag:$0x1] =	stream.linear.gather [spmem:s3], $0x2800, $0x38;
	[tilespmem:$0x11900] =	vst v63  }
0xed: {  	_ =	swait.ge [sflag:s14], $0x2800  }
0xee: {  	[sflag:s14] =	ssyncset.done $0x0  }
0xef: {  	s26 =	simm.s32 $0x0;
	[sflag:s14] =	ssyncadd.s32 $0xFFFFD800  }
0xf0: {  	[tilespmem:s16], [sflag:$0x1] =	stream.linear.gather [hbm4b:s1+s26], $0x2710, $0x38;
	[tilespmem:$0x11900] =	vst v63  }
0xf1: {  	_ =	swait.ge [sflag:s14], $0x2710  }
0xf2: {  	[sflag:s14] =	ssyncset.done $0x0  }
0xf3: {  	s25 =	simm.s32 $0x0;
	[sflag:s14] =	ssyncadd.s32 $0xFFFFD8F0  }
0xf4: {  	v2 =	vld [tilespmem:s25+$0x9E80];
	_ =	sdelay $0x4  }
0xf5: {  	(erf) = vrcp.f32 v2;
	_ =	sdelay $0x2  }
0xf6: {  	s24 =	simm.s32 $0x10  }
0xf7: {  	v2 =	vld [tilespmem:s24+$0x9E80];
	_ =	sdelay $0x1  }
0xf8: {  	v3 =	vld [tilespmem:s25+$0x7680];
	_ =	sdelay $0x2  }
0xf9: {  	v63 =	vpop (erf);
	(erf) = vrcp.f32 v2  }
0xfa: {  	s29 =	simm.s32 $0x20;
	s30 =	simm.s32 $0xC0  }
0xfb: {  	s31 =	simm.s32 $0x0;
	s28 =	simm.s32 $0x10;
	s26 =	simm.s32 $0x80;
	v2 =	vmul.f32 v63, v3  }
.LBB2_16:
0xfc: {  	p1 =	sne.s32 s30, $0x9C00;
	v3 =	vld [tilespmem:s29+$0x9E80]  }
0xfd: {  	[tilespmem:s31+$0x7680] =	vst v2;
	s31 =	smov.u32 s28;
	s28 =	smov.u32 s29  }
0xfe: {  	v2 =	vld [tilespmem:s31+$0x7680]  }
.Ltmp10:
0xff: {  	(pc) =	sbr.rel @p1 .LBB2_16-.Ltmp10, $4  }
0x100: {  	_ = 	snop  }
0x101: {  	(erf) = vrcp.f32 v3  }
0x102: {  	v3 =	vpop (erf)  }
0x103: {  	s29 =	sshra.s32 s30, $0x2;
	s30 =	sadd.s32 $0x40, s30;
	v2 =	vmul.f32 v3, v2  }
0x104: {  	v3 =	vld [tilespmem:s29+$0x9E80]  }
0x105: {  	[tilespmem:s31+$0x7680] =	vst v2  }
0x106: {  	v2 =	vld [tilespmem:s28+$0x7680];
	_ =	sdelay $0x2  }
0x107: {  	(erf) = vrcp.f32 v3  }
0x108: {  	v3 =	vpop (erf)  }
0x109: {  	v2 =	vmul.f32 v3, v2;
	_ =	sdelay $0x1  }
0x10a: {  	[tilespmem:s28+$0x7680] =	vst v2  }
0x10b: {  	v2 =	vld [tilespmem:s29+$0x7680];
	_ =	sdelay $0x3  }
0x10c: {  	v3 =	vpop (erf)  }
0x10d: {  	v2 =	vmul.f32 v3, v2;
	_ =	sdelay $0x1  }
0x10e: {  	[tilespmem:s29+$0x7680] =	vst v2  }
0x10f: {  	v3 =	vld [tilespmem:s25+$0x2780];
	_ =	sdelay $0x6  }
0x110: {  	v2 =	vld [tilespmem:s24+$0x2780]  }
0x111: {  	v3 =	vld.idx.msk [tilespmem:v3+s16+$0x0], $0xffff  }
.LBB2_18:
0x112: {  	p1 =	sne.s32 s26, $0x9C00;
	v4 =	vld [tilespmem:s25+$0x4F00];
	_ =	sdelay $0x2  }
0x113: {  	v5 =	vmov v2  }
.Ltmp11:
0x114: {  	(pc) =	sbr.rel @p1 .LBB2_18-.Ltmp11, $4  }
0x115: {  	v3 =	vmul.f32 v3, v4  }
0x116: {  	s28 =	sshra.s32 s26, $0x2  }
0x117: {  	v2 =	vld [tilespmem:s28+$0x2780];
	[tilespmem:s25+$0x4F00] =	vst v3;
	s25 =	smov.u32 s24;
	s24 =	smov.u32 s28  }
0x118: {  	s26 =	sadd.s32 $0x40, s26;
	v3 =	vld.idx.msk [tilespmem:v5+s16+$0x0], $0xffff  }
0x119: {  	v4 =	vld [tilespmem:s25+$0x4F00];
	_ =	sdelay $0x4  }
0x11a: {  	v3 =	vmul.f32 v3, v4;
	_ =	sdelay $0x1  }
0x11b: {  	[tilespmem:s25+$0x4F00] =	vst v3  }
0x11c: {  	v2 =	vld.idx.msk [tilespmem:v2+s16+$0x0], $0xffff  }
0x11d: {  	v3 =	vld [tilespmem:s24+$0x4F00];
	_ =	sdelay $0x4  }
0x11e: {  	v2 =	vmul.f32 v2, v3  }
0x11f: {  	s23 =	sadd.s32 $0x1, s23  }
0x120: {  	p1 =	sne.s32 s23, s13;
	s25 =	simm.s32 @!p0 $0x4F00;
	[tilespmem:s24+$0x4F00] =	vst v2;
	s24 =	simm.s32 @!p0 $0x0  }
0x121: {  	[hbm4b:s12+s24] =	stream.linear.scatter @!p0 [tilespmem:s25], [sflag:$0x1], $0x2710, $0x38;
	[tilespmem:$0x11900] =	vst v63  }
.Ltmp12:
0x122: {  	_ = 	snop;
	(pc) =	sbr.rel @p1 .LBB2_1-.Ltmp12, $4  }
0x123: {  	s24 =	simm.s32 @!p0 $0x1  }
0x124: {  	_ =	swait.ge @!p0 [sflag:s24], $0x2710  }
0x125: {  	[sflag:s24] =	ssyncset.done @!p0 $0x0  }
0x126: {  	[sflag:s24] =	ssyncadd.s32 @!p0 $0xFFFFD8F0  }
0x127: {  	_ =	sfence.sel $0x180000  }
0x128: {  	[bflag:$0x0] =	sbarrier.arrive $0xFFFF  }
0x129: {  	p0 =	sne.s32 s2, $0x0;
	_ =	strace $0x9000004A  }
0x12a: {  	s0 =	sadd.s32 @!p0 $0x100000, s0;
	[bflag:$0x2] =	sbarrier.arrive $0xFFFF  }
0x12b: {  	[sflag:s0] =	ssyncadd.tile.s32 @!p0 $0x1;
	_ =	shalt  }
.Lfunc_end2:
_tile_overlayer_lowered:
.L_overlay_start_2:
0x12c: {  	(tag) =	ssettag $0x2  }
0x12d: {  	s0 =	rddreg [dreg:$0x0];
	s2 =	stileid.u32  }
0x12e: {  	s1 =	rddreg [dreg:$0x1];
	p0 =	sne.s32 s2, $0x0  }
0x12f: {  	s3 =	rddreg [dreg:$0x2];
	[bflag:$0x3] =	sbarrier.arrive $0xFFFF;
	s2 =	simm.s32 @!p0 $0x1C01  }
0x130: {  	[timem:s3], [sflag:s2] =	dma.local @!p0 [hbm:s0], s1  }
0x131: {  	s0 =	simm.s32 @!p0 $0x1  }
0x132: {  	_ =	swait.ge @!p0 [sflag:s0], s1  }
0x133: {  	s1 =	ssub.s32 @!p0 $0x0, s1;
	[sflag:s0] =	ssyncset.done @!p0 $0x0  }
0x134: {  	[sflag:s0] =	ssyncadd.s32 @!p0 s1  }
0x135: {  	[bflag:$0x3] =	sbarrier.arrive $0xFFFF  }
0x136: {  	_ =	shalt  }

</sc_bundles>
